<compile_context>
chip_gen: v7x
topology: tpu7x:2x2x1
jax: 0.10.2.dev20260603
libtpu: 0.0.44.dev20260713+nightly
codegen_flags: <defaults>
</compile_context>

<pallas_src>
import functools

import jax
import jax.numpy as jnp
from jax import lax
from jax.experimental import pallas as pl
from jax.experimental.pallas import tpu as pltpu
from jax.experimental.pallas import tpu_sc as plsc

_NC = 2
_NS = 16
_NW = _NC * _NS
_PC = 8


def _sc_fused(xidx, word_table, pos_table, batch, seq):
    V, D = word_table.shape
    B = batch * seq
    p_per_w = seq // _NW
    n_chunks = p_per_w // _PC
    rows = batch * _PC
    factor = float(D) ** 0.5
    nvec = D // 16

    mesh = plsc.VectorSubcoreMesh(core_axis_name="c", subcore_axis_name="s")

    @functools.partial(
        pl.kernel,
        mesh=mesh,
        out_type=[
            jax.ShapeDtypeStruct((B, D), jnp.float32),
            jax.ShapeDtypeStruct((_NW, n_chunks, rows), jnp.int32),
        ],
        scratch_types=[
            pltpu.VMEM((n_chunks, rows), jnp.int32),
            pltpu.VMEM((n_chunks, rows), jnp.int32),
            pltpu.VMEM((rows, D), jnp.float32),
            pltpu.VMEM((rows, D), jnp.float32),
            pltpu.VMEM((rows, D), jnp.float32),
            pltpu.VMEM((rows, D), jnp.float32),
            pltpu.VMEM((_PC, D), jnp.float32),
            pltpu.VMEM((_PC, D), jnp.float32),
            pltpu.SemaphoreType.DMA,
            pltpu.SemaphoreType.DMA,
            pltpu.SemaphoreType.DMA,
            pltpu.SemaphoreType.DMA,
            pltpu.SemaphoreType.DMA,
            pltpu.SemaphoreType.DMA,
        ],
    )
    def k(x_hbm, wt_hbm, pos_hbm, out_hbm, mask_hbm,
          idx_v, mask_v, gbuf0, gbuf1, obuf0, obuf1, pbuf0, pbuf1,
          gsem0, gsem1, psem0, psem1, ssem0, ssem1):
        wid = lax.axis_index("s") * _NC + lax.axis_index("c")
        pbase = wid * p_per_w
        gbufs = (gbuf0, gbuf1)
        obufs = (obuf0, obuf1)
        pbufs = (pbuf0, pbuf1)
        gsems = (gsem0, gsem1)
        psems = (psem0, psem1)
        ssems = (ssem0, ssem1)

        pltpu.sync_copy(x_hbm.at[wid], idx_v)

        def gather_descr(c, d):
            return (
                pltpu.make_async_copy(wt_hbm.at[idx_v.at[c]], gbufs[d],
                                      gsems[d]),
                pltpu.make_async_copy(pos_hbm.at[pl.ds(pbase + c * _PC, _PC)],
                                      pbufs[d], psems[d]),
            )

        def start_chunk(c, d):
            gh, ph = gather_descr(c, d)
            gh.start()
            ph.start()

        for d in (0, 1):
            start_chunk(d, d)

        for c in range(n_chunks):
            for g in range(rows // 16):
                v = idx_v[c, pl.ds(g * 16, 16)]
                mask_v[c, pl.ds(g * 16, 16)] = jnp.where(
                    v == 0, jnp.full((16,), 1, jnp.int32),
                    jnp.full((16,), 0, jnp.int32))
        pltpu.sync_copy(mask_v, mask_hbm.at[wid])

        def store_descrs(c, d):
            return [
                pltpu.make_async_copy(
                    obufs[d].at[pl.ds(b * _PC, _PC)],
                    out_hbm.at[pl.ds(b * seq + pbase + c * _PC, _PC)],
                    ssems[d])
                for b in range(batch)
            ]

        def chunk_pair(g, carry):
            for d in (0, 1):
                c = 2 * g + d
                gh, ph = gather_descr(c, d)
                gh.wait()
                ph.wait()

                @pl.when(g > 0)
                def _():
                    for h in store_descrs(c - 2, d):
                        h.wait()

                gb = gbufs[d]
                ob = obufs[d]
                pb = pbufs[d]

                @plsc.parallel_loop(0, nvec)
                def _(kv):
                    col = pl.ds(kv * 16, 16)
                    for p in range(_PC):
                        pv = pb[p, col]
                        for b in range(batch):
                            r = b * _PC + p
                            ob[r, col] = gb[r, col] * factor + pv

                @pl.when(g < (n_chunks // 2) - 1)
                def _():
                    start_chunk(c + 2, d)

                for h in store_descrs(c, d):
                    h.start()
            return carry

        lax.fori_loop(0, n_chunks // 2, chunk_pair, 0)
        for d in (0, 1):
            for h in store_descrs(n_chunks - 2 + d, d):
                h.wait()

    return k(xidx, word_table, pos_table)


def kernel(x, word_table, pos_table):
    batch, seq = x.shape
    D = word_table.shape[1]
    p_per_w = seq // _NW
    n_chunks = p_per_w // _PC
    xidx = (x.reshape(batch, _NW, n_chunks, _PC)
             .transpose(1, 2, 0, 3)
             .reshape(_NW, n_chunks, batch * _PC))
    out, mask_i32 = _sc_fused(xidx, word_table, pos_table, batch, seq)
    mask = (mask_i32.reshape(_NW, n_chunks, batch, _PC)
            .transpose(2, 0, 1, 3)
            .reshape(batch, seq)
            .astype(jnp.bool_))
    return out.reshape(batch, seq, D), mask

# --- scband reference (transcript-rebuilt; emitter-appended) ---
"""Pipeline reference for scband-positional-word-embedding-22368189678387 (READ-ONLY COPY).

The authoritative reference and input builder live on the scoring server;
editing this copy changes nothing except your own understanding.
"""

import jax, jax.numpy as jnp
import numpy as np

VOCAB = 100000
D_MODEL = 768
MAXLEN = 2048


def _positional_encoding(maxlen, d_model):
    # Faithful to the original loop: angle = p / 10000 ** (2*i/d_model),
    # sin for even i, cos for odd i (note: exponent uses i itself, not i//2).
    p = jnp.arange(maxlen, dtype=jnp.float32)[:, None]
    i = jnp.arange(d_model, dtype=jnp.float32)[None, :]
    angle = p / jnp.power(10000.0, 2.0 * i / float(d_model))
    even = (jnp.arange(d_model)[None, :] % 2) == 0
    return jnp.where(even, jnp.sin(angle), jnp.cos(angle)).astype(jnp.float32)


def setup_inputs(seed: int = 0) -> dict:
    key = jax.random.key(seed)
    k1, k2 = jax.random.split(key)
    x = jax.random.randint(k1, (4, 2048), 0, VOCAB, dtype=jnp.int32)
    word_table = jax.random.normal(k2, (VOCAB, D_MODEL), dtype=jnp.float32) * 0.05
    pos_table = _positional_encoding(MAXLEN, D_MODEL)
    return {"x": x, "word_table": word_table, "pos_table": pos_table}


def reference(x, word_table, pos_table):
    mask = x == 0
    seq_len = x.shape[1]
    pos = jnp.arange(seq_len)
    factor = float(D_MODEL) ** 0.5
    emb = jnp.take(word_table, x, axis=0) * factor + jnp.take(pos_table, pos, axis=0)[None, :, :]
    # Dropout is identity at inference time.
    return (emb, mask)

if __name__ == "__main__":
    import jax
    _d = setup_inputs()
    print(jax.jit(kernel)(*tuple(_d.values())))

</pallas_src>

<mosaic_0001>
#map = affine_map<(d0, d1) -> (0, 0, 0)>
#map1 = affine_map<(d0, d1) -> (0, 0)>
module attributes {stable_mosaic.version = 14 : i64} {
  func.func @k(%arg0: i32, %arg1: i32, %arg2: memref<32x8x32xi32, #tpu.memory_space<hbm>>, %arg3: memref<100000x768xf32, #tpu.memory_space<hbm>>, %arg4: memref<2048x768xf32, #tpu.memory_space<hbm>>, %arg5: memref<8192x768xf32, #tpu.memory_space<hbm>>, %arg6: memref<32x8x32xi32, #tpu.memory_space<hbm>>, %arg7: memref<8x32xi32, #tpu.memory_space<vmem>>, %arg8: memref<8x32xi32, #tpu.memory_space<vmem>>, %arg9: memref<32x768xf32, #tpu.memory_space<vmem>>, %arg10: memref<32x768xf32, #tpu.memory_space<vmem>>, %arg11: memref<32x768xf32, #tpu.memory_space<vmem>>, %arg12: memref<32x768xf32, #tpu.memory_space<vmem>>, %arg13: memref<8x768xf32, #tpu.memory_space<vmem>>, %arg14: memref<8x768xf32, #tpu.memory_space<vmem>>, %arg15: memref<!tpu.dma_semaphore, #tpu.memory_space<semaphore_mem>>, %arg16: memref<!tpu.dma_semaphore, #tpu.memory_space<semaphore_mem>>, %arg17: memref<!tpu.dma_semaphore, #tpu.memory_space<semaphore_mem>>, %arg18: memref<!tpu.dma_semaphore, #tpu.memory_space<semaphore_mem>>, %arg19: memref<!tpu.dma_semaphore, #tpu.memory_space<semaphore_mem>>, %arg20: memref<!tpu.dma_semaphore, #tpu.memory_space<semaphore_mem>>) attributes {dimension_semantics = [#tpu.dimension_semantics<core_parallel>, #tpu.dimension_semantics<subcore_parallel>], iteration_bounds = array<i64: 2, 16>, scalar_prefetch = 0 : i64, scratch_operands = 14 : i64, tpu.core_type = #tpu.core_type<sc_vector_subcore>, window_params = [{transform_indices = #map}, {transform_indices = #map1}, {transform_indices = #map1}, {transform_indices = #map1}, {transform_indices = #map}]} {
    %mul3A = arith.constant 2 : i32
    %mul3A_0 = arith.muli %arg1, %mul3A : i32
    %add3A = arith.addi %mul3A_0, %arg0 : i32
    %mul3A_1 = arith.constant 64 : i32
    %mul3A_2 = arith.muli %add3A, %mul3A_1 : i32
    "tpu.region"() ({
      %run_scoped3A = tpu.sem_alloc : memref<!tpu.dma_semaphore, #tpu.memory_space<semaphore_mem>>
      %dma_start3A_443 = arith.constant 0 : i32
      %dma_start3A_444 = arith.constant 0 : i32
      %dma_start3A_445 = tpu.memref_slice %arg2[%add3A, %dma_start3A_443, %dma_start3A_444] : memref<32x8x32xi32, #tpu.memory_space<hbm>> -> memref<1x8x32xi32, #tpu.memory_space<hbm>>
      %dma_start3A_446 = tpu.memref_squeeze %dma_start3A_445 : memref<1x8x32xi32, #tpu.memory_space<hbm>> -> memref<8x32xi32, #tpu.memory_space<hbm>>
      %dma_start3A_447 = arith.constant 0 : i32
      %dma_start3A_448 = arith.constant 0 : i32
      %dma_start3A_449 = tpu.memref_slice %arg2[%add3A, %dma_start3A_447, %dma_start3A_448] : memref<32x8x32xi32, #tpu.memory_space<hbm>> -> memref<1x8x32xi32, #tpu.memory_space<hbm>>
      %dma_start3A_450 = tpu.memref_squeeze %dma_start3A_449 : memref<1x8x32xi32, #tpu.memory_space<hbm>> -> memref<8x32xi32, #tpu.memory_space<hbm>>
      tpu.enqueue_dma source(%dma_start3A_450 : memref<8x32xi32, #tpu.memory_space<hbm>>) target(%arg7 : memref<8x32xi32, #tpu.memory_space<vmem>>) target_semaphore(%run_scoped3A : memref<!tpu.dma_semaphore, #tpu.memory_space<semaphore_mem>>)
      %dma_wait3A_451 = arith.constant 0 : i32
      %dma_wait3A_452 = arith.constant 0 : i32
      %dma_wait3A_453 = tpu.memref_slice %arg2[%add3A, %dma_wait3A_451, %dma_wait3A_452] : memref<32x8x32xi32, #tpu.memory_space<hbm>> -> memref<1x8x32xi32, #tpu.memory_space<hbm>>
      %dma_wait3A_454 = tpu.memref_squeeze %dma_wait3A_453 : memref<1x8x32xi32, #tpu.memory_space<hbm>> -> memref<8x32xi32, #tpu.memory_space<hbm>>
      %dma_wait3A_455 = arith.constant 0 : i32
      %dma_wait3A_456 = arith.constant 0 : i32
      %dma_wait3A_457 = tpu.memref_slice %arg2[%add3A, %dma_wait3A_455, %dma_wait3A_456] : memref<32x8x32xi32, #tpu.memory_space<hbm>> -> memref<1x8x32xi32, #tpu.memory_space<hbm>>
      %dma_wait3A_458 = tpu.memref_squeeze %dma_wait3A_457 : memref<1x8x32xi32, #tpu.memory_space<hbm>> -> memref<8x32xi32, #tpu.memory_space<hbm>>
      tpu.wait_dma2 semaphore(%run_scoped3A : memref<!tpu.dma_semaphore, #tpu.memory_space<semaphore_mem>>) src(%dma_wait3A_458 : memref<8x32xi32, #tpu.memory_space<hbm>>) dst(%arg7 : memref<8x32xi32, #tpu.memory_space<vmem>>)
      tpu.yield
    }) : () -> ()
    %add3A_3 = arith.constant 0 : i32
    %add3A_4 = arith.addi %mul3A_2, %add3A_3 : i32
    %dma_start3A = arith.constant 0 : i32
    %dma_start3A_5 = arith.constant 0 : i32
    %dma_start3A_6 = tpu.memref_slice %arg7[%dma_start3A, %dma_start3A_5] : memref<8x32xi32, #tpu.memory_space<vmem>> -> memref<1x32xi32, #tpu.memory_space<vmem>>
    %dma_start3A_7 = tpu.memref_squeeze %dma_start3A_6 : memref<1x32xi32, #tpu.memory_space<vmem>> -> memref<32xi32, #tpu.memory_space<vmem>>
    %dma_start3A_8 = arith.constant 0 : i32
    %dma_start3A_9 = arith.constant 0 : i32
    %dma_start3A_10 = tpu.memref_slice %arg3[%dma_start3A_8, %dma_start3A_9] : memref<100000x768xf32, #tpu.memory_space<hbm>> -> memref<100000x768xf32, #tpu.memory_space<hbm>>
    tpu.enqueue_indirect_dma source(%dma_start3A_10 : memref<100000x768xf32, #tpu.memory_space<hbm>>) target(%arg9 : memref<32x768xf32, #tpu.memory_space<vmem>>) offsets(%dma_start3A_7 : memref<32xi32, #tpu.memory_space<vmem>>) semaphore(%arg15 : memref<!tpu.dma_semaphore, #tpu.memory_space<semaphore_mem>>)
    %dma_start3A_11 = arith.constant 0 : i32
    %dma_start3A_12 = tpu.memref_slice %arg4[%add3A_4, %dma_start3A_11] : memref<2048x768xf32, #tpu.memory_space<hbm>> -> memref<8x768xf32, #tpu.memory_space<hbm>>
    %dma_start3A_13 = arith.constant 0 : i32
    %dma_start3A_14 = tpu.memref_slice %arg4[%add3A_4, %dma_start3A_13] : memref<2048x768xf32, #tpu.memory_space<hbm>> -> memref<8x768xf32, #tpu.memory_space<hbm>>
    tpu.enqueue_dma source(%dma_start3A_14 : memref<8x768xf32, #tpu.memory_space<hbm>>) target(%arg13 : memref<8x768xf32, #tpu.memory_space<vmem>>) target_semaphore(%arg17 : memref<!tpu.dma_semaphore, #tpu.memory_space<semaphore_mem>>)
    %add3A_15 = arith.constant 8 : i32
    %add3A_16 = arith.addi %mul3A_2, %add3A_15 : i32
    %dma_start3A_17 = arith.constant 1 : i32
    %dma_start3A_18 = arith.constant 0 : i32
    %dma_start3A_19 = tpu.memref_slice %arg7[%dma_start3A_17, %dma_start3A_18] : memref<8x32xi32, #tpu.memory_space<vmem>> -> memref<1x32xi32, #tpu.memory_space<vmem>>
    %dma_start3A_20 = tpu.memref_squeeze %dma_start3A_19 : memref<1x32xi32, #tpu.memory_space<vmem>> -> memref<32xi32, #tpu.memory_space<vmem>>
    %dma_start3A_21 = arith.constant 0 : i32
    %dma_start3A_22 = arith.constant 0 : i32
    %dma_start3A_23 = tpu.memref_slice %arg3[%dma_start3A_21, %dma_start3A_22] : memref<100000x768xf32, #tpu.memory_space<hbm>> -> memref<100000x768xf32, #tpu.memory_space<hbm>>
    tpu.enqueue_indirect_dma source(%dma_start3A_23 : memref<100000x768xf32, #tpu.memory_space<hbm>>) target(%arg10 : memref<32x768xf32, #tpu.memory_space<vmem>>) offsets(%dma_start3A_20 : memref<32xi32, #tpu.memory_space<vmem>>) semaphore(%arg16 : memref<!tpu.dma_semaphore, #tpu.memory_space<semaphore_mem>>)
    %dma_start3A_24 = arith.constant 0 : i32
    %dma_start3A_25 = tpu.memref_slice %arg4[%add3A_16, %dma_start3A_24] : memref<2048x768xf32, #tpu.memory_space<hbm>> -> memref<8x768xf32, #tpu.memory_space<hbm>>
    %dma_start3A_26 = arith.constant 0 : i32
    %dma_start3A_27 = tpu.memref_slice %arg4[%add3A_16, %dma_start3A_26] : memref<2048x768xf32, #tpu.memory_space<hbm>> -> memref<8x768xf32, #tpu.memory_space<hbm>>
    tpu.enqueue_dma source(%dma_start3A_27 : memref<8x768xf32, #tpu.memory_space<hbm>>) target(%arg14 : memref<8x768xf32, #tpu.memory_space<vmem>>) target_semaphore(%arg18 : memref<!tpu.dma_semaphore, #tpu.memory_space<semaphore_mem>>)
    %get3A = arith.constant 0 : i32
    %get3A_28 = arith.index_cast %get3A : i32 to index
    %get3A_29 = arith.constant 0 : index
    %get3A_30 = tpu.vector_load %arg7[%get3A_28, %get3A_29] {strides = array<i32>} : memref<8x32xi32, #tpu.memory_space<vmem>>, vector<1x16xi32>,
    %get3A_31 = vector.shape_cast %get3A_30 : vector<1x16xi32> to vector<16xi32>
    %eq3A = arith.constant 0 : i32
    %eq3A_32 = vector.broadcast %eq3A : i32 to vector<16xi32>
    %eq3A_33 = arith.cmpi eq, %get3A_31, %eq3A_32 : vector<16xi32>
    %broadcast_in_dim3A = arith.constant 1 : i32
    %broadcast_in_dim3A_34 = vector.broadcast %broadcast_in_dim3A : i32 to vector<16xi32>
    %broadcast_in_dim3A_35 = arith.constant 0 : i32
    %broadcast_in_dim3A_36 = vector.broadcast %broadcast_in_dim3A_35 : i32 to vector<16xi32>
    %select_n3A = arith.select %eq3A_33, %broadcast_in_dim3A_34, %broadcast_in_dim3A_36 : vector<16xi1>, vector<16xi32>
    %swap3A = arith.constant 0 : i32
    %swap3A_37 = arith.index_cast %swap3A : i32 to index
    %swap3A_38 = arith.constant 0 : index
    %swap3A_39 = tpu.vector_load %arg8[%swap3A_37, %swap3A_38] {strides = array<i32>} : memref<8x32xi32, #tpu.memory_space<vmem>>, vector<1x16xi32>,
    %swap3A_40 = vector.shape_cast %swap3A_39 : vector<1x16xi32> to vector<16xi32>
    %swap3A_41 = vector.shape_cast %select_n3A : vector<16xi32> to vector<1x16xi32>
    tpu.vector_store %arg8[%swap3A_37, %swap3A_38], %swap3A_41 {strides = array<i32>} : memref<8x32xi32, #tpu.memory_space<vmem>>, vector<1x16xi32>,
    %get3A_42 = arith.constant 0 : i32
    %get3A_43 = arith.index_cast %get3A_42 : i32 to index
    %get3A_44 = arith.constant 16 : index
    %get3A_45 = tpu.vector_load %arg7[%get3A_43, %get3A_44] {strides = array<i32>} : memref<8x32xi32, #tpu.memory_space<vmem>>, vector<1x16xi32>,
    %get3A_46 = vector.shape_cast %get3A_45 : vector<1x16xi32> to vector<16xi32>
    %eq3A_47 = arith.constant 0 : i32
    %eq3A_48 = vector.broadcast %eq3A_47 : i32 to vector<16xi32>
    %eq3A_49 = arith.cmpi eq, %get3A_46, %eq3A_48 : vector<16xi32>
    %broadcast_in_dim3A_50 = arith.constant 1 : i32
    %broadcast_in_dim3A_51 = vector.broadcast %broadcast_in_dim3A_50 : i32 to vector<16xi32>
    %broadcast_in_dim3A_52 = arith.constant 0 : i32
    %broadcast_in_dim3A_53 = vector.broadcast %broadcast_in_dim3A_52 : i32 to vector<16xi32>
    %select_n3A_54 = arith.select %eq3A_49, %broadcast_in_dim3A_51, %broadcast_in_dim3A_53 : vector<16xi1>, vector<16xi32>
    %swap3A_55 = arith.constant 0 : i32
    %swap3A_56 = arith.index_cast %swap3A_55 : i32 to index
    %swap3A_57 = arith.constant 16 : index
    %swap3A_58 = tpu.vector_load %arg8[%swap3A_56, %swap3A_57] {strides = array<i32>} : memref<8x32xi32, #tpu.memory_space<vmem>>, vector<1x16xi32>,
    %swap3A_59 = vector.shape_cast %swap3A_58 : vector<1x16xi32> to vector<16xi32>
    %swap3A_60 = vector.shape_cast %select_n3A_54 : vector<16xi32> to vector<1x16xi32>
    tpu.vector_store %arg8[%swap3A_56, %swap3A_57], %swap3A_60 {strides = array<i32>} : memref<8x32xi32, #tpu.memory_space<vmem>>, vector<1x16xi32>,
    %get3A_61 = arith.constant 1 : i32
    %get3A_62 = arith.index_cast %get3A_61 : i32 to index
    %get3A_63 = arith.constant 0 : index
    %get3A_64 = tpu.vector_load %arg7[%get3A_62, %get3A_63] {strides = array<i32>} : memref<8x32xi32, #tpu.memory_space<vmem>>, vector<1x16xi32>,
    %get3A_65 = vector.shape_cast %get3A_64 : vector<1x16xi32> to vector<16xi32>
    %eq3A_66 = arith.constant 0 : i32
    %eq3A_67 = vector.broadcast %eq3A_66 : i32 to vector<16xi32>
    %eq3A_68 = arith.cmpi eq, %get3A_65, %eq3A_67 : vector<16xi32>
    %broadcast_in_dim3A_69 = arith.constant 1 : i32
    %broadcast_in_dim3A_70 = vector.broadcast %broadcast_in_dim3A_69 : i32 to vector<16xi32>
    %broadcast_in_dim3A_71 = arith.constant 0 : i32
    %broadcast_in_dim3A_72 = vector.broadcast %broadcast_in_dim3A_71 : i32 to vector<16xi32>
    %select_n3A_73 = arith.select %eq3A_68, %broadcast_in_dim3A_70, %broadcast_in_dim3A_72 : vector<16xi1>, vector<16xi32>
    %swap3A_74 = arith.constant 1 : i32
    %swap3A_75 = arith.index_cast %swap3A_74 : i32 to index
    %swap3A_76 = arith.constant 0 : index
    %swap3A_77 = tpu.vector_load %arg8[%swap3A_75, %swap3A_76] {strides = array<i32>} : memref<8x32xi32, #tpu.memory_space<vmem>>, vector<1x16xi32>,
    %swap3A_78 = vector.shape_cast %swap3A_77 : vector<1x16xi32> to vector<16xi32>
    %swap3A_79 = vector.shape_cast %select_n3A_73 : vector<16xi32> to vector<1x16xi32>
    tpu.vector_store %arg8[%swap3A_75, %swap3A_76], %swap3A_79 {strides = array<i32>} : memref<8x32xi32, #tpu.memory_space<vmem>>, vector<1x16xi32>,
    %get3A_80 = arith.constant 1 : i32
    %get3A_81 = arith.index_cast %get3A_80 : i32 to index
    %get3A_82 = arith.constant 16 : index
    %get3A_83 = tpu.vector_load %arg7[%get3A_81, %get3A_82] {strides = array<i32>} : memref<8x32xi32, #tpu.memory_space<vmem>>, vector<1x16xi32>,
    %get3A_84 = vector.shape_cast %get3A_83 : vector<1x16xi32> to vector<16xi32>
    %eq3A_85 = arith.constant 0 : i32
    %eq3A_86 = vector.broadcast %eq3A_85 : i32 to vector<16xi32>
    %eq3A_87 = arith.cmpi eq, %get3A_84, %eq3A_86 : vector<16xi32>
    %broadcast_in_dim3A_88 = arith.constant 1 : i32
    %broadcast_in_dim3A_89 = vector.broadcast %broadcast_in_dim3A_88 : i32 to vector<16xi32>
    %broadcast_in_dim3A_90 = arith.constant 0 : i32
    %broadcast_in_dim3A_91 = vector.broadcast %broadcast_in_dim3A_90 : i32 to vector<16xi32>
    %select_n3A_92 = arith.select %eq3A_87, %broadcast_in_dim3A_89, %broadcast_in_dim3A_91 : vector<16xi1>, vector<16xi32>
    %swap3A_93 = arith.constant 1 : i32
    %swap3A_94 = arith.index_cast %swap3A_93 : i32 to index
    %swap3A_95 = arith.constant 16 : index
    %swap3A_96 = tpu.vector_load %arg8[%swap3A_94, %swap3A_95] {strides = array<i32>} : memref<8x32xi32, #tpu.memory_space<vmem>>, vector<1x16xi32>,
    %swap3A_97 = vector.shape_cast %swap3A_96 : vector<1x16xi32> to vector<16xi32>
    %swap3A_98 = vector.shape_cast %select_n3A_92 : vector<16xi32> to vector<1x16xi32>
    tpu.vector_store %arg8[%swap3A_94, %swap3A_95], %swap3A_98 {strides = array<i32>} : memref<8x32xi32, #tpu.memory_space<vmem>>, vector<1x16xi32>,
    %get3A_99 = arith.constant 2 : i32
    %get3A_100 = arith.index_cast %get3A_99 : i32 to index
    %get3A_101 = arith.constant 0 : index
    %get3A_102 = tpu.vector_load %arg7[%get3A_100, %get3A_101] {strides = array<i32>} : memref<8x32xi32, #tpu.memory_space<vmem>>, vector<1x16xi32>,
    %get3A_103 = vector.shape_cast %get3A_102 : vector<1x16xi32> to vector<16xi32>
    %eq3A_104 = arith.constant 0 : i32
    %eq3A_105 = vector.broadcast %eq3A_104 : i32 to vector<16xi32>
    %eq3A_106 = arith.cmpi eq, %get3A_103, %eq3A_105 : vector<16xi32>
    %broadcast_in_dim3A_107 = arith.constant 1 : i32
    %broadcast_in_dim3A_108 = vector.broadcast %broadcast_in_dim3A_107 : i32 to vector<16xi32>
    %broadcast_in_dim3A_109 = arith.constant 0 : i32
    %broadcast_in_dim3A_110 = vector.broadcast %broadcast_in_dim3A_109 : i32 to vector<16xi32>
    %select_n3A_111 = arith.select %eq3A_106, %broadcast_in_dim3A_108, %broadcast_in_dim3A_110 : vector<16xi1>, vector<16xi32>
    %swap3A_112 = arith.constant 2 : i32
    %swap3A_113 = arith.index_cast %swap3A_112 : i32 to index
    %swap3A_114 = arith.constant 0 : index
    %swap3A_115 = tpu.vector_load %arg8[%swap3A_113, %swap3A_114] {strides = array<i32>} : memref<8x32xi32, #tpu.memory_space<vmem>>, vector<1x16xi32>,
    %swap3A_116 = vector.shape_cast %swap3A_115 : vector<1x16xi32> to vector<16xi32>
    %swap3A_117 = vector.shape_cast %select_n3A_111 : vector<16xi32> to vector<1x16xi32>
    tpu.vector_store %arg8[%swap3A_113, %swap3A_114], %swap3A_117 {strides = array<i32>} : memref<8x32xi32, #tpu.memory_space<vmem>>, vector<1x16xi32>,
    %get3A_118 = arith.constant 2 : i32
    %get3A_119 = arith.index_cast %get3A_118 : i32 to index
    %get3A_120 = arith.constant 16 : index
    %get3A_121 = tpu.vector_load %arg7[%get3A_119, %get3A_120] {strides = array<i32>} : memref<8x32xi32, #tpu.memory_space<vmem>>, vector<1x16xi32>,
    %get3A_122 = vector.shape_cast %get3A_121 : vector<1x16xi32> to vector<16xi32>
    %eq3A_123 = arith.constant 0 : i32
    %eq3A_124 = vector.broadcast %eq3A_123 : i32 to vector<16xi32>
    %eq3A_125 = arith.cmpi eq, %get3A_122, %eq3A_124 : vector<16xi32>
    %broadcast_in_dim3A_126 = arith.constant 1 : i32
    %broadcast_in_dim3A_127 = vector.broadcast %broadcast_in_dim3A_126 : i32 to vector<16xi32>
    %broadcast_in_dim3A_128 = arith.constant 0 : i32
    %broadcast_in_dim3A_129 = vector.broadcast %broadcast_in_dim3A_128 : i32 to vector<16xi32>
    %select_n3A_130 = arith.select %eq3A_125, %broadcast_in_dim3A_127, %broadcast_in_dim3A_129 : vector<16xi1>, vector<16xi32>
    %swap3A_131 = arith.constant 2 : i32
    %swap3A_132 = arith.index_cast %swap3A_131 : i32 to index
    %swap3A_133 = arith.constant 16 : index
    %swap3A_134 = tpu.vector_load %arg8[%swap3A_132, %swap3A_133] {strides = array<i32>} : memref<8x32xi32, #tpu.memory_space<vmem>>, vector<1x16xi32>,
    %swap3A_135 = vector.shape_cast %swap3A_134 : vector<1x16xi32> to vector<16xi32>
    %swap3A_136 = vector.shape_cast %select_n3A_130 : vector<16xi32> to vector<1x16xi32>
    tpu.vector_store %arg8[%swap3A_132, %swap3A_133], %swap3A_136 {strides = array<i32>} : memref<8x32xi32, #tpu.memory_space<vmem>>, vector<1x16xi32>,
    %get3A_137 = arith.constant 3 : i32
    %get3A_138 = arith.index_cast %get3A_137 : i32 to index
    %get3A_139 = arith.constant 0 : index
    %get3A_140 = tpu.vector_load %arg7[%get3A_138, %get3A_139] {strides = array<i32>} : memref<8x32xi32, #tpu.memory_space<vmem>>, vector<1x16xi32>,
    %get3A_141 = vector.shape_cast %get3A_140 : vector<1x16xi32> to vector<16xi32>
    %eq3A_142 = arith.constant 0 : i32
    %eq3A_143 = vector.broadcast %eq3A_142 : i32 to vector<16xi32>
    %eq3A_144 = arith.cmpi eq, %get3A_141, %eq3A_143 : vector<16xi32>
    %broadcast_in_dim3A_145 = arith.constant 1 : i32
    %broadcast_in_dim3A_146 = vector.broadcast %broadcast_in_dim3A_145 : i32 to vector<16xi32>
    %broadcast_in_dim3A_147 = arith.constant 0 : i32
    %broadcast_in_dim3A_148 = vector.broadcast %broadcast_in_dim3A_147 : i32 to vector<16xi32>
    %select_n3A_149 = arith.select %eq3A_144, %broadcast_in_dim3A_146, %broadcast_in_dim3A_148 : vector<16xi1>, vector<16xi32>
    %swap3A_150 = arith.constant 3 : i32
    %swap3A_151 = arith.index_cast %swap3A_150 : i32 to index
    %swap3A_152 = arith.constant 0 : index
    %swap3A_153 = tpu.vector_load %arg8[%swap3A_151, %swap3A_152] {strides = array<i32>} : memref<8x32xi32, #tpu.memory_space<vmem>>, vector<1x16xi32>,
    %swap3A_154 = vector.shape_cast %swap3A_153 : vector<1x16xi32> to vector<16xi32>
    %swap3A_155 = vector.shape_cast %select_n3A_149 : vector<16xi32> to vector<1x16xi32>
    tpu.vector_store %arg8[%swap3A_151, %swap3A_152], %swap3A_155 {strides = array<i32>} : memref<8x32xi32, #tpu.memory_space<vmem>>, vector<1x16xi32>,
    %get3A_156 = arith.constant 3 : i32
    %get3A_157 = arith.index_cast %get3A_156 : i32 to index
    %get3A_158 = arith.constant 16 : index
    %get3A_159 = tpu.vector_load %arg7[%get3A_157, %get3A_158] {strides = array<i32>} : memref<8x32xi32, #tpu.memory_space<vmem>>, vector<1x16xi32>,
    %get3A_160 = vector.shape_cast %get3A_159 : vector<1x16xi32> to vector<16xi32>
    %eq3A_161 = arith.constant 0 : i32
    %eq3A_162 = vector.broadcast %eq3A_161 : i32 to vector<16xi32>
    %eq3A_163 = arith.cmpi eq, %get3A_160, %eq3A_162 : vector<16xi32>
    %broadcast_in_dim3A_164 = arith.constant 1 : i32
    %broadcast_in_dim3A_165 = vector.broadcast %broadcast_in_dim3A_164 : i32 to vector<16xi32>
    %broadcast_in_dim3A_166 = arith.constant 0 : i32
    %broadcast_in_dim3A_167 = vector.broadcast %broadcast_in_dim3A_166 : i32 to vector<16xi32>
    %select_n3A_168 = arith.select %eq3A_163, %broadcast_in_dim3A_165, %broadcast_in_dim3A_167 : vector<16xi1>, vector<16xi32>
    %swap3A_169 = arith.constant 3 : i32
    %swap3A_170 = arith.index_cast %swap3A_169 : i32 to index
    %swap3A_171 = arith.constant 16 : index
    %swap3A_172 = tpu.vector_load %arg8[%swap3A_170, %swap3A_171] {strides = array<i32>} : memref<8x32xi32, #tpu.memory_space<vmem>>, vector<1x16xi32>,
    %swap3A_173 = vector.shape_cast %swap3A_172 : vector<1x16xi32> to vector<16xi32>
    %swap3A_174 = vector.shape_cast %select_n3A_168 : vector<16xi32> to vector<1x16xi32>
    tpu.vector_store %arg8[%swap3A_170, %swap3A_171], %swap3A_174 {strides = array<i32>} : memref<8x32xi32, #tpu.memory_space<vmem>>, vector<1x16xi32>,
    %get3A_175 = arith.constant 4 : i32
    %get3A_176 = arith.index_cast %get3A_175 : i32 to index
    %get3A_177 = arith.constant 0 : index
    %get3A_178 = tpu.vector_load %arg7[%get3A_176, %get3A_177] {strides = array<i32>} : memref<8x32xi32, #tpu.memory_space<vmem>>, vector<1x16xi32>,
    %get3A_179 = vector.shape_cast %get3A_178 : vector<1x16xi32> to vector<16xi32>
    %eq3A_180 = arith.constant 0 : i32
    %eq3A_181 = vector.broadcast %eq3A_180 : i32 to vector<16xi32>
    %eq3A_182 = arith.cmpi eq, %get3A_179, %eq3A_181 : vector<16xi32>
    %broadcast_in_dim3A_183 = arith.constant 1 : i32
    %broadcast_in_dim3A_184 = vector.broadcast %broadcast_in_dim3A_183 : i32 to vector<16xi32>
    %broadcast_in_dim3A_185 = arith.constant 0 : i32
    %broadcast_in_dim3A_186 = vector.broadcast %broadcast_in_dim3A_185 : i32 to vector<16xi32>
    %select_n3A_187 = arith.select %eq3A_182, %broadcast_in_dim3A_184, %broadcast_in_dim3A_186 : vector<16xi1>, vector<16xi32>
    %swap3A_188 = arith.constant 4 : i32
    %swap3A_189 = arith.index_cast %swap3A_188 : i32 to index
    %swap3A_190 = arith.constant 0 : index
    %swap3A_191 = tpu.vector_load %arg8[%swap3A_189, %swap3A_190] {strides = array<i32>} : memref<8x32xi32, #tpu.memory_space<vmem>>, vector<1x16xi32>,
    %swap3A_192 = vector.shape_cast %swap3A_191 : vector<1x16xi32> to vector<16xi32>
    %swap3A_193 = vector.shape_cast %select_n3A_187 : vector<16xi32> to vector<1x16xi32>
    tpu.vector_store %arg8[%swap3A_189, %swap3A_190], %swap3A_193 {strides = array<i32>} : memref<8x32xi32, #tpu.memory_space<vmem>>, vector<1x16xi32>,
    %get3A_194 = arith.constant 4 : i32
    %get3A_195 = arith.index_cast %get3A_194 : i32 to index
    %get3A_196 = arith.constant 16 : index
    %get3A_197 = tpu.vector_load %arg7[%get3A_195, %get3A_196] {strides = array<i32>} : memref<8x32xi32, #tpu.memory_space<vmem>>, vector<1x16xi32>,
    %get3A_198 = vector.shape_cast %get3A_197 : vector<1x16xi32> to vector<16xi32>
    %eq3A_199 = arith.constant 0 : i32
    %eq3A_200 = vector.broadcast %eq3A_199 : i32 to vector<16xi32>
    %eq3A_201 = arith.cmpi eq, %get3A_198, %eq3A_200 : vector<16xi32>
    %broadcast_in_dim3A_202 = arith.constant 1 : i32
    %broadcast_in_dim3A_203 = vector.broadcast %broadcast_in_dim3A_202 : i32 to vector<16xi32>
    %broadcast_in_dim3A_204 = arith.constant 0 : i32
    %broadcast_in_dim3A_205 = vector.broadcast %broadcast_in_dim3A_204 : i32 to vector<16xi32>
    %select_n3A_206 = arith.select %eq3A_201, %broadcast_in_dim3A_203, %broadcast_in_dim3A_205 : vector<16xi1>, vector<16xi32>
    %swap3A_207 = arith.constant 4 : i32
    %swap3A_208 = arith.index_cast %swap3A_207 : i32 to index
    %swap3A_209 = arith.constant 16 : index
    %swap3A_210 = tpu.vector_load %arg8[%swap3A_208, %swap3A_209] {strides = array<i32>} : memref<8x32xi32, #tpu.memory_space<vmem>>, vector<1x16xi32>,
    %swap3A_211 = vector.shape_cast %swap3A_210 : vector<1x16xi32> to vector<16xi32>
    %swap3A_212 = vector.shape_cast %select_n3A_206 : vector<16xi32> to vector<1x16xi32>
    tpu.vector_store %arg8[%swap3A_208, %swap3A_209], %swap3A_212 {strides = array<i32>} : memref<8x32xi32, #tpu.memory_space<vmem>>, vector<1x16xi32>,
    %get3A_213 = arith.constant 5 : i32
    %get3A_214 = arith.index_cast %get3A_213 : i32 to index
    %get3A_215 = arith.constant 0 : index
    %get3A_216 = tpu.vector_load %arg7[%get3A_214, %get3A_215] {strides = array<i32>} : memref<8x32xi32, #tpu.memory_space<vmem>>, vector<1x16xi32>,
    %get3A_217 = vector.shape_cast %get3A_216 : vector<1x16xi32> to vector<16xi32>
    %eq3A_218 = arith.constant 0 : i32
    %eq3A_219 = vector.broadcast %eq3A_218 : i32 to vector<16xi32>
    %eq3A_220 = arith.cmpi eq, %get3A_217, %eq3A_219 : vector<16xi32>
    %broadcast_in_dim3A_221 = arith.constant 1 : i32
    %broadcast_in_dim3A_222 = vector.broadcast %broadcast_in_dim3A_221 : i32 to vector<16xi32>
    %broadcast_in_dim3A_223 = arith.constant 0 : i32
    %broadcast_in_dim3A_224 = vector.broadcast %broadcast_in_dim3A_223 : i32 to vector<16xi32>
    %select_n3A_225 = arith.select %eq3A_220, %broadcast_in_dim3A_222, %broadcast_in_dim3A_224 : vector<16xi1>, vector<16xi32>
    %swap3A_226 = arith.constant 5 : i32
    %swap3A_227 = arith.index_cast %swap3A_226 : i32 to index
    %swap3A_228 = arith.constant 0 : index
    %swap3A_229 = tpu.vector_load %arg8[%swap3A_227, %swap3A_228] {strides = array<i32>} : memref<8x32xi32, #tpu.memory_space<vmem>>, vector<1x16xi32>,
    %swap3A_230 = vector.shape_cast %swap3A_229 : vector<1x16xi32> to vector<16xi32>
    %swap3A_231 = vector.shape_cast %select_n3A_225 : vector<16xi32> to vector<1x16xi32>
    tpu.vector_store %arg8[%swap3A_227, %swap3A_228], %swap3A_231 {strides = array<i32>} : memref<8x32xi32, #tpu.memory_space<vmem>>, vector<1x16xi32>,
    %get3A_232 = arith.constant 5 : i32
    %get3A_233 = arith.index_cast %get3A_232 : i32 to index
    %get3A_234 = arith.constant 16 : index
    %get3A_235 = tpu.vector_load %arg7[%get3A_233, %get3A_234] {strides = array<i32>} : memref<8x32xi32, #tpu.memory_space<vmem>>, vector<1x16xi32>,
    %get3A_236 = vector.shape_cast %get3A_235 : vector<1x16xi32> to vector<16xi32>
    %eq3A_237 = arith.constant 0 : i32
    %eq3A_238 = vector.broadcast %eq3A_237 : i32 to vector<16xi32>
    %eq3A_239 = arith.cmpi eq, %get3A_236, %eq3A_238 : vector<16xi32>
    %broadcast_in_dim3A_240 = arith.constant 1 : i32
    %broadcast_in_dim3A_241 = vector.broadcast %broadcast_in_dim3A_240 : i32 to vector<16xi32>
    %broadcast_in_dim3A_242 = arith.constant 0 : i32
    %broadcast_in_dim3A_243 = vector.broadcast %broadcast_in_dim3A_242 : i32 to vector<16xi32>
    %select_n3A_244 = arith.select %eq3A_239, %broadcast_in_dim3A_241, %broadcast_in_dim3A_243 : vector<16xi1>, vector<16xi32>
    %swap3A_245 = arith.constant 5 : i32
    %swap3A_246 = arith.index_cast %swap3A_245 : i32 to index
    %swap3A_247 = arith.constant 16 : index
    %swap3A_248 = tpu.vector_load %arg8[%swap3A_246, %swap3A_247] {strides = array<i32>} : memref<8x32xi32, #tpu.memory_space<vmem>>, vector<1x16xi32>,
    %swap3A_249 = vector.shape_cast %swap3A_248 : vector<1x16xi32> to vector<16xi32>
    %swap3A_250 = vector.shape_cast %select_n3A_244 : vector<16xi32> to vector<1x16xi32>
    tpu.vector_store %arg8[%swap3A_246, %swap3A_247], %swap3A_250 {strides = array<i32>} : memref<8x32xi32, #tpu.memory_space<vmem>>, vector<1x16xi32>,
    %get3A_251 = arith.constant 6 : i32
    %get3A_252 = arith.index_cast %get3A_251 : i32 to index
    %get3A_253 = arith.constant 0 : index
    %get3A_254 = tpu.vector_load %arg7[%get3A_252, %get3A_253] {strides = array<i32>} : memref<8x32xi32, #tpu.memory_space<vmem>>, vector<1x16xi32>,
    %get3A_255 = vector.shape_cast %get3A_254 : vector<1x16xi32> to vector<16xi32>
    %eq3A_256 = arith.constant 0 : i32
    %eq3A_257 = vector.broadcast %eq3A_256 : i32 to vector<16xi32>
    %eq3A_258 = arith.cmpi eq, %get3A_255, %eq3A_257 : vector<16xi32>
    %broadcast_in_dim3A_259 = arith.constant 1 : i32
    %broadcast_in_dim3A_260 = vector.broadcast %broadcast_in_dim3A_259 : i32 to vector<16xi32>
    %broadcast_in_dim3A_261 = arith.constant 0 : i32
    %broadcast_in_dim3A_262 = vector.broadcast %broadcast_in_dim3A_261 : i32 to vector<16xi32>
    %select_n3A_263 = arith.select %eq3A_258, %broadcast_in_dim3A_260, %broadcast_in_dim3A_262 : vector<16xi1>, vector<16xi32>
    %swap3A_264 = arith.constant 6 : i32
    %swap3A_265 = arith.index_cast %swap3A_264 : i32 to index
    %swap3A_266 = arith.constant 0 : index
    %swap3A_267 = tpu.vector_load %arg8[%swap3A_265, %swap3A_266] {strides = array<i32>} : memref<8x32xi32, #tpu.memory_space<vmem>>, vector<1x16xi32>,
    %swap3A_268 = vector.shape_cast %swap3A_267 : vector<1x16xi32> to vector<16xi32>
    %swap3A_269 = vector.shape_cast %select_n3A_263 : vector<16xi32> to vector<1x16xi32>
    tpu.vector_store %arg8[%swap3A_265, %swap3A_266], %swap3A_269 {strides = array<i32>} : memref<8x32xi32, #tpu.memory_space<vmem>>, vector<1x16xi32>,
    %get3A_270 = arith.constant 6 : i32
    %get3A_271 = arith.index_cast %get3A_270 : i32 to index
    %get3A_272 = arith.constant 16 : index
    %get3A_273 = tpu.vector_load %arg7[%get3A_271, %get3A_272] {strides = array<i32>} : memref<8x32xi32, #tpu.memory_space<vmem>>, vector<1x16xi32>,
    %get3A_274 = vector.shape_cast %get3A_273 : vector<1x16xi32> to vector<16xi32>
    %eq3A_275 = arith.constant 0 : i32
    %eq3A_276 = vector.broadcast %eq3A_275 : i32 to vector<16xi32>
    %eq3A_277 = arith.cmpi eq, %get3A_274, %eq3A_276 : vector<16xi32>
    %broadcast_in_dim3A_278 = arith.constant 1 : i32
    %broadcast_in_dim3A_279 = vector.broadcast %broadcast_in_dim3A_278 : i32 to vector<16xi32>
    %broadcast_in_dim3A_280 = arith.constant 0 : i32
    %broadcast_in_dim3A_281 = vector.broadcast %broadcast_in_dim3A_280 : i32 to vector<16xi32>
    %select_n3A_282 = arith.select %eq3A_277, %broadcast_in_dim3A_279, %broadcast_in_dim3A_281 : vector<16xi1>, vector<16xi32>
    %swap3A_283 = arith.constant 6 : i32
    %swap3A_284 = arith.index_cast %swap3A_283 : i32 to index
    %swap3A_285 = arith.constant 16 : index
    %swap3A_286 = tpu.vector_load %arg8[%swap3A_284, %swap3A_285] {strides = array<i32>} : memref<8x32xi32, #tpu.memory_space<vmem>>, vector<1x16xi32>,
    %swap3A_287 = vector.shape_cast %swap3A_286 : vector<1x16xi32> to vector<16xi32>
    %swap3A_288 = vector.shape_cast %select_n3A_282 : vector<16xi32> to vector<1x16xi32>
    tpu.vector_store %arg8[%swap3A_284, %swap3A_285], %swap3A_288 {strides = array<i32>} : memref<8x32xi32, #tpu.memory_space<vmem>>, vector<1x16xi32>,
    %get3A_289 = arith.constant 7 : i32
    %get3A_290 = arith.index_cast %get3A_289 : i32 to index
    %get3A_291 = arith.constant 0 : index
    %get3A_292 = tpu.vector_load %arg7[%get3A_290, %get3A_291] {strides = array<i32>} : memref<8x32xi32, #tpu.memory_space<vmem>>, vector<1x16xi32>,
    %get3A_293 = vector.shape_cast %get3A_292 : vector<1x16xi32> to vector<16xi32>
    %eq3A_294 = arith.constant 0 : i32
    %eq3A_295 = vector.broadcast %eq3A_294 : i32 to vector<16xi32>
    %eq3A_296 = arith.cmpi eq, %get3A_293, %eq3A_295 : vector<16xi32>
    %broadcast_in_dim3A_297 = arith.constant 1 : i32
    %broadcast_in_dim3A_298 = vector.broadcast %broadcast_in_dim3A_297 : i32 to vector<16xi32>
    %broadcast_in_dim3A_299 = arith.constant 0 : i32
    %broadcast_in_dim3A_300 = vector.broadcast %broadcast_in_dim3A_299 : i32 to vector<16xi32>
    %select_n3A_301 = arith.select %eq3A_296, %broadcast_in_dim3A_298, %broadcast_in_dim3A_300 : vector<16xi1>, vector<16xi32>
    %swap3A_302 = arith.constant 7 : i32
    %swap3A_303 = arith.index_cast %swap3A_302 : i32 to index
    %swap3A_304 = arith.constant 0 : index
    %swap3A_305 = tpu.vector_load %arg8[%swap3A_303, %swap3A_304] {strides = array<i32>} : memref<8x32xi32, #tpu.memory_space<vmem>>, vector<1x16xi32>,
    %swap3A_306 = vector.shape_cast %swap3A_305 : vector<1x16xi32> to vector<16xi32>
    %swap3A_307 = vector.shape_cast %select_n3A_301 : vector<16xi32> to vector<1x16xi32>
    tpu.vector_store %arg8[%swap3A_303, %swap3A_304], %swap3A_307 {strides = array<i32>} : memref<8x32xi32, #tpu.memory_space<vmem>>, vector<1x16xi32>,
    %get3A_308 = arith.constant 7 : i32
    %get3A_309 = arith.index_cast %get3A_308 : i32 to index
    %get3A_310 = arith.constant 16 : index
    %get3A_311 = tpu.vector_load %arg7[%get3A_309, %get3A_310] {strides = array<i32>} : memref<8x32xi32, #tpu.memory_space<vmem>>, vector<1x16xi32>,
    %get3A_312 = vector.shape_cast %get3A_311 : vector<1x16xi32> to vector<16xi32>
    %eq3A_313 = arith.constant 0 : i32
    %eq3A_314 = vector.broadcast %eq3A_313 : i32 to vector<16xi32>
    %eq3A_315 = arith.cmpi eq, %get3A_312, %eq3A_314 : vector<16xi32>
    %broadcast_in_dim3A_316 = arith.constant 1 : i32
    %broadcast_in_dim3A_317 = vector.broadcast %broadcast_in_dim3A_316 : i32 to vector<16xi32>
    %broadcast_in_dim3A_318 = arith.constant 0 : i32
    %broadcast_in_dim3A_319 = vector.broadcast %broadcast_in_dim3A_318 : i32 to vector<16xi32>
    %select_n3A_320 = arith.select %eq3A_315, %broadcast_in_dim3A_317, %broadcast_in_dim3A_319 : vector<16xi1>, vector<16xi32>
    %swap3A_321 = arith.constant 7 : i32
    %swap3A_322 = arith.index_cast %swap3A_321 : i32 to index
    %swap3A_323 = arith.constant 16 : index
    %swap3A_324 = tpu.vector_load %arg8[%swap3A_322, %swap3A_323] {strides = array<i32>} : memref<8x32xi32, #tpu.memory_space<vmem>>, vector<1x16xi32>,
    %swap3A_325 = vector.shape_cast %swap3A_324 : vector<1x16xi32> to vector<16xi32>
    %swap3A_326 = vector.shape_cast %select_n3A_320 : vector<16xi32> to vector<1x16xi32>
    tpu.vector_store %arg8[%swap3A_322, %swap3A_323], %swap3A_326 {strides = array<i32>} : memref<8x32xi32, #tpu.memory_space<vmem>>, vector<1x16xi32>,
    "tpu.region"() ({
      %run_scoped3A = tpu.sem_alloc : memref<!tpu.dma_semaphore, #tpu.memory_space<semaphore_mem>>
      %dma_start3A_443 = arith.constant 0 : i32
      %dma_start3A_444 = arith.constant 0 : i32
      %dma_start3A_445 = tpu.memref_slice %arg6[%add3A, %dma_start3A_443, %dma_start3A_444] : memref<32x8x32xi32, #tpu.memory_space<hbm>> -> memref<1x8x32xi32, #tpu.memory_space<hbm>>
      %dma_start3A_446 = tpu.memref_squeeze %dma_start3A_445 : memref<1x8x32xi32, #tpu.memory_space<hbm>> -> memref<8x32xi32, #tpu.memory_space<hbm>>
      %dma_start3A_447 = arith.constant 0 : i32
      %dma_start3A_448 = arith.constant 0 : i32
      %dma_start3A_449 = tpu.memref_slice %arg6[%add3A, %dma_start3A_447, %dma_start3A_448] : memref<32x8x32xi32, #tpu.memory_space<hbm>> -> memref<1x8x32xi32, #tpu.memory_space<hbm>>
      %dma_start3A_450 = tpu.memref_squeeze %dma_start3A_449 : memref<1x8x32xi32, #tpu.memory_space<hbm>> -> memref<8x32xi32, #tpu.memory_space<hbm>>
      tpu.enqueue_dma source(%arg8 : memref<8x32xi32, #tpu.memory_space<vmem>>) target(%dma_start3A_450 : memref<8x32xi32, #tpu.memory_space<hbm>>) target_semaphore(%run_scoped3A : memref<!tpu.dma_semaphore, #tpu.memory_space<semaphore_mem>>)
      %dma_wait3A_451 = arith.constant 0 : i32
      %dma_wait3A_452 = arith.constant 0 : i32
      %dma_wait3A_453 = tpu.memref_slice %arg6[%add3A, %dma_wait3A_451, %dma_wait3A_452] : memref<32x8x32xi32, #tpu.memory_space<hbm>> -> memref<1x8x32xi32, #tpu.memory_space<hbm>>
      %dma_wait3A_454 = tpu.memref_squeeze %dma_wait3A_453 : memref<1x8x32xi32, #tpu.memory_space<hbm>> -> memref<8x32xi32, #tpu.memory_space<hbm>>
      %dma_wait3A_455 = arith.constant 0 : i32
      %dma_wait3A_456 = arith.constant 0 : i32
      %dma_wait3A_457 = tpu.memref_slice %arg6[%add3A, %dma_wait3A_455, %dma_wait3A_456] : memref<32x8x32xi32, #tpu.memory_space<hbm>> -> memref<1x8x32xi32, #tpu.memory_space<hbm>>
      %dma_wait3A_458 = tpu.memref_squeeze %dma_wait3A_457 : memref<1x8x32xi32, #tpu.memory_space<hbm>> -> memref<8x32xi32, #tpu.memory_space<hbm>>
      tpu.wait_dma2 semaphore(%run_scoped3A : memref<!tpu.dma_semaphore, #tpu.memory_space<semaphore_mem>>) src(%arg8 : memref<8x32xi32, #tpu.memory_space<vmem>>) dst(%dma_wait3A_458 : memref<8x32xi32, #tpu.memory_space<hbm>>)
      tpu.yield
    }) : () -> ()
    %scan3A = arith.constant 0 : i32
    %scan3A_327 = arith.constant 0 : i32
    %scan3A_328 = arith.constant 4 : i32
    %scan3A_329 = arith.addi %scan3A_327, %scan3A_328 : i32
    %scan3A_330 = arith.constant 1 : i32
    scf.for %scan3A_443 = %scan3A_327 to %scan3A_329 step %scan3A_330  : i32 {
      %mul3A_444 = arith.constant 2 : i32
      %mul3A_445 = arith.muli %mul3A_444, %scan3A_443 : i32
      %add3A_446 = arith.constant 0 : i32
      %add3A_447 = arith.addi %mul3A_445, %add3A_446 : i32
      %mul3A_448 = arith.constant 8 : i32
      %mul3A_449 = arith.muli %add3A_447, %mul3A_448 : i32
      %add3A_450 = arith.addi %mul3A_2, %mul3A_449 : i32
      %dma_wait3A_451 = arith.constant 0 : i32
      %dma_wait3A_452 = tpu.memref_slice %arg7[%add3A_447, %dma_wait3A_451] : memref<8x32xi32, #tpu.memory_space<vmem>> -> memref<1x32xi32, #tpu.memory_space<vmem>>
      %dma_wait3A_453 = tpu.memref_squeeze %dma_wait3A_452 : memref<1x32xi32, #tpu.memory_space<vmem>> -> memref<32xi32, #tpu.memory_space<vmem>>
      %dma_wait3A_454 = arith.constant 0 : i32
      %dma_wait3A_455 = arith.constant 0 : i32
      %dma_wait3A_456 = tpu.memref_slice %arg3[%dma_wait3A_454, %dma_wait3A_455] : memref<100000x768xf32, #tpu.memory_space<hbm>> -> memref<100000x768xf32, #tpu.memory_space<hbm>>
      tpu.wait_indirect_dma semaphore(%arg15 : memref<!tpu.dma_semaphore, #tpu.memory_space<semaphore_mem>>) src(%dma_wait3A_456 : memref<100000x768xf32, #tpu.memory_space<hbm>>) dst(%arg9 : memref<32x768xf32, #tpu.memory_space<vmem>>)
      %dma_wait3A_457 = arith.constant 0 : i32
      %dma_wait3A_458 = tpu.memref_slice %arg4[%add3A_450, %dma_wait3A_457] : memref<2048x768xf32, #tpu.memory_space<hbm>> -> memref<8x768xf32, #tpu.memory_space<hbm>>
      %dma_wait3A_459 = arith.constant 0 : i32
      %dma_wait3A_460 = tpu.memref_slice %arg4[%add3A_450, %dma_wait3A_459] : memref<2048x768xf32, #tpu.memory_space<hbm>> -> memref<8x768xf32, #tpu.memory_space<hbm>>
      tpu.wait_dma2 semaphore(%arg17 : memref<!tpu.dma_semaphore, #tpu.memory_space<semaphore_mem>>) src(%dma_wait3A_460 : memref<8x768xf32, #tpu.memory_space<hbm>>) dst(%arg13 : memref<8x768xf32, #tpu.memory_space<vmem>>)
      %gt3A = arith.constant 0 : i32
      %gt3A_461 = arith.cmpi sgt, %scan3A_443, %gt3A : i32
      %convert_element_type3A = arith.extui %gt3A_461 : i1 to i32
      %cond3A = arith.constant 0 : i32
      %cond3A_462 = arith.cmpi ne, %convert_element_type3A, %cond3A : i32
      scf.if %cond3A_462 {
        %sub3A = arith.constant 2 : i32
        %sub3A_619 = arith.subi %add3A_447, %sub3A : i32
        %add3A_620 = arith.constant 0 : i32
        %add3A_621 = arith.addi %add3A_620, %mul3A_2 : i32
        %mul3A_622 = arith.constant 8 : i32
        %mul3A_623 = arith.muli %sub3A_619, %mul3A_622 : i32
        %add3A_624 = arith.addi %add3A_621, %mul3A_623 : i32
        %add3A_625 = arith.constant 2048 : i32
        %add3A_626 = arith.addi %add3A_625, %mul3A_2 : i32
        %mul3A_627 = arith.constant 8 : i32
        %mul3A_628 = arith.muli %sub3A_619, %mul3A_627 : i32
        %add3A_629 = arith.addi %add3A_626, %mul3A_628 : i32
        %add3A_630 = arith.constant 4096 : i32
        %add3A_631 = arith.addi %add3A_630, %mul3A_2 : i32
        %mul3A_632 = arith.constant 8 : i32
        %mul3A_633 = arith.muli %sub3A_619, %mul3A_632 : i32
        %add3A_634 = arith.addi %add3A_631, %mul3A_633 : i32
        %add3A_635 = arith.constant 6144 : i32
        %add3A_636 = arith.addi %add3A_635, %mul3A_2 : i32
        %mul3A_637 = arith.constant 8 : i32
        %mul3A_638 = arith.muli %sub3A_619, %mul3A_637 : i32
        %add3A_639 = arith.addi %add3A_636, %mul3A_638 : i32
        %dma_wait3A_640 = arith.constant 0 : i32
        %dma_wait3A_641 = arith.constant 0 : i32
        %dma_wait3A_642 = tpu.memref_slice %arg11[%dma_wait3A_640, %dma_wait3A_641] : memref<32x768xf32, #tpu.memory_space<vmem>> -> memref<8x768xf32, #tpu.memory_space<vmem>>
        %dma_wait3A_643 = arith.constant 0 : i32
        %dma_wait3A_644 = tpu.memref_slice %arg5[%add3A_624, %dma_wait3A_643] : memref<8192x768xf32, #tpu.memory_space<hbm>> -> memref<8x768xf32, #tpu.memory_space<hbm>>
        %dma_wait3A_645 = arith.constant 0 : i32
        %dma_wait3A_646 = tpu.memref_slice %arg5[%add3A_624, %dma_wait3A_645] : memref<8192x768xf32, #tpu.memory_space<hbm>> -> memref<8x768xf32, #tpu.memory_space<hbm>>
        %dma_wait3A_647 = arith.constant 0 : i32
        %dma_wait3A_648 = arith.constant 0 : i32
        %dma_wait3A_649 = tpu.memref_slice %arg11[%dma_wait3A_647, %dma_wait3A_648] : memref<32x768xf32, #tpu.memory_space<vmem>> -> memref<8x768xf32, #tpu.memory_space<vmem>>
        tpu.wait_dma2 semaphore(%arg19 : memref<!tpu.dma_semaphore, #tpu.memory_space<semaphore_mem>>) src(%dma_wait3A_649 : memref<8x768xf32, #tpu.memory_space<vmem>>) dst(%dma_wait3A_646 : memref<8x768xf32, #tpu.memory_space<hbm>>)
        %dma_wait3A_650 = arith.constant 8 : i32
        %dma_wait3A_651 = arith.constant 0 : i32
        %dma_wait3A_652 = tpu.memref_slice %arg11[%dma_wait3A_650, %dma_wait3A_651] : memref<32x768xf32, #tpu.memory_space<vmem>> -> memref<8x768xf32, #tpu.memory_space<vmem>>
        %dma_wait3A_653 = arith.constant 0 : i32
        %dma_wait3A_654 = tpu.memref_slice %arg5[%add3A_629, %dma_wait3A_653] : memref<8192x768xf32, #tpu.memory_space<hbm>> -> memref<8x768xf32, #tpu.memory_space<hbm>>
        %dma_wait3A_655 = arith.constant 0 : i32
        %dma_wait3A_656 = tpu.memref_slice %arg5[%add3A_629, %dma_wait3A_655] : memref<8192x768xf32, #tpu.memory_space<hbm>> -> memref<8x768xf32, #tpu.memory_space<hbm>>
        %dma_wait3A_657 = arith.constant 8 : i32
        %dma_wait3A_658 = arith.constant 0 : i32
        %dma_wait3A_659 = tpu.memref_slice %arg11[%dma_wait3A_657, %dma_wait3A_658] : memref<32x768xf32, #tpu.memory_space<vmem>> -> memref<8x768xf32, #tpu.memory_space<vmem>>
        tpu.wait_dma2 semaphore(%arg19 : memref<!tpu.dma_semaphore, #tpu.memory_space<semaphore_mem>>) src(%dma_wait3A_659 : memref<8x768xf32, #tpu.memory_space<vmem>>) dst(%dma_wait3A_656 : memref<8x768xf32, #tpu.memory_space<hbm>>)
        %dma_wait3A_660 = arith.constant 16 : i32
        %dma_wait3A_661 = arith.constant 0 : i32
        %dma_wait3A_662 = tpu.memref_slice %arg11[%dma_wait3A_660, %dma_wait3A_661] : memref<32x768xf32, #tpu.memory_space<vmem>> -> memref<8x768xf32, #tpu.memory_space<vmem>>
        %dma_wait3A_663 = arith.constant 0 : i32
        %dma_wait3A_664 = tpu.memref_slice %arg5[%add3A_634, %dma_wait3A_663] : memref<8192x768xf32, #tpu.memory_space<hbm>> -> memref<8x768xf32, #tpu.memory_space<hbm>>
        %dma_wait3A_665 = arith.constant 0 : i32
        %dma_wait3A_666 = tpu.memref_slice %arg5[%add3A_634, %dma_wait3A_665] : memref<8192x768xf32, #tpu.memory_space<hbm>> -> memref<8x768xf32, #tpu.memory_space<hbm>>
        %dma_wait3A_667 = arith.constant 16 : i32
        %dma_wait3A_668 = arith.constant 0 : i32
        %dma_wait3A_669 = tpu.memref_slice %arg11[%dma_wait3A_667, %dma_wait3A_668] : memref<32x768xf32, #tpu.memory_space<vmem>> -> memref<8x768xf32, #tpu.memory_space<vmem>>
        tpu.wait_dma2 semaphore(%arg19 : memref<!tpu.dma_semaphore, #tpu.memory_space<semaphore_mem>>) src(%dma_wait3A_669 : memref<8x768xf32, #tpu.memory_space<vmem>>) dst(%dma_wait3A_666 : memref<8x768xf32, #tpu.memory_space<hbm>>)
        %dma_wait3A_670 = arith.constant 24 : i32
        %dma_wait3A_671 = arith.constant 0 : i32
        %dma_wait3A_672 = tpu.memref_slice %arg11[%dma_wait3A_670, %dma_wait3A_671] : memref<32x768xf32, #tpu.memory_space<vmem>> -> memref<8x768xf32, #tpu.memory_space<vmem>>
        %dma_wait3A_673 = arith.constant 0 : i32
        %dma_wait3A_674 = tpu.memref_slice %arg5[%add3A_639, %dma_wait3A_673] : memref<8192x768xf32, #tpu.memory_space<hbm>> -> memref<8x768xf32, #tpu.memory_space<hbm>>
        %dma_wait3A_675 = arith.constant 0 : i32
        %dma_wait3A_676 = tpu.memref_slice %arg5[%add3A_639, %dma_wait3A_675] : memref<8192x768xf32, #tpu.memory_space<hbm>> -> memref<8x768xf32, #tpu.memory_space<hbm>>
        %dma_wait3A_677 = arith.constant 24 : i32
        %dma_wait3A_678 = arith.constant 0 : i32
        %dma_wait3A_679 = tpu.memref_slice %arg11[%dma_wait3A_677, %dma_wait3A_678] : memref<32x768xf32, #tpu.memory_space<vmem>> -> memref<8x768xf32, #tpu.memory_space<vmem>>
        tpu.wait_dma2 semaphore(%arg19 : memref<!tpu.dma_semaphore, #tpu.memory_space<semaphore_mem>>) src(%dma_wait3A_679 : memref<8x768xf32, #tpu.memory_space<vmem>>) dst(%dma_wait3A_676 : memref<8x768xf32, #tpu.memory_space<hbm>>)
      } else {
      }
      %parallel_loop3A = arith.constant 0 : i32
      %parallel_loop3A_463 = arith.constant 48 : i32
      %parallel_loop3A_464 = arith.constant 1 : i32
      scf.for %parallel_loop3A_619 = %parallel_loop3A to %parallel_loop3A_463 step %parallel_loop3A_464  : i32 {
        %parallel_loop3A_620 = arith.constant 16 : i32
        %parallel_loop3A_621 = arith.muli %parallel_loop3A_619, %parallel_loop3A_620 : i32
        %parallel_loop3A_622 = arith.constant 0 : i32
        %parallel_loop3A_623 = arith.index_cast %parallel_loop3A_622 : i32 to index
        %parallel_loop3A_624 = arith.index_cast %parallel_loop3A_621 : i32 to index
        %parallel_loop3A_625 = tpu.vector_load %arg13[%parallel_loop3A_623, %parallel_loop3A_624] {strides = array<i32>} : memref<8x768xf32, #tpu.memory_space<vmem>>, vector<1x16xf32>,
        %parallel_loop3A_626 = vector.shape_cast %parallel_loop3A_625 : vector<1x16xf32> to vector<16xf32>
        %parallel_loop3A_627 = arith.constant 0 : i32
        %parallel_loop3A_628 = arith.index_cast %parallel_loop3A_627 : i32 to index
        %parallel_loop3A_629 = arith.index_cast %parallel_loop3A_621 : i32 to index
        %parallel_loop3A_630 = tpu.vector_load %arg9[%parallel_loop3A_628, %parallel_loop3A_629] {strides = array<i32>} : memref<32x768xf32, #tpu.memory_space<vmem>>, vector<1x16xf32>,
        %parallel_loop3A_631 = vector.shape_cast %parallel_loop3A_630 : vector<1x16xf32> to vector<16xf32>
        %parallel_loop3A_632 = arith.constant 27.7128124 : f32
        %parallel_loop3A_633 = vector.broadcast %parallel_loop3A_632 : f32 to vector<16xf32>
        %parallel_loop3A_634 = arith.mulf %parallel_loop3A_631, %parallel_loop3A_633 : vector<16xf32>
        %parallel_loop3A_635 = arith.addf %parallel_loop3A_634, %parallel_loop3A_626 : vector<16xf32>
        %parallel_loop3A_636 = arith.constant 0 : i32
        %parallel_loop3A_637 = arith.index_cast %parallel_loop3A_636 : i32 to index
        %parallel_loop3A_638 = arith.index_cast %parallel_loop3A_621 : i32 to index
        %parallel_loop3A_639 = tpu.vector_load %arg11[%parallel_loop3A_637, %parallel_loop3A_638] {strides = array<i32>} : memref<32x768xf32, #tpu.memory_space<vmem>>, vector<1x16xf32>,
        %parallel_loop3A_640 = vector.shape_cast %parallel_loop3A_639 : vector<1x16xf32> to vector<16xf32>
        %parallel_loop3A_641 = vector.shape_cast %parallel_loop3A_635 : vector<16xf32> to vector<1x16xf32>
        tpu.vector_store %arg11[%parallel_loop3A_637, %parallel_loop3A_638], %parallel_loop3A_641 {strides = array<i32>} : memref<32x768xf32, #tpu.memory_space<vmem>>, vector<1x16xf32>,
        %parallel_loop3A_642 = arith.constant 8 : i32
        %parallel_loop3A_643 = arith.index_cast %parallel_loop3A_642 : i32 to index
        %parallel_loop3A_644 = arith.index_cast %parallel_loop3A_621 : i32 to index
        %parallel_loop3A_645 = tpu.vector_load %arg9[%parallel_loop3A_643, %parallel_loop3A_644] {strides = array<i32>} : memref<32x768xf32, #tpu.memory_space<vmem>>, vector<1x16xf32>,
        %parallel_loop3A_646 = vector.shape_cast %parallel_loop3A_645 : vector<1x16xf32> to vector<16xf32>
        %parallel_loop3A_647 = arith.constant 27.7128124 : f32
        %parallel_loop3A_648 = vector.broadcast %parallel_loop3A_647 : f32 to vector<16xf32>
        %parallel_loop3A_649 = arith.mulf %parallel_loop3A_646, %parallel_loop3A_648 : vector<16xf32>
        %parallel_loop3A_650 = arith.addf %parallel_loop3A_649, %parallel_loop3A_626 : vector<16xf32>
        %parallel_loop3A_651 = arith.constant 8 : i32
        %parallel_loop3A_652 = arith.index_cast %parallel_loop3A_651 : i32 to index
        %parallel_loop3A_653 = arith.index_cast %parallel_loop3A_621 : i32 to index
        %parallel_loop3A_654 = tpu.vector_load %arg11[%parallel_loop3A_652, %parallel_loop3A_653] {strides = array<i32>} : memref<32x768xf32, #tpu.memory_space<vmem>>, vector<1x16xf32>,
        %parallel_loop3A_655 = vector.shape_cast %parallel_loop3A_654 : vector<1x16xf32> to vector<16xf32>
        %parallel_loop3A_656 = vector.shape_cast %parallel_loop3A_650 : vector<16xf32> to vector<1x16xf32>
        tpu.vector_store %arg11[%parallel_loop3A_652, %parallel_loop3A_653], %parallel_loop3A_656 {strides = array<i32>} : memref<32x768xf32, #tpu.memory_space<vmem>>, vector<1x16xf32>,
        %parallel_loop3A_657 = arith.constant 16 : i32
        %parallel_loop3A_658 = arith.index_cast %parallel_loop3A_657 : i32 to index
        %parallel_loop3A_659 = arith.index_cast %parallel_loop3A_621 : i32 to index
        %parallel_loop3A_660 = tpu.vector_load %arg9[%parallel_loop3A_658, %parallel_loop3A_659] {strides = array<i32>} : memref<32x768xf32, #tpu.memory_space<vmem>>, vector<1x16xf32>,
        %parallel_loop3A_661 = vector.shape_cast %parallel_loop3A_660 : vector<1x16xf32> to vector<16xf32>
        %parallel_loop3A_662 = arith.constant 27.7128124 : f32
        %parallel_loop3A_663 = vector.broadcast %parallel_loop3A_662 : f32 to vector<16xf32>
        %parallel_loop3A_664 = arith.mulf %parallel_loop3A_661, %parallel_loop3A_663 : vector<16xf32>
        %parallel_loop3A_665 = arith.addf %parallel_loop3A_664, %parallel_loop3A_626 : vector<16xf32>
        %parallel_loop3A_666 = arith.constant 16 : i32
        %parallel_loop3A_667 = arith.index_cast %parallel_loop3A_666 : i32 to index
        %parallel_loop3A_668 = arith.index_cast %parallel_loop3A_621 : i32 to index
        %parallel_loop3A_669 = tpu.vector_load %arg11[%parallel_loop3A_667, %parallel_loop3A_668] {strides = array<i32>} : memref<32x768xf32, #tpu.memory_space<vmem>>, vector<1x16xf32>,
        %parallel_loop3A_670 = vector.shape_cast %parallel_loop3A_669 : vector<1x16xf32> to vector<16xf32>
        %parallel_loop3A_671 = vector.shape_cast %parallel_loop3A_665 : vector<16xf32> to vector<1x16xf32>
        tpu.vector_store %arg11[%parallel_loop3A_667, %parallel_loop3A_668], %parallel_loop3A_671 {strides = array<i32>} : memref<32x768xf32, #tpu.memory_space<vmem>>, vector<1x16xf32>,
        %parallel_loop3A_672 = arith.constant 24 : i32
        %parallel_loop3A_673 = arith.index_cast %parallel_loop3A_672 : i32 to index
        %parallel_loop3A_674 = arith.index_cast %parallel_loop3A_621 : i32 to index
        %parallel_loop3A_675 = tpu.vector_load %arg9[%parallel_loop3A_673, %parallel_loop3A_674] {strides = array<i32>} : memref<32x768xf32, #tpu.memory_space<vmem>>, vector<1x16xf32>,
        %parallel_loop3A_676 = vector.shape_cast %parallel_loop3A_675 : vector<1x16xf32> to vector<16xf32>
        %parallel_loop3A_677 = arith.constant 27.7128124 : f32
        %parallel_loop3A_678 = vector.broadcast %parallel_loop3A_677 : f32 to vector<16xf32>
        %parallel_loop3A_679 = arith.mulf %parallel_loop3A_676, %parallel_loop3A_678 : vector<16xf32>
        %parallel_loop3A_680 = arith.addf %parallel_loop3A_679, %parallel_loop3A_626 : vector<16xf32>
        %parallel_loop3A_681 = arith.constant 24 : i32
        %parallel_loop3A_682 = arith.index_cast %parallel_loop3A_681 : i32 to index
        %parallel_loop3A_683 = arith.index_cast %parallel_loop3A_621 : i32 to index
        %parallel_loop3A_684 = tpu.vector_load %arg11[%parallel_loop3A_682, %parallel_loop3A_683] {strides = array<i32>} : memref<32x768xf32, #tpu.memory_space<vmem>>, vector<1x16xf32>,
        %parallel_loop3A_685 = vector.shape_cast %parallel_loop3A_684 : vector<1x16xf32> to vector<16xf32>
        %parallel_loop3A_686 = vector.shape_cast %parallel_loop3A_680 : vector<16xf32> to vector<1x16xf32>
        tpu.vector_store %arg11[%parallel_loop3A_682, %parallel_loop3A_683], %parallel_loop3A_686 {strides = array<i32>} : memref<32x768xf32, #tpu.memory_space<vmem>>, vector<1x16xf32>,
        %parallel_loop3A_687 = arith.constant 1 : i32
        %parallel_loop3A_688 = arith.index_cast %parallel_loop3A_687 : i32 to index
        %parallel_loop3A_689 = arith.index_cast %parallel_loop3A_621 : i32 to index
        %parallel_loop3A_690 = tpu.vector_load %arg13[%parallel_loop3A_688, %parallel_loop3A_689] {strides = array<i32>} : memref<8x768xf32, #tpu.memory_space<vmem>>, vector<1x16xf32>,
        %parallel_loop3A_691 = vector.shape_cast %parallel_loop3A_690 : vector<1x16xf32> to vector<16xf32>
        %parallel_loop3A_692 = arith.constant 1 : i32
        %parallel_loop3A_693 = arith.index_cast %parallel_loop3A_692 : i32 to index
        %parallel_loop3A_694 = arith.index_cast %parallel_loop3A_621 : i32 to index
        %parallel_loop3A_695 = tpu.vector_load %arg9[%parallel_loop3A_693, %parallel_loop3A_694] {strides = array<i32>} : memref<32x768xf32, #tpu.memory_space<vmem>>, vector<1x16xf32>,
        %parallel_loop3A_696 = vector.shape_cast %parallel_loop3A_695 : vector<1x16xf32> to vector<16xf32>
        %parallel_loop3A_697 = arith.constant 27.7128124 : f32
        %parallel_loop3A_698 = vector.broadcast %parallel_loop3A_697 : f32 to vector<16xf32>
        %parallel_loop3A_699 = arith.mulf %parallel_loop3A_696, %parallel_loop3A_698 : vector<16xf32>
        %parallel_loop3A_700 = arith.addf %parallel_loop3A_699, %parallel_loop3A_691 : vector<16xf32>
        %parallel_loop3A_701 = arith.constant 1 : i32
        %parallel_loop3A_702 = arith.index_cast %parallel_loop3A_701 : i32 to index
        %parallel_loop3A_703 = arith.index_cast %parallel_loop3A_621 : i32 to index
        %parallel_loop3A_704 = tpu.vector_load %arg11[%parallel_loop3A_702, %parallel_loop3A_703] {strides = array<i32>} : memref<32x768xf32, #tpu.memory_space<vmem>>, vector<1x16xf32>,
        %parallel_loop3A_705 = vector.shape_cast %parallel_loop3A_704 : vector<1x16xf32> to vector<16xf32>
        %parallel_loop3A_706 = vector.shape_cast %parallel_loop3A_700 : vector<16xf32> to vector<1x16xf32>
        tpu.vector_store %arg11[%parallel_loop3A_702, %parallel_loop3A_703], %parallel_loop3A_706 {strides = array<i32>} : memref<32x768xf32, #tpu.memory_space<vmem>>, vector<1x16xf32>,
        %parallel_loop3A_707 = arith.constant 9 : i32
        %parallel_loop3A_708 = arith.index_cast %parallel_loop3A_707 : i32 to index
        %parallel_loop3A_709 = arith.index_cast %parallel_loop3A_621 : i32 to index
        %parallel_loop3A_710 = tpu.vector_load %arg9[%parallel_loop3A_708, %parallel_loop3A_709] {strides = array<i32>} : memref<32x768xf32, #tpu.memory_space<vmem>>, vector<1x16xf32>,
        %parallel_loop3A_711 = vector.shape_cast %parallel_loop3A_710 : vector<1x16xf32> to vector<16xf32>
        %parallel_loop3A_712 = arith.constant 27.7128124 : f32
        %parallel_loop3A_713 = vector.broadcast %parallel_loop3A_712 : f32 to vector<16xf32>
        %parallel_loop3A_714 = arith.mulf %parallel_loop3A_711, %parallel_loop3A_713 : vector<16xf32>
        %parallel_loop3A_715 = arith.addf %parallel_loop3A_714, %parallel_loop3A_691 : vector<16xf32>
        %parallel_loop3A_716 = arith.constant 9 : i32
        %parallel_loop3A_717 = arith.index_cast %parallel_loop3A_716 : i32 to index
        %parallel_loop3A_718 = arith.index_cast %parallel_loop3A_621 : i32 to index
        %parallel_loop3A_719 = tpu.vector_load %arg11[%parallel_loop3A_717, %parallel_loop3A_718] {strides = array<i32>} : memref<32x768xf32, #tpu.memory_space<vmem>>, vector<1x16xf32>,
        %parallel_loop3A_720 = vector.shape_cast %parallel_loop3A_719 : vector<1x16xf32> to vector<16xf32>
        %parallel_loop3A_721 = vector.shape_cast %parallel_loop3A_715 : vector<16xf32> to vector<1x16xf32>
        tpu.vector_store %arg11[%parallel_loop3A_717, %parallel_loop3A_718], %parallel_loop3A_721 {strides = array<i32>} : memref<32x768xf32, #tpu.memory_space<vmem>>, vector<1x16xf32>,
        %parallel_loop3A_722 = arith.constant 17 : i32
        %parallel_loop3A_723 = arith.index_cast %parallel_loop3A_722 : i32 to index
        %parallel_loop3A_724 = arith.index_cast %parallel_loop3A_621 : i32 to index
        %parallel_loop3A_725 = tpu.vector_load %arg9[%parallel_loop3A_723, %parallel_loop3A_724] {strides = array<i32>} : memref<32x768xf32, #tpu.memory_space<vmem>>, vector<1x16xf32>,
        %parallel_loop3A_726 = vector.shape_cast %parallel_loop3A_725 : vector<1x16xf32> to vector<16xf32>
        %parallel_loop3A_727 = arith.constant 27.7128124 : f32
        %parallel_loop3A_728 = vector.broadcast %parallel_loop3A_727 : f32 to vector<16xf32>
        %parallel_loop3A_729 = arith.mulf %parallel_loop3A_726, %parallel_loop3A_728 : vector<16xf32>
        %parallel_loop3A_730 = arith.addf %parallel_loop3A_729, %parallel_loop3A_691 : vector<16xf32>
        %parallel_loop3A_731 = arith.constant 17 : i32
        %parallel_loop3A_732 = arith.index_cast %parallel_loop3A_731 : i32 to index
        %parallel_loop3A_733 = arith.index_cast %parallel_loop3A_621 : i32 to index
        %parallel_loop3A_734 = tpu.vector_load %arg11[%parallel_loop3A_732, %parallel_loop3A_733] {strides = array<i32>} : memref<32x768xf32, #tpu.memory_space<vmem>>, vector<1x16xf32>,
        %parallel_loop3A_735 = vector.shape_cast %parallel_loop3A_734 : vector<1x16xf32> to vector<16xf32>
        %parallel_loop3A_736 = vector.shape_cast %parallel_loop3A_730 : vector<16xf32> to vector<1x16xf32>
        tpu.vector_store %arg11[%parallel_loop3A_732, %parallel_loop3A_733], %parallel_loop3A_736 {strides = array<i32>} : memref<32x768xf32, #tpu.memory_space<vmem>>, vector<1x16xf32>,
        %parallel_loop3A_737 = arith.constant 25 : i32
        %parallel_loop3A_738 = arith.index_cast %parallel_loop3A_737 : i32 to index
        %parallel_loop3A_739 = arith.index_cast %parallel_loop3A_621 : i32 to index
        %parallel_loop3A_740 = tpu.vector_load %arg9[%parallel_loop3A_738, %parallel_loop3A_739] {strides = array<i32>} : memref<32x768xf32, #tpu.memory_space<vmem>>, vector<1x16xf32>,
        %parallel_loop3A_741 = vector.shape_cast %parallel_loop3A_740 : vector<1x16xf32> to vector<16xf32>
        %parallel_loop3A_742 = arith.constant 27.7128124 : f32
        %parallel_loop3A_743 = vector.broadcast %parallel_loop3A_742 : f32 to vector<16xf32>
        %parallel_loop3A_744 = arith.mulf %parallel_loop3A_741, %parallel_loop3A_743 : vector<16xf32>
        %parallel_loop3A_745 = arith.addf %parallel_loop3A_744, %parallel_loop3A_691 : vector<16xf32>
        %parallel_loop3A_746 = arith.constant 25 : i32
        %parallel_loop3A_747 = arith.index_cast %parallel_loop3A_746 : i32 to index
        %parallel_loop3A_748 = arith.index_cast %parallel_loop3A_621 : i32 to index
        %parallel_loop3A_749 = tpu.vector_load %arg11[%parallel_loop3A_747, %parallel_loop3A_748] {strides = array<i32>} : memref<32x768xf32, #tpu.memory_space<vmem>>, vector<1x16xf32>,
        %parallel_loop3A_750 = vector.shape_cast %parallel_loop3A_749 : vector<1x16xf32> to vector<16xf32>
        %parallel_loop3A_751 = vector.shape_cast %parallel_loop3A_745 : vector<16xf32> to vector<1x16xf32>
        tpu.vector_store %arg11[%parallel_loop3A_747, %parallel_loop3A_748], %parallel_loop3A_751 {strides = array<i32>} : memref<32x768xf32, #tpu.memory_space<vmem>>, vector<1x16xf32>,
        %parallel_loop3A_752 = arith.constant 2 : i32
        %parallel_loop3A_753 = arith.index_cast %parallel_loop3A_752 : i32 to index
        %parallel_loop3A_754 = arith.index_cast %parallel_loop3A_621 : i32 to index
        %parallel_loop3A_755 = tpu.vector_load %arg13[%parallel_loop3A_753, %parallel_loop3A_754] {strides = array<i32>} : memref<8x768xf32, #tpu.memory_space<vmem>>, vector<1x16xf32>,
        %parallel_loop3A_756 = vector.shape_cast %parallel_loop3A_755 : vector<1x16xf32> to vector<16xf32>
        %parallel_loop3A_757 = arith.constant 2 : i32
        %parallel_loop3A_758 = arith.index_cast %parallel_loop3A_757 : i32 to index
        %parallel_loop3A_759 = arith.index_cast %parallel_loop3A_621 : i32 to index
        %parallel_loop3A_760 = tpu.vector_load %arg9[%parallel_loop3A_758, %parallel_loop3A_759] {strides = array<i32>} : memref<32x768xf32, #tpu.memory_space<vmem>>, vector<1x16xf32>,
        %parallel_loop3A_761 = vector.shape_cast %parallel_loop3A_760 : vector<1x16xf32> to vector<16xf32>
        %parallel_loop3A_762 = arith.constant 27.7128124 : f32
        %parallel_loop3A_763 = vector.broadcast %parallel_loop3A_762 : f32 to vector<16xf32>
        %parallel_loop3A_764 = arith.mulf %parallel_loop3A_761, %parallel_loop3A_763 : vector<16xf32>
        %parallel_loop3A_765 = arith.addf %parallel_loop3A_764, %parallel_loop3A_756 : vector<16xf32>
        %parallel_loop3A_766 = arith.constant 2 : i32
        %parallel_loop3A_767 = arith.index_cast %parallel_loop3A_766 : i32 to index
        %parallel_loop3A_768 = arith.index_cast %parallel_loop3A_621 : i32 to index
        %parallel_loop3A_769 = tpu.vector_load %arg11[%parallel_loop3A_767, %parallel_loop3A_768] {strides = array<i32>} : memref<32x768xf32, #tpu.memory_space<vmem>>, vector<1x16xf32>,
        %parallel_loop3A_770 = vector.shape_cast %parallel_loop3A_769 : vector<1x16xf32> to vector<16xf32>
        %parallel_loop3A_771 = vector.shape_cast %parallel_loop3A_765 : vector<16xf32> to vector<1x16xf32>
        tpu.vector_store %arg11[%parallel_loop3A_767, %parallel_loop3A_768], %parallel_loop3A_771 {strides = array<i32>} : memref<32x768xf32, #tpu.memory_space<vmem>>, vector<1x16xf32>,
        %parallel_loop3A_772 = arith.constant 10 : i32
        %parallel_loop3A_773 = arith.index_cast %parallel_loop3A_772 : i32 to index
        %parallel_loop3A_774 = arith.index_cast %parallel_loop3A_621 : i32 to index
        %parallel_loop3A_775 = tpu.vector_load %arg9[%parallel_loop3A_773, %parallel_loop3A_774] {strides = array<i32>} : memref<32x768xf32, #tpu.memory_space<vmem>>, vector<1x16xf32>,
        %parallel_loop3A_776 = vector.shape_cast %parallel_loop3A_775 : vector<1x16xf32> to vector<16xf32>
        %parallel_loop3A_777 = arith.constant 27.7128124 : f32
        %parallel_loop3A_778 = vector.broadcast %parallel_loop3A_777 : f32 to vector<16xf32>
        %parallel_loop3A_779 = arith.mulf %parallel_loop3A_776, %parallel_loop3A_778 : vector<16xf32>
        %parallel_loop3A_780 = arith.addf %parallel_loop3A_779, %parallel_loop3A_756 : vector<16xf32>
        %parallel_loop3A_781 = arith.constant 10 : i32
        %parallel_loop3A_782 = arith.index_cast %parallel_loop3A_781 : i32 to index
        %parallel_loop3A_783 = arith.index_cast %parallel_loop3A_621 : i32 to index
        %parallel_loop3A_784 = tpu.vector_load %arg11[%parallel_loop3A_782, %parallel_loop3A_783] {strides = array<i32>} : memref<32x768xf32, #tpu.memory_space<vmem>>, vector<1x16xf32>,
        %parallel_loop3A_785 = vector.shape_cast %parallel_loop3A_784 : vector<1x16xf32> to vector<16xf32>
        %parallel_loop3A_786 = vector.shape_cast %parallel_loop3A_780 : vector<16xf32> to vector<1x16xf32>
        tpu.vector_store %arg11[%parallel_loop3A_782, %parallel_loop3A_783], %parallel_loop3A_786 {strides = array<i32>} : memref<32x768xf32, #tpu.memory_space<vmem>>, vector<1x16xf32>,
        %parallel_loop3A_787 = arith.constant 18 : i32
        %parallel_loop3A_788 = arith.index_cast %parallel_loop3A_787 : i32 to index
        %parallel_loop3A_789 = arith.index_cast %parallel_loop3A_621 : i32 to index
        %parallel_loop3A_790 = tpu.vector_load %arg9[%parallel_loop3A_788, %parallel_loop3A_789] {strides = array<i32>} : memref<32x768xf32, #tpu.memory_space<vmem>>, vector<1x16xf32>,
        %parallel_loop3A_791 = vector.shape_cast %parallel_loop3A_790 : vector<1x16xf32> to vector<16xf32>
        %parallel_loop3A_792 = arith.constant 27.7128124 : f32
        %parallel_loop3A_793 = vector.broadcast %parallel_loop3A_792 : f32 to vector<16xf32>
        %parallel_loop3A_794 = arith.mulf %parallel_loop3A_791, %parallel_loop3A_793 : vector<16xf32>
        %parallel_loop3A_795 = arith.addf %parallel_loop3A_794, %parallel_loop3A_756 : vector<16xf32>
        %parallel_loop3A_796 = arith.constant 18 : i32
        %parallel_loop3A_797 = arith.index_cast %parallel_loop3A_796 : i32 to index
        %parallel_loop3A_798 = arith.index_cast %parallel_loop3A_621 : i32 to index
        %parallel_loop3A_799 = tpu.vector_load %arg11[%parallel_loop3A_797, %parallel_loop3A_798] {strides = array<i32>} : memref<32x768xf32, #tpu.memory_space<vmem>>, vector<1x16xf32>,
        %parallel_loop3A_800 = vector.shape_cast %parallel_loop3A_799 : vector<1x16xf32> to vector<16xf32>
        %parallel_loop3A_801 = vector.shape_cast %parallel_loop3A_795 : vector<16xf32> to vector<1x16xf32>
        tpu.vector_store %arg11[%parallel_loop3A_797, %parallel_loop3A_798], %parallel_loop3A_801 {strides = array<i32>} : memref<32x768xf32, #tpu.memory_space<vmem>>, vector<1x16xf32>,
        %parallel_loop3A_802 = arith.constant 26 : i32
        %parallel_loop3A_803 = arith.index_cast %parallel_loop3A_802 : i32 to index
        %parallel_loop3A_804 = arith.index_cast %parallel_loop3A_621 : i32 to index
        %parallel_loop3A_805 = tpu.vector_load %arg9[%parallel_loop3A_803, %parallel_loop3A_804] {strides = array<i32>} : memref<32x768xf32, #tpu.memory_space<vmem>>, vector<1x16xf32>,
        %parallel_loop3A_806 = vector.shape_cast %parallel_loop3A_805 : vector<1x16xf32> to vector<16xf32>
        %parallel_loop3A_807 = arith.constant 27.7128124 : f32
        %parallel_loop3A_808 = vector.broadcast %parallel_loop3A_807 : f32 to vector<16xf32>
        %parallel_loop3A_809 = arith.mulf %parallel_loop3A_806, %parallel_loop3A_808 : vector<16xf32>
        %parallel_loop3A_810 = arith.addf %parallel_loop3A_809, %parallel_loop3A_756 : vector<16xf32>
        %parallel_loop3A_811 = arith.constant 26 : i32
        %parallel_loop3A_812 = arith.index_cast %parallel_loop3A_811 : i32 to index
        %parallel_loop3A_813 = arith.index_cast %parallel_loop3A_621 : i32 to index
        %parallel_loop3A_814 = tpu.vector_load %arg11[%parallel_loop3A_812, %parallel_loop3A_813] {strides = array<i32>} : memref<32x768xf32, #tpu.memory_space<vmem>>, vector<1x16xf32>,
        %parallel_loop3A_815 = vector.shape_cast %parallel_loop3A_814 : vector<1x16xf32> to vector<16xf32>
        %parallel_loop3A_816 = vector.shape_cast %parallel_loop3A_810 : vector<16xf32> to vector<1x16xf32>
        tpu.vector_store %arg11[%parallel_loop3A_812, %parallel_loop3A_813], %parallel_loop3A_816 {strides = array<i32>} : memref<32x768xf32, #tpu.memory_space<vmem>>, vector<1x16xf32>,
        %parallel_loop3A_817 = arith.constant 3 : i32
        %parallel_loop3A_818 = arith.index_cast %parallel_loop3A_817 : i32 to index
        %parallel_loop3A_819 = arith.index_cast %parallel_loop3A_621 : i32 to index
        %parallel_loop3A_820 = tpu.vector_load %arg13[%parallel_loop3A_818, %parallel_loop3A_819] {strides = array<i32>} : memref<8x768xf32, #tpu.memory_space<vmem>>, vector<1x16xf32>,
        %parallel_loop3A_821 = vector.shape_cast %parallel_loop3A_820 : vector<1x16xf32> to vector<16xf32>
        %parallel_loop3A_822 = arith.constant 3 : i32
        %parallel_loop3A_823 = arith.index_cast %parallel_loop3A_822 : i32 to index
        %parallel_loop3A_824 = arith.index_cast %parallel_loop3A_621 : i32 to index
        %parallel_loop3A_825 = tpu.vector_load %arg9[%parallel_loop3A_823, %parallel_loop3A_824] {strides = array<i32>} : memref<32x768xf32, #tpu.memory_space<vmem>>, vector<1x16xf32>,
        %parallel_loop3A_826 = vector.shape_cast %parallel_loop3A_825 : vector<1x16xf32> to vector<16xf32>
        %parallel_loop3A_827 = arith.constant 27.7128124 : f32
        %parallel_loop3A_828 = vector.broadcast %parallel_loop3A_827 : f32 to vector<16xf32>
        %parallel_loop3A_829 = arith.mulf %parallel_loop3A_826, %parallel_loop3A_828 : vector<16xf32>
        %parallel_loop3A_830 = arith.addf %parallel_loop3A_829, %parallel_loop3A_821 : vector<16xf32>
        %parallel_loop3A_831 = arith.constant 3 : i32
        %parallel_loop3A_832 = arith.index_cast %parallel_loop3A_831 : i32 to index
        %parallel_loop3A_833 = arith.index_cast %parallel_loop3A_621 : i32 to index
        %parallel_loop3A_834 = tpu.vector_load %arg11[%parallel_loop3A_832, %parallel_loop3A_833] {strides = array<i32>} : memref<32x768xf32, #tpu.memory_space<vmem>>, vector<1x16xf32>,
        %parallel_loop3A_835 = vector.shape_cast %parallel_loop3A_834 : vector<1x16xf32> to vector<16xf32>
        %parallel_loop3A_836 = vector.shape_cast %parallel_loop3A_830 : vector<16xf32> to vector<1x16xf32>
        tpu.vector_store %arg11[%parallel_loop3A_832, %parallel_loop3A_833], %parallel_loop3A_836 {strides = array<i32>} : memref<32x768xf32, #tpu.memory_space<vmem>>, vector<1x16xf32>,
        %parallel_loop3A_837 = arith.constant 11 : i32
        %parallel_loop3A_838 = arith.index_cast %parallel_loop3A_837 : i32 to index
        %parallel_loop3A_839 = arith.index_cast %parallel_loop3A_621 : i32 to index
        %parallel_loop3A_840 = tpu.vector_load %arg9[%parallel_loop3A_838, %parallel_loop3A_839] {strides = array<i32>} : memref<32x768xf32, #tpu.memory_space<vmem>>, vector<1x16xf32>,
        %parallel_loop3A_841 = vector.shape_cast %parallel_loop3A_840 : vector<1x16xf32> to vector<16xf32>
        %parallel_loop3A_842 = arith.constant 27.7128124 : f32
        %parallel_loop3A_843 = vector.broadcast %parallel_loop3A_842 : f32 to vector<16xf32>
        %parallel_loop3A_844 = arith.mulf %parallel_loop3A_841, %parallel_loop3A_843 : vector<16xf32>
        %parallel_loop3A_845 = arith.addf %parallel_loop3A_844, %parallel_loop3A_821 : vector<16xf32>
        %parallel_loop3A_846 = arith.constant 11 : i32
        %parallel_loop3A_847 = arith.index_cast %parallel_loop3A_846 : i32 to index
        %parallel_loop3A_848 = arith.index_cast %parallel_loop3A_621 : i32 to index
        %parallel_loop3A_849 = tpu.vector_load %arg11[%parallel_loop3A_847, %parallel_loop3A_848] {strides = array<i32>} : memref<32x768xf32, #tpu.memory_space<vmem>>, vector<1x16xf32>,
        %parallel_loop3A_850 = vector.shape_cast %parallel_loop3A_849 : vector<1x16xf32> to vector<16xf32>
        %parallel_loop3A_851 = vector.shape_cast %parallel_loop3A_845 : vector<16xf32> to vector<1x16xf32>
        tpu.vector_store %arg11[%parallel_loop3A_847, %parallel_loop3A_848], %parallel_loop3A_851 {strides = array<i32>} : memref<32x768xf32, #tpu.memory_space<vmem>>, vector<1x16xf32>,
        %parallel_loop3A_852 = arith.constant 19 : i32
        %parallel_loop3A_853 = arith.index_cast %parallel_loop3A_852 : i32 to index
        %parallel_loop3A_854 = arith.index_cast %parallel_loop3A_621 : i32 to index
        %parallel_loop3A_855 = tpu.vector_load %arg9[%parallel_loop3A_853, %parallel_loop3A_854] {strides = array<i32>} : memref<32x768xf32, #tpu.memory_space<vmem>>, vector<1x16xf32>,
        %parallel_loop3A_856 = vector.shape_cast %parallel_loop3A_855 : vector<1x16xf32> to vector<16xf32>
        %parallel_loop3A_857 = arith.constant 27.7128124 : f32
        %parallel_loop3A_858 = vector.broadcast %parallel_loop3A_857 : f32 to vector<16xf32>
        %parallel_loop3A_859 = arith.mulf %parallel_loop3A_856, %parallel_loop3A_858 : vector<16xf32>
        %parallel_loop3A_860 = arith.addf %parallel_loop3A_859, %parallel_loop3A_821 : vector<16xf32>
        %parallel_loop3A_861 = arith.constant 19 : i32
        %parallel_loop3A_862 = arith.index_cast %parallel_loop3A_861 : i32 to index
        %parallel_loop3A_863 = arith.index_cast %parallel_loop3A_621 : i32 to index
        %parallel_loop3A_864 = tpu.vector_load %arg11[%parallel_loop3A_862, %parallel_loop3A_863] {strides = array<i32>} : memref<32x768xf32, #tpu.memory_space<vmem>>, vector<1x16xf32>,
        %parallel_loop3A_865 = vector.shape_cast %parallel_loop3A_864 : vector<1x16xf32> to vector<16xf32>
        %parallel_loop3A_866 = vector.shape_cast %parallel_loop3A_860 : vector<16xf32> to vector<1x16xf32>
        tpu.vector_store %arg11[%parallel_loop3A_862, %parallel_loop3A_863], %parallel_loop3A_866 {strides = array<i32>} : memref<32x768xf32, #tpu.memory_space<vmem>>, vector<1x16xf32>,
        %parallel_loop3A_867 = arith.constant 27 : i32
        %parallel_loop3A_868 = arith.index_cast %parallel_loop3A_867 : i32 to index
        %parallel_loop3A_869 = arith.index_cast %parallel_loop3A_621 : i32 to index
        %parallel_loop3A_870 = tpu.vector_load %arg9[%parallel_loop3A_868, %parallel_loop3A_869] {strides = array<i32>} : memref<32x768xf32, #tpu.memory_space<vmem>>, vector<1x16xf32>,
        %parallel_loop3A_871 = vector.shape_cast %parallel_loop3A_870 : vector<1x16xf32> to vector<16xf32>
        %parallel_loop3A_872 = arith.constant 27.7128124 : f32
        %parallel_loop3A_873 = vector.broadcast %parallel_loop3A_872 : f32 to vector<16xf32>
        %parallel_loop3A_874 = arith.mulf %parallel_loop3A_871, %parallel_loop3A_873 : vector<16xf32>
        %parallel_loop3A_875 = arith.addf %parallel_loop3A_874, %parallel_loop3A_821 : vector<16xf32>
        %parallel_loop3A_876 = arith.constant 27 : i32
        %parallel_loop3A_877 = arith.index_cast %parallel_loop3A_876 : i32 to index
        %parallel_loop3A_878 = arith.index_cast %parallel_loop3A_621 : i32 to index
        %parallel_loop3A_879 = tpu.vector_load %arg11[%parallel_loop3A_877, %parallel_loop3A_878] {strides = array<i32>} : memref<32x768xf32, #tpu.memory_space<vmem>>, vector<1x16xf32>,
        %parallel_loop3A_880 = vector.shape_cast %parallel_loop3A_879 : vector<1x16xf32> to vector<16xf32>
        %parallel_loop3A_881 = vector.shape_cast %parallel_loop3A_875 : vector<16xf32> to vector<1x16xf32>
        tpu.vector_store %arg11[%parallel_loop3A_877, %parallel_loop3A_878], %parallel_loop3A_881 {strides = array<i32>} : memref<32x768xf32, #tpu.memory_space<vmem>>, vector<1x16xf32>,
        %parallel_loop3A_882 = arith.constant 4 : i32
        %parallel_loop3A_883 = arith.index_cast %parallel_loop3A_882 : i32 to index
        %parallel_loop3A_884 = arith.index_cast %parallel_loop3A_621 : i32 to index
        %parallel_loop3A_885 = tpu.vector_load %arg13[%parallel_loop3A_883, %parallel_loop3A_884] {strides = array<i32>} : memref<8x768xf32, #tpu.memory_space<vmem>>, vector<1x16xf32>,
        %parallel_loop3A_886 = vector.shape_cast %parallel_loop3A_885 : vector<1x16xf32> to vector<16xf32>
        %parallel_loop3A_887 = arith.constant 4 : i32
        %parallel_loop3A_888 = arith.index_cast %parallel_loop3A_887 : i32 to index
        %parallel_loop3A_889 = arith.index_cast %parallel_loop3A_621 : i32 to index
        %parallel_loop3A_890 = tpu.vector_load %arg9[%parallel_loop3A_888, %parallel_loop3A_889] {strides = array<i32>} : memref<32x768xf32, #tpu.memory_space<vmem>>, vector<1x16xf32>,
        %parallel_loop3A_891 = vector.shape_cast %parallel_loop3A_890 : vector<1x16xf32> to vector<16xf32>
        %parallel_loop3A_892 = arith.constant 27.7128124 : f32
        %parallel_loop3A_893 = vector.broadcast %parallel_loop3A_892 : f32 to vector<16xf32>
        %parallel_loop3A_894 = arith.mulf %parallel_loop3A_891, %parallel_loop3A_893 : vector<16xf32>
        %parallel_loop3A_895 = arith.addf %parallel_loop3A_894, %parallel_loop3A_886 : vector<16xf32>
        %parallel_loop3A_896 = arith.constant 4 : i32
        %parallel_loop3A_897 = arith.index_cast %parallel_loop3A_896 : i32 to index
        %parallel_loop3A_898 = arith.index_cast %parallel_loop3A_621 : i32 to index
        %parallel_loop3A_899 = tpu.vector_load %arg11[%parallel_loop3A_897, %parallel_loop3A_898] {strides = array<i32>} : memref<32x768xf32, #tpu.memory_space<vmem>>, vector<1x16xf32>,
        %parallel_loop3A_900 = vector.shape_cast %parallel_loop3A_899 : vector<1x16xf32> to vector<16xf32>
        %parallel_loop3A_901 = vector.shape_cast %parallel_loop3A_895 : vector<16xf32> to vector<1x16xf32>
        tpu.vector_store %arg11[%parallel_loop3A_897, %parallel_loop3A_898], %parallel_loop3A_901 {strides = array<i32>} : memref<32x768xf32, #tpu.memory_space<vmem>>, vector<1x16xf32>,
        %parallel_loop3A_902 = arith.constant 12 : i32
        %parallel_loop3A_903 = arith.index_cast %parallel_loop3A_902 : i32 to index
        %parallel_loop3A_904 = arith.index_cast %parallel_loop3A_621 : i32 to index
        %parallel_loop3A_905 = tpu.vector_load %arg9[%parallel_loop3A_903, %parallel_loop3A_904] {strides = array<i32>} : memref<32x768xf32, #tpu.memory_space<vmem>>, vector<1x16xf32>,
        %parallel_loop3A_906 = vector.shape_cast %parallel_loop3A_905 : vector<1x16xf32> to vector<16xf32>
        %parallel_loop3A_907 = arith.constant 27.7128124 : f32
        %parallel_loop3A_908 = vector.broadcast %parallel_loop3A_907 : f32 to vector<16xf32>
        %parallel_loop3A_909 = arith.mulf %parallel_loop3A_906, %parallel_loop3A_908 : vector<16xf32>
        %parallel_loop3A_910 = arith.addf %parallel_loop3A_909, %parallel_loop3A_886 : vector<16xf32>
        %parallel_loop3A_911 = arith.constant 12 : i32
        %parallel_loop3A_912 = arith.index_cast %parallel_loop3A_911 : i32 to index
        %parallel_loop3A_913 = arith.index_cast %parallel_loop3A_621 : i32 to index
        %parallel_loop3A_914 = tpu.vector_load %arg11[%parallel_loop3A_912, %parallel_loop3A_913] {strides = array<i32>} : memref<32x768xf32, #tpu.memory_space<vmem>>, vector<1x16xf32>,
        %parallel_loop3A_915 = vector.shape_cast %parallel_loop3A_914 : vector<1x16xf32> to vector<16xf32>
        %parallel_loop3A_916 = vector.shape_cast %parallel_loop3A_910 : vector<16xf32> to vector<1x16xf32>
        tpu.vector_store %arg11[%parallel_loop3A_912, %parallel_loop3A_913], %parallel_loop3A_916 {strides = array<i32>} : memref<32x768xf32, #tpu.memory_space<vmem>>, vector<1x16xf32>,
        %parallel_loop3A_917 = arith.constant 20 : i32
        %parallel_loop3A_918 = arith.index_cast %parallel_loop3A_917 : i32 to index
        %parallel_loop3A_919 = arith.index_cast %parallel_loop3A_621 : i32 to index
        %parallel_loop3A_920 = tpu.vector_load %arg9[%parallel_loop3A_918, %parallel_loop3A_919] {strides = array<i32>} : memref<32x768xf32, #tpu.memory_space<vmem>>, vector<1x16xf32>,
        %parallel_loop3A_921 = vector.shape_cast %parallel_loop3A_920 : vector<1x16xf32> to vector<16xf32>
        %parallel_loop3A_922 = arith.constant 27.7128124 : f32
        %parallel_loop3A_923 = vector.broadcast %parallel_loop3A_922 : f32 to vector<16xf32>
        %parallel_loop3A_924 = arith.mulf %parallel_loop3A_921, %parallel_loop3A_923 : vector<16xf32>
        %parallel_loop3A_925 = arith.addf %parallel_loop3A_924, %parallel_loop3A_886 : vector<16xf32>
        %parallel_loop3A_926 = arith.constant 20 : i32
        %parallel_loop3A_927 = arith.index_cast %parallel_loop3A_926 : i32 to index
        %parallel_loop3A_928 = arith.index_cast %parallel_loop3A_621 : i32 to index
        %parallel_loop3A_929 = tpu.vector_load %arg11[%parallel_loop3A_927, %parallel_loop3A_928] {strides = array<i32>} : memref<32x768xf32, #tpu.memory_space<vmem>>, vector<1x16xf32>,
        %parallel_loop3A_930 = vector.shape_cast %parallel_loop3A_929 : vector<1x16xf32> to vector<16xf32>
        %parallel_loop3A_931 = vector.shape_cast %parallel_loop3A_925 : vector<16xf32> to vector<1x16xf32>
        tpu.vector_store %arg11[%parallel_loop3A_927, %parallel_loop3A_928], %parallel_loop3A_931 {strides = array<i32>} : memref<32x768xf32, #tpu.memory_space<vmem>>, vector<1x16xf32>,
        %parallel_loop3A_932 = arith.constant 28 : i32
        %parallel_loop3A_933 = arith.index_cast %parallel_loop3A_932 : i32 to index
        %parallel_loop3A_934 = arith.index_cast %parallel_loop3A_621 : i32 to index
        %parallel_loop3A_935 = tpu.vector_load %arg9[%parallel_loop3A_933, %parallel_loop3A_934] {strides = array<i32>} : memref<32x768xf32, #tpu.memory_space<vmem>>, vector<1x16xf32>,
        %parallel_loop3A_936 = vector.shape_cast %parallel_loop3A_935 : vector<1x16xf32> to vector<16xf32>
        %parallel_loop3A_937 = arith.constant 27.7128124 : f32
        %parallel_loop3A_938 = vector.broadcast %parallel_loop3A_937 : f32 to vector<16xf32>
        %parallel_loop3A_939 = arith.mulf %parallel_loop3A_936, %parallel_loop3A_938 : vector<16xf32>
        %parallel_loop3A_940 = arith.addf %parallel_loop3A_939, %parallel_loop3A_886 : vector<16xf32>
        %parallel_loop3A_941 = arith.constant 28 : i32
        %parallel_loop3A_942 = arith.index_cast %parallel_loop3A_941 : i32 to index
        %parallel_loop3A_943 = arith.index_cast %parallel_loop3A_621 : i32 to index
        %parallel_loop3A_944 = tpu.vector_load %arg11[%parallel_loop3A_942, %parallel_loop3A_943] {strides = array<i32>} : memref<32x768xf32, #tpu.memory_space<vmem>>, vector<1x16xf32>,
        %parallel_loop3A_945 = vector.shape_cast %parallel_loop3A_944 : vector<1x16xf32> to vector<16xf32>
        %parallel_loop3A_946 = vector.shape_cast %parallel_loop3A_940 : vector<16xf32> to vector<1x16xf32>
        tpu.vector_store %arg11[%parallel_loop3A_942, %parallel_loop3A_943], %parallel_loop3A_946 {strides = array<i32>} : memref<32x768xf32, #tpu.memory_space<vmem>>, vector<1x16xf32>,
        %parallel_loop3A_947 = arith.constant 5 : i32
        %parallel_loop3A_948 = arith.index_cast %parallel_loop3A_947 : i32 to index
        %parallel_loop3A_949 = arith.index_cast %parallel_loop3A_621 : i32 to index
        %parallel_loop3A_950 = tpu.vector_load %arg13[%parallel_loop3A_948, %parallel_loop3A_949] {strides = array<i32>} : memref<8x768xf32, #tpu.memory_space<vmem>>, vector<1x16xf32>,
        %parallel_loop3A_951 = vector.shape_cast %parallel_loop3A_950 : vector<1x16xf32> to vector<16xf32>
        %parallel_loop3A_952 = arith.constant 5 : i32
        %parallel_loop3A_953 = arith.index_cast %parallel_loop3A_952 : i32 to index
        %parallel_loop3A_954 = arith.index_cast %parallel_loop3A_621 : i32 to index
        %parallel_loop3A_955 = tpu.vector_load %arg9[%parallel_loop3A_953, %parallel_loop3A_954] {strides = array<i32>} : memref<32x768xf32, #tpu.memory_space<vmem>>, vector<1x16xf32>,
        %parallel_loop3A_956 = vector.shape_cast %parallel_loop3A_955 : vector<1x16xf32> to vector<16xf32>
        %parallel_loop3A_957 = arith.constant 27.7128124 : f32
        %parallel_loop3A_958 = vector.broadcast %parallel_loop3A_957 : f32 to vector<16xf32>
        %parallel_loop3A_959 = arith.mulf %parallel_loop3A_956, %parallel_loop3A_958 : vector<16xf32>
        %parallel_loop3A_960 = arith.addf %parallel_loop3A_959, %parallel_loop3A_951 : vector<16xf32>
        %parallel_loop3A_961 = arith.constant 5 : i32
        %parallel_loop3A_962 = arith.index_cast %parallel_loop3A_961 : i32 to index
        %parallel_loop3A_963 = arith.index_cast %parallel_loop3A_621 : i32 to index
        %parallel_loop3A_964 = tpu.vector_load %arg11[%parallel_loop3A_962, %parallel_loop3A_963] {strides = array<i32>} : memref<32x768xf32, #tpu.memory_space<vmem>>, vector<1x16xf32>,
        %parallel_loop3A_965 = vector.shape_cast %parallel_loop3A_964 : vector<1x16xf32> to vector<16xf32>
        %parallel_loop3A_966 = vector.shape_cast %parallel_loop3A_960 : vector<16xf32> to vector<1x16xf32>
        tpu.vector_store %arg11[%parallel_loop3A_962, %parallel_loop3A_963], %parallel_loop3A_966 {strides = array<i32>} : memref<32x768xf32, #tpu.memory_space<vmem>>, vector<1x16xf32>,
        %parallel_loop3A_967 = arith.constant 13 : i32
        %parallel_loop3A_968 = arith.index_cast %parallel_loop3A_967 : i32 to index
        %parallel_loop3A_969 = arith.index_cast %parallel_loop3A_621 : i32 to index
        %parallel_loop3A_970 = tpu.vector_load %arg9[%parallel_loop3A_968, %parallel_loop3A_969] {strides = array<i32>} : memref<32x768xf32, #tpu.memory_space<vmem>>, vector<1x16xf32>,
        %parallel_loop3A_971 = vector.shape_cast %parallel_loop3A_970 : vector<1x16xf32> to vector<16xf32>
        %parallel_loop3A_972 = arith.constant 27.7128124 : f32
        %parallel_loop3A_973 = vector.broadcast %parallel_loop3A_972 : f32 to vector<16xf32>
        %parallel_loop3A_974 = arith.mulf %parallel_loop3A_971, %parallel_loop3A_973 : vector<16xf32>
        %parallel_loop3A_975 = arith.addf %parallel_loop3A_974, %parallel_loop3A_951 : vector<16xf32>
        %parallel_loop3A_976 = arith.constant 13 : i32
        %parallel_loop3A_977 = arith.index_cast %parallel_loop3A_976 : i32 to index
        %parallel_loop3A_978 = arith.index_cast %parallel_loop3A_621 : i32 to index
        %parallel_loop3A_979 = tpu.vector_load %arg11[%parallel_loop3A_977, %parallel_loop3A_978] {strides = array<i32>} : memref<32x768xf32, #tpu.memory_space<vmem>>, vector<1x16xf32>,
        %parallel_loop3A_980 = vector.shape_cast %parallel_loop3A_979 : vector<1x16xf32> to vector<16xf32>
        %parallel_loop3A_981 = vector.shape_cast %parallel_loop3A_975 : vector<16xf32> to vector<1x16xf32>
        tpu.vector_store %arg11[%parallel_loop3A_977, %parallel_loop3A_978], %parallel_loop3A_981 {strides = array<i32>} : memref<32x768xf32, #tpu.memory_space<vmem>>, vector<1x16xf32>,
        %parallel_loop3A_982 = arith.constant 21 : i32
        %parallel_loop3A_983 = arith.index_cast %parallel_loop3A_982 : i32 to index
        %parallel_loop3A_984 = arith.index_cast %parallel_loop3A_621 : i32 to index
        %parallel_loop3A_985 = tpu.vector_load %arg9[%parallel_loop3A_983, %parallel_loop3A_984] {strides = array<i32>} : memref<32x768xf32, #tpu.memory_space<vmem>>, vector<1x16xf32>,
        %parallel_loop3A_986 = vector.shape_cast %parallel_loop3A_985 : vector<1x16xf32> to vector<16xf32>
        %parallel_loop3A_987 = arith.constant 27.7128124 : f32
        %parallel_loop3A_988 = vector.broadcast %parallel_loop3A_987 : f32 to vector<16xf32>
        %parallel_loop3A_989 = arith.mulf %parallel_loop3A_986, %parallel_loop3A_988 : vector<16xf32>
        %parallel_loop3A_990 = arith.addf %parallel_loop3A_989, %parallel_loop3A_951 : vector<16xf32>
        %parallel_loop3A_991 = arith.constant 21 : i32
        %parallel_loop3A_992 = arith.index_cast %parallel_loop3A_991 : i32 to index
        %parallel_loop3A_993 = arith.index_cast %parallel_loop3A_621 : i32 to index
        %parallel_loop3A_994 = tpu.vector_load %arg11[%parallel_loop3A_992, %parallel_loop3A_993] {strides = array<i32>} : memref<32x768xf32, #tpu.memory_space<vmem>>, vector<1x16xf32>,
        %parallel_loop3A_995 = vector.shape_cast %parallel_loop3A_994 : vector<1x16xf32> to vector<16xf32>
        %parallel_loop3A_996 = vector.shape_cast %parallel_loop3A_990 : vector<16xf32> to vector<1x16xf32>
        tpu.vector_store %arg11[%parallel_loop3A_992, %parallel_loop3A_993], %parallel_loop3A_996 {strides = array<i32>} : memref<32x768xf32, #tpu.memory_space<vmem>>, vector<1x16xf32>,
        %parallel_loop3A_997 = arith.constant 29 : i32
        %parallel_loop3A_998 = arith.index_cast %parallel_loop3A_997 : i32 to index
        %parallel_loop3A_999 = arith.index_cast %parallel_loop3A_621 : i32 to index
        %parallel_loop3A_1000 = tpu.vector_load %arg9[%parallel_loop3A_998, %parallel_loop3A_999] {strides = array<i32>} : memref<32x768xf32, #tpu.memory_space<vmem>>, vector<1x16xf32>,
        %parallel_loop3A_1001 = vector.shape_cast %parallel_loop3A_1000 : vector<1x16xf32> to vector<16xf32>
        %parallel_loop3A_1002 = arith.constant 27.7128124 : f32
        %parallel_loop3A_1003 = vector.broadcast %parallel_loop3A_1002 : f32 to vector<16xf32>
        %parallel_loop3A_1004 = arith.mulf %parallel_loop3A_1001, %parallel_loop3A_1003 : vector<16xf32>
        %parallel_loop3A_1005 = arith.addf %parallel_loop3A_1004, %parallel_loop3A_951 : vector<16xf32>
        %parallel_loop3A_1006 = arith.constant 29 : i32
        %parallel_loop3A_1007 = arith.index_cast %parallel_loop3A_1006 : i32 to index
        %parallel_loop3A_1008 = arith.index_cast %parallel_loop3A_621 : i32 to index
        %parallel_loop3A_1009 = tpu.vector_load %arg11[%parallel_loop3A_1007, %parallel_loop3A_1008] {strides = array<i32>} : memref<32x768xf32, #tpu.memory_space<vmem>>, vector<1x16xf32>,
        %parallel_loop3A_1010 = vector.shape_cast %parallel_loop3A_1009 : vector<1x16xf32> to vector<16xf32>
        %parallel_loop3A_1011 = vector.shape_cast %parallel_loop3A_1005 : vector<16xf32> to vector<1x16xf32>
        tpu.vector_store %arg11[%parallel_loop3A_1007, %parallel_loop3A_1008], %parallel_loop3A_1011 {strides = array<i32>} : memref<32x768xf32, #tpu.memory_space<vmem>>, vector<1x16xf32>,
        %parallel_loop3A_1012 = arith.constant 6 : i32
        %parallel_loop3A_1013 = arith.index_cast %parallel_loop3A_1012 : i32 to index
        %parallel_loop3A_1014 = arith.index_cast %parallel_loop3A_621 : i32 to index
        %parallel_loop3A_1015 = tpu.vector_load %arg13[%parallel_loop3A_1013, %parallel_loop3A_1014] {strides = array<i32>} : memref<8x768xf32, #tpu.memory_space<vmem>>, vector<1x16xf32>,
        %parallel_loop3A_1016 = vector.shape_cast %parallel_loop3A_1015 : vector<1x16xf32> to vector<16xf32>
        %parallel_loop3A_1017 = arith.constant 6 : i32
        %parallel_loop3A_1018 = arith.index_cast %parallel_loop3A_1017 : i32 to index
        %parallel_loop3A_1019 = arith.index_cast %parallel_loop3A_621 : i32 to index
        %parallel_loop3A_1020 = tpu.vector_load %arg9[%parallel_loop3A_1018, %parallel_loop3A_1019] {strides = array<i32>} : memref<32x768xf32, #tpu.memory_space<vmem>>, vector<1x16xf32>,
        %parallel_loop3A_1021 = vector.shape_cast %parallel_loop3A_1020 : vector<1x16xf32> to vector<16xf32>
        %parallel_loop3A_1022 = arith.constant 27.7128124 : f32
        %parallel_loop3A_1023 = vector.broadcast %parallel_loop3A_1022 : f32 to vector<16xf32>
        %parallel_loop3A_1024 = arith.mulf %parallel_loop3A_1021, %parallel_loop3A_1023 : vector<16xf32>
        %parallel_loop3A_1025 = arith.addf %parallel_loop3A_1024, %parallel_loop3A_1016 : vector<16xf32>
        %parallel_loop3A_1026 = arith.constant 6 : i32
        %parallel_loop3A_1027 = arith.index_cast %parallel_loop3A_1026 : i32 to index
        %parallel_loop3A_1028 = arith.index_cast %parallel_loop3A_621 : i32 to index
        %parallel_loop3A_1029 = tpu.vector_load %arg11[%parallel_loop3A_1027, %parallel_loop3A_1028] {strides = array<i32>} : memref<32x768xf32, #tpu.memory_space<vmem>>, vector<1x16xf32>,
        %parallel_loop3A_1030 = vector.shape_cast %parallel_loop3A_1029 : vector<1x16xf32> to vector<16xf32>
        %parallel_loop3A_1031 = vector.shape_cast %parallel_loop3A_1025 : vector<16xf32> to vector<1x16xf32>
        tpu.vector_store %arg11[%parallel_loop3A_1027, %parallel_loop3A_1028], %parallel_loop3A_1031 {strides = array<i32>} : memref<32x768xf32, #tpu.memory_space<vmem>>, vector<1x16xf32>,
        %parallel_loop3A_1032 = arith.constant 14 : i32
        %parallel_loop3A_1033 = arith.index_cast %parallel_loop3A_1032 : i32 to index
        %parallel_loop3A_1034 = arith.index_cast %parallel_loop3A_621 : i32 to index
        %parallel_loop3A_1035 = tpu.vector_load %arg9[%parallel_loop3A_1033, %parallel_loop3A_1034] {strides = array<i32>} : memref<32x768xf32, #tpu.memory_space<vmem>>, vector<1x16xf32>,
        %parallel_loop3A_1036 = vector.shape_cast %parallel_loop3A_1035 : vector<1x16xf32> to vector<16xf32>
        %parallel_loop3A_1037 = arith.constant 27.7128124 : f32
        %parallel_loop3A_1038 = vector.broadcast %parallel_loop3A_1037 : f32 to vector<16xf32>
        %parallel_loop3A_1039 = arith.mulf %parallel_loop3A_1036, %parallel_loop3A_1038 : vector<16xf32>
        %parallel_loop3A_1040 = arith.addf %parallel_loop3A_1039, %parallel_loop3A_1016 : vector<16xf32>
        %parallel_loop3A_1041 = arith.constant 14 : i32
        %parallel_loop3A_1042 = arith.index_cast %parallel_loop3A_1041 : i32 to index
        %parallel_loop3A_1043 = arith.index_cast %parallel_loop3A_621 : i32 to index
        %parallel_loop3A_1044 = tpu.vector_load %arg11[%parallel_loop3A_1042, %parallel_loop3A_1043] {strides = array<i32>} : memref<32x768xf32, #tpu.memory_space<vmem>>, vector<1x16xf32>,
        %parallel_loop3A_1045 = vector.shape_cast %parallel_loop3A_1044 : vector<1x16xf32> to vector<16xf32>
        %parallel_loop3A_1046 = vector.shape_cast %parallel_loop3A_1040 : vector<16xf32> to vector<1x16xf32>
        tpu.vector_store %arg11[%parallel_loop3A_1042, %parallel_loop3A_1043], %parallel_loop3A_1046 {strides = array<i32>} : memref<32x768xf32, #tpu.memory_space<vmem>>, vector<1x16xf32>,
        %parallel_loop3A_1047 = arith.constant 22 : i32
        %parallel_loop3A_1048 = arith.index_cast %parallel_loop3A_1047 : i32 to index
        %parallel_loop3A_1049 = arith.index_cast %parallel_loop3A_621 : i32 to index
        %parallel_loop3A_1050 = tpu.vector_load %arg9[%parallel_loop3A_1048, %parallel_loop3A_1049] {strides = array<i32>} : memref<32x768xf32, #tpu.memory_space<vmem>>, vector<1x16xf32>,
        %parallel_loop3A_1051 = vector.shape_cast %parallel_loop3A_1050 : vector<1x16xf32> to vector<16xf32>
        %parallel_loop3A_1052 = arith.constant 27.7128124 : f32
        %parallel_loop3A_1053 = vector.broadcast %parallel_loop3A_1052 : f32 to vector<16xf32>
        %parallel_loop3A_1054 = arith.mulf %parallel_loop3A_1051, %parallel_loop3A_1053 : vector<16xf32>
        %parallel_loop3A_1055 = arith.addf %parallel_loop3A_1054, %parallel_loop3A_1016 : vector<16xf32>
        %parallel_loop3A_1056 = arith.constant 22 : i32
        %parallel_loop3A_1057 = arith.index_cast %parallel_loop3A_1056 : i32 to index
        %parallel_loop3A_1058 = arith.index_cast %parallel_loop3A_621 : i32 to index
        %parallel_loop3A_1059 = tpu.vector_load %arg11[%parallel_loop3A_1057, %parallel_loop3A_1058] {strides = array<i32>} : memref<32x768xf32, #tpu.memory_space<vmem>>, vector<1x16xf32>,
        %parallel_loop3A_1060 = vector.shape_cast %parallel_loop3A_1059 : vector<1x16xf32> to vector<16xf32>
        %parallel_loop3A_1061 = vector.shape_cast %parallel_loop3A_1055 : vector<16xf32> to vector<1x16xf32>
        tpu.vector_store %arg11[%parallel_loop3A_1057, %parallel_loop3A_1058], %parallel_loop3A_1061 {strides = array<i32>} : memref<32x768xf32, #tpu.memory_space<vmem>>, vector<1x16xf32>,
        %parallel_loop3A_1062 = arith.constant 30 : i32
        %parallel_loop3A_1063 = arith.index_cast %parallel_loop3A_1062 : i32 to index
        %parallel_loop3A_1064 = arith.index_cast %parallel_loop3A_621 : i32 to index
        %parallel_loop3A_1065 = tpu.vector_load %arg9[%parallel_loop3A_1063, %parallel_loop3A_1064] {strides = array<i32>} : memref<32x768xf32, #tpu.memory_space<vmem>>, vector<1x16xf32>,
        %parallel_loop3A_1066 = vector.shape_cast %parallel_loop3A_1065 : vector<1x16xf32> to vector<16xf32>
        %parallel_loop3A_1067 = arith.constant 27.7128124 : f32
        %parallel_loop3A_1068 = vector.broadcast %parallel_loop3A_1067 : f32 to vector<16xf32>
        %parallel_loop3A_1069 = arith.mulf %parallel_loop3A_1066, %parallel_loop3A_1068 : vector<16xf32>
        %parallel_loop3A_1070 = arith.addf %parallel_loop3A_1069, %parallel_loop3A_1016 : vector<16xf32>
        %parallel_loop3A_1071 = arith.constant 30 : i32
        %parallel_loop3A_1072 = arith.index_cast %parallel_loop3A_1071 : i32 to index
        %parallel_loop3A_1073 = arith.index_cast %parallel_loop3A_621 : i32 to index
        %parallel_loop3A_1074 = tpu.vector_load %arg11[%parallel_loop3A_1072, %parallel_loop3A_1073] {strides = array<i32>} : memref<32x768xf32, #tpu.memory_space<vmem>>, vector<1x16xf32>,
        %parallel_loop3A_1075 = vector.shape_cast %parallel_loop3A_1074 : vector<1x16xf32> to vector<16xf32>
        %parallel_loop3A_1076 = vector.shape_cast %parallel_loop3A_1070 : vector<16xf32> to vector<1x16xf32>
        tpu.vector_store %arg11[%parallel_loop3A_1072, %parallel_loop3A_1073], %parallel_loop3A_1076 {strides = array<i32>} : memref<32x768xf32, #tpu.memory_space<vmem>>, vector<1x16xf32>,
        %parallel_loop3A_1077 = arith.constant 7 : i32
        %parallel_loop3A_1078 = arith.index_cast %parallel_loop3A_1077 : i32 to index
        %parallel_loop3A_1079 = arith.index_cast %parallel_loop3A_621 : i32 to index
        %parallel_loop3A_1080 = tpu.vector_load %arg13[%parallel_loop3A_1078, %parallel_loop3A_1079] {strides = array<i32>} : memref<8x768xf32, #tpu.memory_space<vmem>>, vector<1x16xf32>,
        %parallel_loop3A_1081 = vector.shape_cast %parallel_loop3A_1080 : vector<1x16xf32> to vector<16xf32>
        %parallel_loop3A_1082 = arith.constant 7 : i32
        %parallel_loop3A_1083 = arith.index_cast %parallel_loop3A_1082 : i32 to index
        %parallel_loop3A_1084 = arith.index_cast %parallel_loop3A_621 : i32 to index
        %parallel_loop3A_1085 = tpu.vector_load %arg9[%parallel_loop3A_1083, %parallel_loop3A_1084] {strides = array<i32>} : memref<32x768xf32, #tpu.memory_space<vmem>>, vector<1x16xf32>,
        %parallel_loop3A_1086 = vector.shape_cast %parallel_loop3A_1085 : vector<1x16xf32> to vector<16xf32>
        %parallel_loop3A_1087 = arith.constant 27.7128124 : f32
        %parallel_loop3A_1088 = vector.broadcast %parallel_loop3A_1087 : f32 to vector<16xf32>
        %parallel_loop3A_1089 = arith.mulf %parallel_loop3A_1086, %parallel_loop3A_1088 : vector<16xf32>
        %parallel_loop3A_1090 = arith.addf %parallel_loop3A_1089, %parallel_loop3A_1081 : vector<16xf32>
        %parallel_loop3A_1091 = arith.constant 7 : i32
        %parallel_loop3A_1092 = arith.index_cast %parallel_loop3A_1091 : i32 to index
        %parallel_loop3A_1093 = arith.index_cast %parallel_loop3A_621 : i32 to index
        %parallel_loop3A_1094 = tpu.vector_load %arg11[%parallel_loop3A_1092, %parallel_loop3A_1093] {strides = array<i32>} : memref<32x768xf32, #tpu.memory_space<vmem>>, vector<1x16xf32>,
        %parallel_loop3A_1095 = vector.shape_cast %parallel_loop3A_1094 : vector<1x16xf32> to vector<16xf32>
        %parallel_loop3A_1096 = vector.shape_cast %parallel_loop3A_1090 : vector<16xf32> to vector<1x16xf32>
        tpu.vector_store %arg11[%parallel_loop3A_1092, %parallel_loop3A_1093], %parallel_loop3A_1096 {strides = array<i32>} : memref<32x768xf32, #tpu.memory_space<vmem>>, vector<1x16xf32>,
        %parallel_loop3A_1097 = arith.constant 15 : i32
        %parallel_loop3A_1098 = arith.index_cast %parallel_loop3A_1097 : i32 to index
        %parallel_loop3A_1099 = arith.index_cast %parallel_loop3A_621 : i32 to index
        %parallel_loop3A_1100 = tpu.vector_load %arg9[%parallel_loop3A_1098, %parallel_loop3A_1099] {strides = array<i32>} : memref<32x768xf32, #tpu.memory_space<vmem>>, vector<1x16xf32>,
        %parallel_loop3A_1101 = vector.shape_cast %parallel_loop3A_1100 : vector<1x16xf32> to vector<16xf32>
        %parallel_loop3A_1102 = arith.constant 27.7128124 : f32
        %parallel_loop3A_1103 = vector.broadcast %parallel_loop3A_1102 : f32 to vector<16xf32>
        %parallel_loop3A_1104 = arith.mulf %parallel_loop3A_1101, %parallel_loop3A_1103 : vector<16xf32>
        %parallel_loop3A_1105 = arith.addf %parallel_loop3A_1104, %parallel_loop3A_1081 : vector<16xf32>
        %parallel_loop3A_1106 = arith.constant 15 : i32
        %parallel_loop3A_1107 = arith.index_cast %parallel_loop3A_1106 : i32 to index
        %parallel_loop3A_1108 = arith.index_cast %parallel_loop3A_621 : i32 to index
        %parallel_loop3A_1109 = tpu.vector_load %arg11[%parallel_loop3A_1107, %parallel_loop3A_1108] {strides = array<i32>} : memref<32x768xf32, #tpu.memory_space<vmem>>, vector<1x16xf32>,
        %parallel_loop3A_1110 = vector.shape_cast %parallel_loop3A_1109 : vector<1x16xf32> to vector<16xf32>
        %parallel_loop3A_1111 = vector.shape_cast %parallel_loop3A_1105 : vector<16xf32> to vector<1x16xf32>
        tpu.vector_store %arg11[%parallel_loop3A_1107, %parallel_loop3A_1108], %parallel_loop3A_1111 {strides = array<i32>} : memref<32x768xf32, #tpu.memory_space<vmem>>, vector<1x16xf32>,
        %parallel_loop3A_1112 = arith.constant 23 : i32
        %parallel_loop3A_1113 = arith.index_cast %parallel_loop3A_1112 : i32 to index
        %parallel_loop3A_1114 = arith.index_cast %parallel_loop3A_621 : i32 to index
        %parallel_loop3A_1115 = tpu.vector_load %arg9[%parallel_loop3A_1113, %parallel_loop3A_1114] {strides = array<i32>} : memref<32x768xf32, #tpu.memory_space<vmem>>, vector<1x16xf32>,
        %parallel_loop3A_1116 = vector.shape_cast %parallel_loop3A_1115 : vector<1x16xf32> to vector<16xf32>
        %parallel_loop3A_1117 = arith.constant 27.7128124 : f32
        %parallel_loop3A_1118 = vector.broadcast %parallel_loop3A_1117 : f32 to vector<16xf32>
        %parallel_loop3A_1119 = arith.mulf %parallel_loop3A_1116, %parallel_loop3A_1118 : vector<16xf32>
        %parallel_loop3A_1120 = arith.addf %parallel_loop3A_1119, %parallel_loop3A_1081 : vector<16xf32>
        %parallel_loop3A_1121 = arith.constant 23 : i32
        %parallel_loop3A_1122 = arith.index_cast %parallel_loop3A_1121 : i32 to index
        %parallel_loop3A_1123 = arith.index_cast %parallel_loop3A_621 : i32 to index
        %parallel_loop3A_1124 = tpu.vector_load %arg11[%parallel_loop3A_1122, %parallel_loop3A_1123] {strides = array<i32>} : memref<32x768xf32, #tpu.memory_space<vmem>>, vector<1x16xf32>,
        %parallel_loop3A_1125 = vector.shape_cast %parallel_loop3A_1124 : vector<1x16xf32> to vector<16xf32>
        %parallel_loop3A_1126 = vector.shape_cast %parallel_loop3A_1120 : vector<16xf32> to vector<1x16xf32>
        tpu.vector_store %arg11[%parallel_loop3A_1122, %parallel_loop3A_1123], %parallel_loop3A_1126 {strides = array<i32>} : memref<32x768xf32, #tpu.memory_space<vmem>>, vector<1x16xf32>,
        %parallel_loop3A_1127 = arith.constant 31 : i32
        %parallel_loop3A_1128 = arith.index_cast %parallel_loop3A_1127 : i32 to index
        %parallel_loop3A_1129 = arith.index_cast %parallel_loop3A_621 : i32 to index
        %parallel_loop3A_1130 = tpu.vector_load %arg9[%parallel_loop3A_1128, %parallel_loop3A_1129] {strides = array<i32>} : memref<32x768xf32, #tpu.memory_space<vmem>>, vector<1x16xf32>,
        %parallel_loop3A_1131 = vector.shape_cast %parallel_loop3A_1130 : vector<1x16xf32> to vector<16xf32>
        %parallel_loop3A_1132 = arith.constant 27.7128124 : f32
        %parallel_loop3A_1133 = vector.broadcast %parallel_loop3A_1132 : f32 to vector<16xf32>
        %parallel_loop3A_1134 = arith.mulf %parallel_loop3A_1131, %parallel_loop3A_1133 : vector<16xf32>
        %parallel_loop3A_1135 = arith.addf %parallel_loop3A_1134, %parallel_loop3A_1081 : vector<16xf32>
        %parallel_loop3A_1136 = arith.constant 31 : i32
        %parallel_loop3A_1137 = arith.index_cast %parallel_loop3A_1136 : i32 to index
        %parallel_loop3A_1138 = arith.index_cast %parallel_loop3A_621 : i32 to index
        %parallel_loop3A_1139 = tpu.vector_load %arg11[%parallel_loop3A_1137, %parallel_loop3A_1138] {strides = array<i32>} : memref<32x768xf32, #tpu.memory_space<vmem>>, vector<1x16xf32>,
        %parallel_loop3A_1140 = vector.shape_cast %parallel_loop3A_1139 : vector<1x16xf32> to vector<16xf32>
        %parallel_loop3A_1141 = vector.shape_cast %parallel_loop3A_1135 : vector<16xf32> to vector<1x16xf32>
        tpu.vector_store %arg11[%parallel_loop3A_1137, %parallel_loop3A_1138], %parallel_loop3A_1141 {strides = array<i32>} : memref<32x768xf32, #tpu.memory_space<vmem>>, vector<1x16xf32>,
      } {sc.loop_unroll_factor = 1 : i64, sc.parallel_access}
      %lt3A = arith.constant 3 : i32
      %lt3A_465 = arith.cmpi slt, %scan3A_443, %lt3A : i32
      %convert_element_type3A_466 = arith.extui %lt3A_465 : i1 to i32
      %cond3A_467 = arith.constant 0 : i32
      %cond3A_468 = arith.cmpi ne, %convert_element_type3A_466, %cond3A_467 : i32
      scf.if %cond3A_468 {
        %add3A_619 = arith.constant 2 : i32
        %add3A_620 = arith.addi %add3A_447, %add3A_619 : i32
        %mul3A_621 = arith.constant 8 : i32
        %mul3A_622 = arith.muli %add3A_620, %mul3A_621 : i32
        %add3A_623 = arith.addi %mul3A_2, %mul3A_622 : i32
        %dma_start3A_624 = arith.constant 0 : i32
        %dma_start3A_625 = tpu.memref_slice %arg7[%add3A_620, %dma_start3A_624] : memref<8x32xi32, #tpu.memory_space<vmem>> -> memref<1x32xi32, #tpu.memory_space<vmem>>
        %dma_start3A_626 = tpu.memref_squeeze %dma_start3A_625 : memref<1x32xi32, #tpu.memory_space<vmem>> -> memref<32xi32, #tpu.memory_space<vmem>>
        %dma_start3A_627 = arith.constant 0 : i32
        %dma_start3A_628 = arith.constant 0 : i32
        %dma_start3A_629 = tpu.memref_slice %arg3[%dma_start3A_627, %dma_start3A_628] : memref<100000x768xf32, #tpu.memory_space<hbm>> -> memref<100000x768xf32, #tpu.memory_space<hbm>>
        tpu.enqueue_indirect_dma source(%dma_start3A_629 : memref<100000x768xf32, #tpu.memory_space<hbm>>) target(%arg9 : memref<32x768xf32, #tpu.memory_space<vmem>>) offsets(%dma_start3A_626 : memref<32xi32, #tpu.memory_space<vmem>>) semaphore(%arg15 : memref<!tpu.dma_semaphore, #tpu.memory_space<semaphore_mem>>)
        %dma_start3A_630 = arith.constant 0 : i32
        %dma_start3A_631 = tpu.memref_slice %arg4[%add3A_623, %dma_start3A_630] : memref<2048x768xf32, #tpu.memory_space<hbm>> -> memref<8x768xf32, #tpu.memory_space<hbm>>
        %dma_start3A_632 = arith.constant 0 : i32
        %dma_start3A_633 = tpu.memref_slice %arg4[%add3A_623, %dma_start3A_632] : memref<2048x768xf32, #tpu.memory_space<hbm>> -> memref<8x768xf32, #tpu.memory_space<hbm>>
        tpu.enqueue_dma source(%dma_start3A_633 : memref<8x768xf32, #tpu.memory_space<hbm>>) target(%arg13 : memref<8x768xf32, #tpu.memory_space<vmem>>) target_semaphore(%arg17 : memref<!tpu.dma_semaphore, #tpu.memory_space<semaphore_mem>>)
      } else {
      }
      %add3A_469 = arith.constant 0 : i32
      %add3A_470 = arith.addi %add3A_469, %mul3A_2 : i32
      %mul3A_471 = arith.constant 8 : i32
      %mul3A_472 = arith.muli %add3A_447, %mul3A_471 : i32
      %add3A_473 = arith.addi %add3A_470, %mul3A_472 : i32
      %add3A_474 = arith.constant 2048 : i32
      %add3A_475 = arith.addi %add3A_474, %mul3A_2 : i32
      %mul3A_476 = arith.constant 8 : i32
      %mul3A_477 = arith.muli %add3A_447, %mul3A_476 : i32
      %add3A_478 = arith.addi %add3A_475, %mul3A_477 : i32
      %add3A_479 = arith.constant 4096 : i32
      %add3A_480 = arith.addi %add3A_479, %mul3A_2 : i32
      %mul3A_481 = arith.constant 8 : i32
      %mul3A_482 = arith.muli %add3A_447, %mul3A_481 : i32
      %add3A_483 = arith.addi %add3A_480, %mul3A_482 : i32
      %add3A_484 = arith.constant 6144 : i32
      %add3A_485 = arith.addi %add3A_484, %mul3A_2 : i32
      %mul3A_486 = arith.constant 8 : i32
      %mul3A_487 = arith.muli %add3A_447, %mul3A_486 : i32
      %add3A_488 = arith.addi %add3A_485, %mul3A_487 : i32
      %dma_start3A_489 = arith.constant 0 : i32
      %dma_start3A_490 = arith.constant 0 : i32
      %dma_start3A_491 = tpu.memref_slice %arg11[%dma_start3A_489, %dma_start3A_490] : memref<32x768xf32, #tpu.memory_space<vmem>> -> memref<8x768xf32, #tpu.memory_space<vmem>>
      %dma_start3A_492 = arith.constant 0 : i32
      %dma_start3A_493 = tpu.memref_slice %arg5[%add3A_473, %dma_start3A_492] : memref<8192x768xf32, #tpu.memory_space<hbm>> -> memref<8x768xf32, #tpu.memory_space<hbm>>
      %dma_start3A_494 = arith.constant 0 : i32
      %dma_start3A_495 = tpu.memref_slice %arg5[%add3A_473, %dma_start3A_494] : memref<8192x768xf32, #tpu.memory_space<hbm>> -> memref<8x768xf32, #tpu.memory_space<hbm>>
      %dma_start3A_496 = arith.constant 0 : i32
      %dma_start3A_497 = arith.constant 0 : i32
      %dma_start3A_498 = tpu.memref_slice %arg11[%dma_start3A_496, %dma_start3A_497] : memref<32x768xf32, #tpu.memory_space<vmem>> -> memref<8x768xf32, #tpu.memory_space<vmem>>
      tpu.enqueue_dma source(%dma_start3A_498 : memref<8x768xf32, #tpu.memory_space<vmem>>) target(%dma_start3A_495 : memref<8x768xf32, #tpu.memory_space<hbm>>) target_semaphore(%arg19 : memref<!tpu.dma_semaphore, #tpu.memory_space<semaphore_mem>>)
      %dma_start3A_499 = arith.constant 8 : i32
      %dma_start3A_500 = arith.constant 0 : i32
      %dma_start3A_501 = tpu.memref_slice %arg11[%dma_start3A_499, %dma_start3A_500] : memref<32x768xf32, #tpu.memory_space<vmem>> -> memref<8x768xf32, #tpu.memory_space<vmem>>
      %dma_start3A_502 = arith.constant 0 : i32
      %dma_start3A_503 = tpu.memref_slice %arg5[%add3A_478, %dma_start3A_502] : memref<8192x768xf32, #tpu.memory_space<hbm>> -> memref<8x768xf32, #tpu.memory_space<hbm>>
      %dma_start3A_504 = arith.constant 0 : i32
      %dma_start3A_505 = tpu.memref_slice %arg5[%add3A_478, %dma_start3A_504] : memref<8192x768xf32, #tpu.memory_space<hbm>> -> memref<8x768xf32, #tpu.memory_space<hbm>>
      %dma_start3A_506 = arith.constant 8 : i32
      %dma_start3A_507 = arith.constant 0 : i32
      %dma_start3A_508 = tpu.memref_slice %arg11[%dma_start3A_506, %dma_start3A_507] : memref<32x768xf32, #tpu.memory_space<vmem>> -> memref<8x768xf32, #tpu.memory_space<vmem>>
      tpu.enqueue_dma source(%dma_start3A_508 : memref<8x768xf32, #tpu.memory_space<vmem>>) target(%dma_start3A_505 : memref<8x768xf32, #tpu.memory_space<hbm>>) target_semaphore(%arg19 : memref<!tpu.dma_semaphore, #tpu.memory_space<semaphore_mem>>)
      %dma_start3A_509 = arith.constant 16 : i32
      %dma_start3A_510 = arith.constant 0 : i32
      %dma_start3A_511 = tpu.memref_slice %arg11[%dma_start3A_509, %dma_start3A_510] : memref<32x768xf32, #tpu.memory_space<vmem>> -> memref<8x768xf32, #tpu.memory_space<vmem>>
      %dma_start3A_512 = arith.constant 0 : i32
      %dma_start3A_513 = tpu.memref_slice %arg5[%add3A_483, %dma_start3A_512] : memref<8192x768xf32, #tpu.memory_space<hbm>> -> memref<8x768xf32, #tpu.memory_space<hbm>>
      %dma_start3A_514 = arith.constant 0 : i32
      %dma_start3A_515 = tpu.memref_slice %arg5[%add3A_483, %dma_start3A_514] : memref<8192x768xf32, #tpu.memory_space<hbm>> -> memref<8x768xf32, #tpu.memory_space<hbm>>
      %dma_start3A_516 = arith.constant 16 : i32
      %dma_start3A_517 = arith.constant 0 : i32
      %dma_start3A_518 = tpu.memref_slice %arg11[%dma_start3A_516, %dma_start3A_517] : memref<32x768xf32, #tpu.memory_space<vmem>> -> memref<8x768xf32, #tpu.memory_space<vmem>>
      tpu.enqueue_dma source(%dma_start3A_518 : memref<8x768xf32, #tpu.memory_space<vmem>>) target(%dma_start3A_515 : memref<8x768xf32, #tpu.memory_space<hbm>>) target_semaphore(%arg19 : memref<!tpu.dma_semaphore, #tpu.memory_space<semaphore_mem>>)
      %dma_start3A_519 = arith.constant 24 : i32
      %dma_start3A_520 = arith.constant 0 : i32
      %dma_start3A_521 = tpu.memref_slice %arg11[%dma_start3A_519, %dma_start3A_520] : memref<32x768xf32, #tpu.memory_space<vmem>> -> memref<8x768xf32, #tpu.memory_space<vmem>>
      %dma_start3A_522 = arith.constant 0 : i32
      %dma_start3A_523 = tpu.memref_slice %arg5[%add3A_488, %dma_start3A_522] : memref<8192x768xf32, #tpu.memory_space<hbm>> -> memref<8x768xf32, #tpu.memory_space<hbm>>
      %dma_start3A_524 = arith.constant 0 : i32
      %dma_start3A_525 = tpu.memref_slice %arg5[%add3A_488, %dma_start3A_524] : memref<8192x768xf32, #tpu.memory_space<hbm>> -> memref<8x768xf32, #tpu.memory_space<hbm>>
      %dma_start3A_526 = arith.constant 24 : i32
      %dma_start3A_527 = arith.constant 0 : i32
      %dma_start3A_528 = tpu.memref_slice %arg11[%dma_start3A_526, %dma_start3A_527] : memref<32x768xf32, #tpu.memory_space<vmem>> -> memref<8x768xf32, #tpu.memory_space<vmem>>
      tpu.enqueue_dma source(%dma_start3A_528 : memref<8x768xf32, #tpu.memory_space<vmem>>) target(%dma_start3A_525 : memref<8x768xf32, #tpu.memory_space<hbm>>) target_semaphore(%arg19 : memref<!tpu.dma_semaphore, #tpu.memory_space<semaphore_mem>>)
      %mul3A_529 = arith.constant 2 : i32
      %mul3A_530 = arith.muli %mul3A_529, %scan3A_443 : i32
      %add3A_531 = arith.constant 1 : i32
      %add3A_532 = arith.addi %mul3A_530, %add3A_531 : i32
      %mul3A_533 = arith.constant 8 : i32
      %mul3A_534 = arith.muli %add3A_532, %mul3A_533 : i32
      %add3A_535 = arith.addi %mul3A_2, %mul3A_534 : i32
      %dma_wait3A_536 = arith.constant 0 : i32
      %dma_wait3A_537 = tpu.memref_slice %arg7[%add3A_532, %dma_wait3A_536] : memref<8x32xi32, #tpu.memory_space<vmem>> -> memref<1x32xi32, #tpu.memory_space<vmem>>
      %dma_wait3A_538 = tpu.memref_squeeze %dma_wait3A_537 : memref<1x32xi32, #tpu.memory_space<vmem>> -> memref<32xi32, #tpu.memory_space<vmem>>
      %dma_wait3A_539 = arith.constant 0 : i32
      %dma_wait3A_540 = arith.constant 0 : i32
      %dma_wait3A_541 = tpu.memref_slice %arg3[%dma_wait3A_539, %dma_wait3A_540] : memref<100000x768xf32, #tpu.memory_space<hbm>> -> memref<100000x768xf32, #tpu.memory_space<hbm>>
      tpu.wait_indirect_dma semaphore(%arg16 : memref<!tpu.dma_semaphore, #tpu.memory_space<semaphore_mem>>) src(%dma_wait3A_541 : memref<100000x768xf32, #tpu.memory_space<hbm>>) dst(%arg10 : memref<32x768xf32, #tpu.memory_space<vmem>>)
      %dma_wait3A_542 = arith.constant 0 : i32
      %dma_wait3A_543 = tpu.memref_slice %arg4[%add3A_535, %dma_wait3A_542] : memref<2048x768xf32, #tpu.memory_space<hbm>> -> memref<8x768xf32, #tpu.memory_space<hbm>>
      %dma_wait3A_544 = arith.constant 0 : i32
      %dma_wait3A_545 = tpu.memref_slice %arg4[%add3A_535, %dma_wait3A_544] : memref<2048x768xf32, #tpu.memory_space<hbm>> -> memref<8x768xf32, #tpu.memory_space<hbm>>
      tpu.wait_dma2 semaphore(%arg18 : memref<!tpu.dma_semaphore, #tpu.memory_space<semaphore_mem>>) src(%dma_wait3A_545 : memref<8x768xf32, #tpu.memory_space<hbm>>) dst(%arg14 : memref<8x768xf32, #tpu.memory_space<vmem>>)
      %gt3A_546 = arith.constant 0 : i32
      %gt3A_547 = arith.cmpi sgt, %scan3A_443, %gt3A_546 : i32
      %convert_element_type3A_548 = arith.extui %gt3A_547 : i1 to i32
      %cond3A_549 = arith.constant 0 : i32
      %cond3A_550 = arith.cmpi ne, %convert_element_type3A_548, %cond3A_549 : i32
      scf.if %cond3A_550 {
        %sub3A = arith.constant 2 : i32
        %sub3A_619 = arith.subi %add3A_532, %sub3A : i32
        %add3A_620 = arith.constant 0 : i32
        %add3A_621 = arith.addi %add3A_620, %mul3A_2 : i32
        %mul3A_622 = arith.constant 8 : i32
        %mul3A_623 = arith.muli %sub3A_619, %mul3A_622 : i32
        %add3A_624 = arith.addi %add3A_621, %mul3A_623 : i32
        %add3A_625 = arith.constant 2048 : i32
        %add3A_626 = arith.addi %add3A_625, %mul3A_2 : i32
        %mul3A_627 = arith.constant 8 : i32
        %mul3A_628 = arith.muli %sub3A_619, %mul3A_627 : i32
        %add3A_629 = arith.addi %add3A_626, %mul3A_628 : i32
        %add3A_630 = arith.constant 4096 : i32
        %add3A_631 = arith.addi %add3A_630, %mul3A_2 : i32
        %mul3A_632 = arith.constant 8 : i32
        %mul3A_633 = arith.muli %sub3A_619, %mul3A_632 : i32
        %add3A_634 = arith.addi %add3A_631, %mul3A_633 : i32
        %add3A_635 = arith.constant 6144 : i32
        %add3A_636 = arith.addi %add3A_635, %mul3A_2 : i32
        %mul3A_637 = arith.constant 8 : i32
        %mul3A_638 = arith.muli %sub3A_619, %mul3A_637 : i32
        %add3A_639 = arith.addi %add3A_636, %mul3A_638 : i32
        %dma_wait3A_640 = arith.constant 0 : i32
        %dma_wait3A_641 = arith.constant 0 : i32
        %dma_wait3A_642 = tpu.memref_slice %arg12[%dma_wait3A_640, %dma_wait3A_641] : memref<32x768xf32, #tpu.memory_space<vmem>> -> memref<8x768xf32, #tpu.memory_space<vmem>>
        %dma_wait3A_643 = arith.constant 0 : i32
        %dma_wait3A_644 = tpu.memref_slice %arg5[%add3A_624, %dma_wait3A_643] : memref<8192x768xf32, #tpu.memory_space<hbm>> -> memref<8x768xf32, #tpu.memory_space<hbm>>
        %dma_wait3A_645 = arith.constant 0 : i32
        %dma_wait3A_646 = tpu.memref_slice %arg5[%add3A_624, %dma_wait3A_645] : memref<8192x768xf32, #tpu.memory_space<hbm>> -> memref<8x768xf32, #tpu.memory_space<hbm>>
        %dma_wait3A_647 = arith.constant 0 : i32
        %dma_wait3A_648 = arith.constant 0 : i32
        %dma_wait3A_649 = tpu.memref_slice %arg12[%dma_wait3A_647, %dma_wait3A_648] : memref<32x768xf32, #tpu.memory_space<vmem>> -> memref<8x768xf32, #tpu.memory_space<vmem>>
        tpu.wait_dma2 semaphore(%arg20 : memref<!tpu.dma_semaphore, #tpu.memory_space<semaphore_mem>>) src(%dma_wait3A_649 : memref<8x768xf32, #tpu.memory_space<vmem>>) dst(%dma_wait3A_646 : memref<8x768xf32, #tpu.memory_space<hbm>>)
        %dma_wait3A_650 = arith.constant 8 : i32
        %dma_wait3A_651 = arith.constant 0 : i32
        %dma_wait3A_652 = tpu.memref_slice %arg12[%dma_wait3A_650, %dma_wait3A_651] : memref<32x768xf32, #tpu.memory_space<vmem>> -> memref<8x768xf32, #tpu.memory_space<vmem>>
        %dma_wait3A_653 = arith.constant 0 : i32
        %dma_wait3A_654 = tpu.memref_slice %arg5[%add3A_629, %dma_wait3A_653] : memref<8192x768xf32, #tpu.memory_space<hbm>> -> memref<8x768xf32, #tpu.memory_space<hbm>>
        %dma_wait3A_655 = arith.constant 0 : i32
        %dma_wait3A_656 = tpu.memref_slice %arg5[%add3A_629, %dma_wait3A_655] : memref<8192x768xf32, #tpu.memory_space<hbm>> -> memref<8x768xf32, #tpu.memory_space<hbm>>
        %dma_wait3A_657 = arith.constant 8 : i32
        %dma_wait3A_658 = arith.constant 0 : i32
        %dma_wait3A_659 = tpu.memref_slice %arg12[%dma_wait3A_657, %dma_wait3A_658] : memref<32x768xf32, #tpu.memory_space<vmem>> -> memref<8x768xf32, #tpu.memory_space<vmem>>
        tpu.wait_dma2 semaphore(%arg20 : memref<!tpu.dma_semaphore, #tpu.memory_space<semaphore_mem>>) src(%dma_wait3A_659 : memref<8x768xf32, #tpu.memory_space<vmem>>) dst(%dma_wait3A_656 : memref<8x768xf32, #tpu.memory_space<hbm>>)
        %dma_wait3A_660 = arith.constant 16 : i32
        %dma_wait3A_661 = arith.constant 0 : i32
        %dma_wait3A_662 = tpu.memref_slice %arg12[%dma_wait3A_660, %dma_wait3A_661] : memref<32x768xf32, #tpu.memory_space<vmem>> -> memref<8x768xf32, #tpu.memory_space<vmem>>
        %dma_wait3A_663 = arith.constant 0 : i32
        %dma_wait3A_664 = tpu.memref_slice %arg5[%add3A_634, %dma_wait3A_663] : memref<8192x768xf32, #tpu.memory_space<hbm>> -> memref<8x768xf32, #tpu.memory_space<hbm>>
        %dma_wait3A_665 = arith.constant 0 : i32
        %dma_wait3A_666 = tpu.memref_slice %arg5[%add3A_634, %dma_wait3A_665] : memref<8192x768xf32, #tpu.memory_space<hbm>> -> memref<8x768xf32, #tpu.memory_space<hbm>>
        %dma_wait3A_667 = arith.constant 16 : i32
        %dma_wait3A_668 = arith.constant 0 : i32
        %dma_wait3A_669 = tpu.memref_slice %arg12[%dma_wait3A_667, %dma_wait3A_668] : memref<32x768xf32, #tpu.memory_space<vmem>> -> memref<8x768xf32, #tpu.memory_space<vmem>>
        tpu.wait_dma2 semaphore(%arg20 : memref<!tpu.dma_semaphore, #tpu.memory_space<semaphore_mem>>) src(%dma_wait3A_669 : memref<8x768xf32, #tpu.memory_space<vmem>>) dst(%dma_wait3A_666 : memref<8x768xf32, #tpu.memory_space<hbm>>)
        %dma_wait3A_670 = arith.constant 24 : i32
        %dma_wait3A_671 = arith.constant 0 : i32
        %dma_wait3A_672 = tpu.memref_slice %arg12[%dma_wait3A_670, %dma_wait3A_671] : memref<32x768xf32, #tpu.memory_space<vmem>> -> memref<8x768xf32, #tpu.memory_space<vmem>>
        %dma_wait3A_673 = arith.constant 0 : i32
        %dma_wait3A_674 = tpu.memref_slice %arg5[%add3A_639, %dma_wait3A_673] : memref<8192x768xf32, #tpu.memory_space<hbm>> -> memref<8x768xf32, #tpu.memory_space<hbm>>
        %dma_wait3A_675 = arith.constant 0 : i32
        %dma_wait3A_676 = tpu.memref_slice %arg5[%add3A_639, %dma_wait3A_675] : memref<8192x768xf32, #tpu.memory_space<hbm>> -> memref<8x768xf32, #tpu.memory_space<hbm>>
        %dma_wait3A_677 = arith.constant 24 : i32
        %dma_wait3A_678 = arith.constant 0 : i32
        %dma_wait3A_679 = tpu.memref_slice %arg12[%dma_wait3A_677, %dma_wait3A_678] : memref<32x768xf32, #tpu.memory_space<vmem>> -> memref<8x768xf32, #tpu.memory_space<vmem>>
        tpu.wait_dma2 semaphore(%arg20 : memref<!tpu.dma_semaphore, #tpu.memory_space<semaphore_mem>>) src(%dma_wait3A_679 : memref<8x768xf32, #tpu.memory_space<vmem>>) dst(%dma_wait3A_676 : memref<8x768xf32, #tpu.memory_space<hbm>>)
      } else {
      }
      %parallel_loop3A_551 = arith.constant 0 : i32
      %parallel_loop3A_552 = arith.constant 48 : i32
      %parallel_loop3A_553 = arith.constant 1 : i32
      scf.for %parallel_loop3A_619 = %parallel_loop3A_551 to %parallel_loop3A_552 step %parallel_loop3A_553  : i32 {
        %parallel_loop3A_620 = arith.constant 16 : i32
        %parallel_loop3A_621 = arith.muli %parallel_loop3A_619, %parallel_loop3A_620 : i32
        %parallel_loop3A_622 = arith.constant 0 : i32
        %parallel_loop3A_623 = arith.index_cast %parallel_loop3A_622 : i32 to index
        %parallel_loop3A_624 = arith.index_cast %parallel_loop3A_621 : i32 to index
        %parallel_loop3A_625 = tpu.vector_load %arg14[%parallel_loop3A_623, %parallel_loop3A_624] {strides = array<i32>} : memref<8x768xf32, #tpu.memory_space<vmem>>, vector<1x16xf32>,
        %parallel_loop3A_626 = vector.shape_cast %parallel_loop3A_625 : vector<1x16xf32> to vector<16xf32>
        %parallel_loop3A_627 = arith.constant 0 : i32
        %parallel_loop3A_628 = arith.index_cast %parallel_loop3A_627 : i32 to index
        %parallel_loop3A_629 = arith.index_cast %parallel_loop3A_621 : i32 to index
        %parallel_loop3A_630 = tpu.vector_load %arg10[%parallel_loop3A_628, %parallel_loop3A_629] {strides = array<i32>} : memref<32x768xf32, #tpu.memory_space<vmem>>, vector<1x16xf32>,
        %parallel_loop3A_631 = vector.shape_cast %parallel_loop3A_630 : vector<1x16xf32> to vector<16xf32>
        %parallel_loop3A_632 = arith.constant 27.7128124 : f32
        %parallel_loop3A_633 = vector.broadcast %parallel_loop3A_632 : f32 to vector<16xf32>
        %parallel_loop3A_634 = arith.mulf %parallel_loop3A_631, %parallel_loop3A_633 : vector<16xf32>
        %parallel_loop3A_635 = arith.addf %parallel_loop3A_634, %parallel_loop3A_626 : vector<16xf32>
        %parallel_loop3A_636 = arith.constant 0 : i32
        %parallel_loop3A_637 = arith.index_cast %parallel_loop3A_636 : i32 to index
        %parallel_loop3A_638 = arith.index_cast %parallel_loop3A_621 : i32 to index
        %parallel_loop3A_639 = tpu.vector_load %arg12[%parallel_loop3A_637, %parallel_loop3A_638] {strides = array<i32>} : memref<32x768xf32, #tpu.memory_space<vmem>>, vector<1x16xf32>,
        %parallel_loop3A_640 = vector.shape_cast %parallel_loop3A_639 : vector<1x16xf32> to vector<16xf32>
        %parallel_loop3A_641 = vector.shape_cast %parallel_loop3A_635 : vector<16xf32> to vector<1x16xf32>
        tpu.vector_store %arg12[%parallel_loop3A_637, %parallel_loop3A_638], %parallel_loop3A_641 {strides = array<i32>} : memref<32x768xf32, #tpu.memory_space<vmem>>, vector<1x16xf32>,
        %parallel_loop3A_642 = arith.constant 8 : i32
        %parallel_loop3A_643 = arith.index_cast %parallel_loop3A_642 : i32 to index
        %parallel_loop3A_644 = arith.index_cast %parallel_loop3A_621 : i32 to index
        %parallel_loop3A_645 = tpu.vector_load %arg10[%parallel_loop3A_643, %parallel_loop3A_644] {strides = array<i32>} : memref<32x768xf32, #tpu.memory_space<vmem>>, vector<1x16xf32>,
        %parallel_loop3A_646 = vector.shape_cast %parallel_loop3A_645 : vector<1x16xf32> to vector<16xf32>
        %parallel_loop3A_647 = arith.constant 27.7128124 : f32
        %parallel_loop3A_648 = vector.broadcast %parallel_loop3A_647 : f32 to vector<16xf32>
        %parallel_loop3A_649 = arith.mulf %parallel_loop3A_646, %parallel_loop3A_648 : vector<16xf32>
        %parallel_loop3A_650 = arith.addf %parallel_loop3A_649, %parallel_loop3A_626 : vector<16xf32>
        %parallel_loop3A_651 = arith.constant 8 : i32
        %parallel_loop3A_652 = arith.index_cast %parallel_loop3A_651 : i32 to index
        %parallel_loop3A_653 = arith.index_cast %parallel_loop3A_621 : i32 to index
        %parallel_loop3A_654 = tpu.vector_load %arg12[%parallel_loop3A_652, %parallel_loop3A_653] {strides = array<i32>} : memref<32x768xf32, #tpu.memory_space<vmem>>, vector<1x16xf32>,
        %parallel_loop3A_655 = vector.shape_cast %parallel_loop3A_654 : vector<1x16xf32> to vector<16xf32>
        %parallel_loop3A_656 = vector.shape_cast %parallel_loop3A_650 : vector<16xf32> to vector<1x16xf32>
        tpu.vector_store %arg12[%parallel_loop3A_652, %parallel_loop3A_653], %parallel_loop3A_656 {strides = array<i32>} : memref<32x768xf32, #tpu.memory_space<vmem>>, vector<1x16xf32>,
        %parallel_loop3A_657 = arith.constant 16 : i32
        %parallel_loop3A_658 = arith.index_cast %parallel_loop3A_657 : i32 to index
        %parallel_loop3A_659 = arith.index_cast %parallel_loop3A_621 : i32 to index
        %parallel_loop3A_660 = tpu.vector_load %arg10[%parallel_loop3A_658, %parallel_loop3A_659] {strides = array<i32>} : memref<32x768xf32, #tpu.memory_space<vmem>>, vector<1x16xf32>,
        %parallel_loop3A_661 = vector.shape_cast %parallel_loop3A_660 : vector<1x16xf32> to vector<16xf32>
        %parallel_loop3A_662 = arith.constant 27.7128124 : f32
        %parallel_loop3A_663 = vector.broadcast %parallel_loop3A_662 : f32 to vector<16xf32>
        %parallel_loop3A_664 = arith.mulf %parallel_loop3A_661, %parallel_loop3A_663 : vector<16xf32>
        %parallel_loop3A_665 = arith.addf %parallel_loop3A_664, %parallel_loop3A_626 : vector<16xf32>
        %parallel_loop3A_666 = arith.constant 16 : i32
        %parallel_loop3A_667 = arith.index_cast %parallel_loop3A_666 : i32 to index
        %parallel_loop3A_668 = arith.index_cast %parallel_loop3A_621 : i32 to index
        %parallel_loop3A_669 = tpu.vector_load %arg12[%parallel_loop3A_667, %parallel_loop3A_668] {strides = array<i32>} : memref<32x768xf32, #tpu.memory_space<vmem>>, vector<1x16xf32>,
        %parallel_loop3A_670 = vector.shape_cast %parallel_loop3A_669 : vector<1x16xf32> to vector<16xf32>
        %parallel_loop3A_671 = vector.shape_cast %parallel_loop3A_665 : vector<16xf32> to vector<1x16xf32>
        tpu.vector_store %arg12[%parallel_loop3A_667, %parallel_loop3A_668], %parallel_loop3A_671 {strides = array<i32>} : memref<32x768xf32, #tpu.memory_space<vmem>>, vector<1x16xf32>,
        %parallel_loop3A_672 = arith.constant 24 : i32
        %parallel_loop3A_673 = arith.index_cast %parallel_loop3A_672 : i32 to index
        %parallel_loop3A_674 = arith.index_cast %parallel_loop3A_621 : i32 to index
        %parallel_loop3A_675 = tpu.vector_load %arg10[%parallel_loop3A_673, %parallel_loop3A_674] {strides = array<i32>} : memref<32x768xf32, #tpu.memory_space<vmem>>, vector<1x16xf32>,
        %parallel_loop3A_676 = vector.shape_cast %parallel_loop3A_675 : vector<1x16xf32> to vector<16xf32>
        %parallel_loop3A_677 = arith.constant 27.7128124 : f32
        %parallel_loop3A_678 = vector.broadcast %parallel_loop3A_677 : f32 to vector<16xf32>
        %parallel_loop3A_679 = arith.mulf %parallel_loop3A_676, %parallel_loop3A_678 : vector<16xf32>
        %parallel_loop3A_680 = arith.addf %parallel_loop3A_679, %parallel_loop3A_626 : vector<16xf32>
        %parallel_loop3A_681 = arith.constant 24 : i32
        %parallel_loop3A_682 = arith.index_cast %parallel_loop3A_681 : i32 to index
        %parallel_loop3A_683 = arith.index_cast %parallel_loop3A_621 : i32 to index
        %parallel_loop3A_684 = tpu.vector_load %arg12[%parallel_loop3A_682, %parallel_loop3A_683] {strides = array<i32>} : memref<32x768xf32, #tpu.memory_space<vmem>>, vector<1x16xf32>,
        %parallel_loop3A_685 = vector.shape_cast %parallel_loop3A_684 : vector<1x16xf32> to vector<16xf32>
        %parallel_loop3A_686 = vector.shape_cast %parallel_loop3A_680 : vector<16xf32> to vector<1x16xf32>
        tpu.vector_store %arg12[%parallel_loop3A_682, %parallel_loop3A_683], %parallel_loop3A_686 {strides = array<i32>} : memref<32x768xf32, #tpu.memory_space<vmem>>, vector<1x16xf32>,
        %parallel_loop3A_687 = arith.constant 1 : i32
        %parallel_loop3A_688 = arith.index_cast %parallel_loop3A_687 : i32 to index
        %parallel_loop3A_689 = arith.index_cast %parallel_loop3A_621 : i32 to index
        %parallel_loop3A_690 = tpu.vector_load %arg14[%parallel_loop3A_688, %parallel_loop3A_689] {strides = array<i32>} : memref<8x768xf32, #tpu.memory_space<vmem>>, vector<1x16xf32>,
        %parallel_loop3A_691 = vector.shape_cast %parallel_loop3A_690 : vector<1x16xf32> to vector<16xf32>
        %parallel_loop3A_692 = arith.constant 1 : i32
        %parallel_loop3A_693 = arith.index_cast %parallel_loop3A_692 : i32 to index
        %parallel_loop3A_694 = arith.index_cast %parallel_loop3A_621 : i32 to index
        %parallel_loop3A_695 = tpu.vector_load %arg10[%parallel_loop3A_693, %parallel_loop3A_694] {strides = array<i32>} : memref<32x768xf32, #tpu.memory_space<vmem>>, vector<1x16xf32>,
        %parallel_loop3A_696 = vector.shape_cast %parallel_loop3A_695 : vector<1x16xf32> to vector<16xf32>
        %parallel_loop3A_697 = arith.constant 27.7128124 : f32
        %parallel_loop3A_698 = vector.broadcast %parallel_loop3A_697 : f32 to vector<16xf32>
        %parallel_loop3A_699 = arith.mulf %parallel_loop3A_696, %parallel_loop3A_698 : vector<16xf32>
        %parallel_loop3A_700 = arith.addf %parallel_loop3A_699, %parallel_loop3A_691 : vector<16xf32>
        %parallel_loop3A_701 = arith.constant 1 : i32
        %parallel_loop3A_702 = arith.index_cast %parallel_loop3A_701 : i32 to index
        %parallel_loop3A_703 = arith.index_cast %parallel_loop3A_621 : i32 to index
        %parallel_loop3A_704 = tpu.vector_load %arg12[%parallel_loop3A_702, %parallel_loop3A_703] {strides = array<i32>} : memref<32x768xf32, #tpu.memory_space<vmem>>, vector<1x16xf32>,
        %parallel_loop3A_705 = vector.shape_cast %parallel_loop3A_704 : vector<1x16xf32> to vector<16xf32>
        %parallel_loop3A_706 = vector.shape_cast %parallel_loop3A_700 : vector<16xf32> to vector<1x16xf32>
        tpu.vector_store %arg12[%parallel_loop3A_702, %parallel_loop3A_703], %parallel_loop3A_706 {strides = array<i32>} : memref<32x768xf32, #tpu.memory_space<vmem>>, vector<1x16xf32>,
        %parallel_loop3A_707 = arith.constant 9 : i32
        %parallel_loop3A_708 = arith.index_cast %parallel_loop3A_707 : i32 to index
        %parallel_loop3A_709 = arith.index_cast %parallel_loop3A_621 : i32 to index
        %parallel_loop3A_710 = tpu.vector_load %arg10[%parallel_loop3A_708, %parallel_loop3A_709] {strides = array<i32>} : memref<32x768xf32, #tpu.memory_space<vmem>>, vector<1x16xf32>,
        %parallel_loop3A_711 = vector.shape_cast %parallel_loop3A_710 : vector<1x16xf32> to vector<16xf32>
        %parallel_loop3A_712 = arith.constant 27.7128124 : f32
        %parallel_loop3A_713 = vector.broadcast %parallel_loop3A_712 : f32 to vector<16xf32>
        %parallel_loop3A_714 = arith.mulf %parallel_loop3A_711, %parallel_loop3A_713 : vector<16xf32>
        %parallel_loop3A_715 = arith.addf %parallel_loop3A_714, %parallel_loop3A_691 : vector<16xf32>
        %parallel_loop3A_716 = arith.constant 9 : i32
        %parallel_loop3A_717 = arith.index_cast %parallel_loop3A_716 : i32 to index
        %parallel_loop3A_718 = arith.index_cast %parallel_loop3A_621 : i32 to index
        %parallel_loop3A_719 = tpu.vector_load %arg12[%parallel_loop3A_717, %parallel_loop3A_718] {strides = array<i32>} : memref<32x768xf32, #tpu.memory_space<vmem>>, vector<1x16xf32>,
        %parallel_loop3A_720 = vector.shape_cast %parallel_loop3A_719 : vector<1x16xf32> to vector<16xf32>
        %parallel_loop3A_721 = vector.shape_cast %parallel_loop3A_715 : vector<16xf32> to vector<1x16xf32>
        tpu.vector_store %arg12[%parallel_loop3A_717, %parallel_loop3A_718], %parallel_loop3A_721 {strides = array<i32>} : memref<32x768xf32, #tpu.memory_space<vmem>>, vector<1x16xf32>,
        %parallel_loop3A_722 = arith.constant 17 : i32
        %parallel_loop3A_723 = arith.index_cast %parallel_loop3A_722 : i32 to index
        %parallel_loop3A_724 = arith.index_cast %parallel_loop3A_621 : i32 to index
        %parallel_loop3A_725 = tpu.vector_load %arg10[%parallel_loop3A_723, %parallel_loop3A_724] {strides = array<i32>} : memref<32x768xf32, #tpu.memory_space<vmem>>, vector<1x16xf32>,
        %parallel_loop3A_726 = vector.shape_cast %parallel_loop3A_725 : vector<1x16xf32> to vector<16xf32>
        %parallel_loop3A_727 = arith.constant 27.7128124 : f32
        %parallel_loop3A_728 = vector.broadcast %parallel_loop3A_727 : f32 to vector<16xf32>
        %parallel_loop3A_729 = arith.mulf %parallel_loop3A_726, %parallel_loop3A_728 : vector<16xf32>
        %parallel_loop3A_730 = arith.addf %parallel_loop3A_729, %parallel_loop3A_691 : vector<16xf32>
        %parallel_loop3A_731 = arith.constant 17 : i32
        %parallel_loop3A_732 = arith.index_cast %parallel_loop3A_731 : i32 to index
        %parallel_loop3A_733 = arith.index_cast %parallel_loop3A_621 : i32 to index
        %parallel_loop3A_734 = tpu.vector_load %arg12[%parallel_loop3A_732, %parallel_loop3A_733] {strides = array<i32>} : memref<32x768xf32, #tpu.memory_space<vmem>>, vector<1x16xf32>,
        %parallel_loop3A_735 = vector.shape_cast %parallel_loop3A_734 : vector<1x16xf32> to vector<16xf32>
        %parallel_loop3A_736 = vector.shape_cast %parallel_loop3A_730 : vector<16xf32> to vector<1x16xf32>
        tpu.vector_store %arg12[%parallel_loop3A_732, %parallel_loop3A_733], %parallel_loop3A_736 {strides = array<i32>} : memref<32x768xf32, #tpu.memory_space<vmem>>, vector<1x16xf32>,
        %parallel_loop3A_737 = arith.constant 25 : i32
        %parallel_loop3A_738 = arith.index_cast %parallel_loop3A_737 : i32 to index
        %parallel_loop3A_739 = arith.index_cast %parallel_loop3A_621 : i32 to index
        %parallel_loop3A_740 = tpu.vector_load %arg10[%parallel_loop3A_738, %parallel_loop3A_739] {strides = array<i32>} : memref<32x768xf32, #tpu.memory_space<vmem>>, vector<1x16xf32>,
        %parallel_loop3A_741 = vector.shape_cast %parallel_loop3A_740 : vector<1x16xf32> to vector<16xf32>
        %parallel_loop3A_742 = arith.constant 27.7128124 : f32
        %parallel_loop3A_743 = vector.broadcast %parallel_loop3A_742 : f32 to vector<16xf32>
        %parallel_loop3A_744 = arith.mulf %parallel_loop3A_741, %parallel_loop3A_743 : vector<16xf32>
        %parallel_loop3A_745 = arith.addf %parallel_loop3A_744, %parallel_loop3A_691 : vector<16xf32>
        %parallel_loop3A_746 = arith.constant 25 : i32
        %parallel_loop3A_747 = arith.index_cast %parallel_loop3A_746 : i32 to index
        %parallel_loop3A_748 = arith.index_cast %parallel_loop3A_621 : i32 to index
        %parallel_loop3A_749 = tpu.vector_load %arg12[%parallel_loop3A_747, %parallel_loop3A_748] {strides = array<i32>} : memref<32x768xf32, #tpu.memory_space<vmem>>, vector<1x16xf32>,
        %parallel_loop3A_750 = vector.shape_cast %parallel_loop3A_749 : vector<1x16xf32> to vector<16xf32>
        %parallel_loop3A_751 = vector.shape_cast %parallel_loop3A_745 : vector<16xf32> to vector<1x16xf32>
        tpu.vector_store %arg12[%parallel_loop3A_747, %parallel_loop3A_748], %parallel_loop3A_751 {strides = array<i32>} : memref<32x768xf32, #tpu.memory_space<vmem>>, vector<1x16xf32>,
        %parallel_loop3A_752 = arith.constant 2 : i32
        %parallel_loop3A_753 = arith.index_cast %parallel_loop3A_752 : i32 to index
        %parallel_loop3A_754 = arith.index_cast %parallel_loop3A_621 : i32 to index
        %parallel_loop3A_755 = tpu.vector_load %arg14[%parallel_loop3A_753, %parallel_loop3A_754] {strides = array<i32>} : memref<8x768xf32, #tpu.memory_space<vmem>>, vector<1x16xf32>,
        %parallel_loop3A_756 = vector.shape_cast %parallel_loop3A_755 : vector<1x16xf32> to vector<16xf32>
        %parallel_loop3A_757 = arith.constant 2 : i32
        %parallel_loop3A_758 = arith.index_cast %parallel_loop3A_757 : i32 to index
        %parallel_loop3A_759 = arith.index_cast %parallel_loop3A_621 : i32 to index
        %parallel_loop3A_760 = tpu.vector_load %arg10[%parallel_loop3A_758, %parallel_loop3A_759] {strides = array<i32>} : memref<32x768xf32, #tpu.memory_space<vmem>>, vector<1x16xf32>,
        %parallel_loop3A_761 = vector.shape_cast %parallel_loop3A_760 : vector<1x16xf32> to vector<16xf32>
        %parallel_loop3A_762 = arith.constant 27.7128124 : f32
        %parallel_loop3A_763 = vector.broadcast %parallel_loop3A_762 : f32 to vector<16xf32>
        %parallel_loop3A_764 = arith.mulf %parallel_loop3A_761, %parallel_loop3A_763 : vector<16xf32>
        %parallel_loop3A_765 = arith.addf %parallel_loop3A_764, %parallel_loop3A_756 : vector<16xf32>
        %parallel_loop3A_766 = arith.constant 2 : i32
        %parallel_loop3A_767 = arith.index_cast %parallel_loop3A_766 : i32 to index
        %parallel_loop3A_768 = arith.index_cast %parallel_loop3A_621 : i32 to index
        %parallel_loop3A_769 = tpu.vector_load %arg12[%parallel_loop3A_767, %parallel_loop3A_768] {strides = array<i32>} : memref<32x768xf32, #tpu.memory_space<vmem>>, vector<1x16xf32>,
        %parallel_loop3A_770 = vector.shape_cast %parallel_loop3A_769 : vector<1x16xf32> to vector<16xf32>
        %parallel_loop3A_771 = vector.shape_cast %parallel_loop3A_765 : vector<16xf32> to vector<1x16xf32>
        tpu.vector_store %arg12[%parallel_loop3A_767, %parallel_loop3A_768], %parallel_loop3A_771 {strides = array<i32>} : memref<32x768xf32, #tpu.memory_space<vmem>>, vector<1x16xf32>,
        %parallel_loop3A_772 = arith.constant 10 : i32
        %parallel_loop3A_773 = arith.index_cast %parallel_loop3A_772 : i32 to index
        %parallel_loop3A_774 = arith.index_cast %parallel_loop3A_621 : i32 to index
        %parallel_loop3A_775 = tpu.vector_load %arg10[%parallel_loop3A_773, %parallel_loop3A_774] {strides = array<i32>} : memref<32x768xf32, #tpu.memory_space<vmem>>, vector<1x16xf32>,
        %parallel_loop3A_776 = vector.shape_cast %parallel_loop3A_775 : vector<1x16xf32> to vector<16xf32>
        %parallel_loop3A_777 = arith.constant 27.7128124 : f32
        %parallel_loop3A_778 = vector.broadcast %parallel_loop3A_777 : f32 to vector<16xf32>
        %parallel_loop3A_779 = arith.mulf %parallel_loop3A_776, %parallel_loop3A_778 : vector<16xf32>
        %parallel_loop3A_780 = arith.addf %parallel_loop3A_779, %parallel_loop3A_756 : vector<16xf32>
        %parallel_loop3A_781 = arith.constant 10 : i32
        %parallel_loop3A_782 = arith.index_cast %parallel_loop3A_781 : i32 to index
        %parallel_loop3A_783 = arith.index_cast %parallel_loop3A_621 : i32 to index
        %parallel_loop3A_784 = tpu.vector_load %arg12[%parallel_loop3A_782, %parallel_loop3A_783] {strides = array<i32>} : memref<32x768xf32, #tpu.memory_space<vmem>>, vector<1x16xf32>,
        %parallel_loop3A_785 = vector.shape_cast %parallel_loop3A_784 : vector<1x16xf32> to vector<16xf32>
        %parallel_loop3A_786 = vector.shape_cast %parallel_loop3A_780 : vector<16xf32> to vector<1x16xf32>
        tpu.vector_store %arg12[%parallel_loop3A_782, %parallel_loop3A_783], %parallel_loop3A_786 {strides = array<i32>} : memref<32x768xf32, #tpu.memory_space<vmem>>, vector<1x16xf32>,
        %parallel_loop3A_787 = arith.constant 18 : i32
        %parallel_loop3A_788 = arith.index_cast %parallel_loop3A_787 : i32 to index
        %parallel_loop3A_789 = arith.index_cast %parallel_loop3A_621 : i32 to index
        %parallel_loop3A_790 = tpu.vector_load %arg10[%parallel_loop3A_788, %parallel_loop3A_789] {strides = array<i32>} : memref<32x768xf32, #tpu.memory_space<vmem>>, vector<1x16xf32>,
        %parallel_loop3A_791 = vector.shape_cast %parallel_loop3A_790 : vector<1x16xf32> to vector<16xf32>
        %parallel_loop3A_792 = arith.constant 27.7128124 : f32
        %parallel_loop3A_793 = vector.broadcast %parallel_loop3A_792 : f32 to vector<16xf32>
        %parallel_loop3A_794 = arith.mulf %parallel_loop3A_791, %parallel_loop3A_793 : vector<16xf32>
        %parallel_loop3A_795 = arith.addf %parallel_loop3A_794, %parallel_loop3A_756 : vector<16xf32>
        %parallel_loop3A_796 = arith.constant 18 : i32
        %parallel_loop3A_797 = arith.index_cast %parallel_loop3A_796 : i32 to index
        %parallel_loop3A_798 = arith.index_cast %parallel_loop3A_621 : i32 to index
        %parallel_loop3A_799 = tpu.vector_load %arg12[%parallel_loop3A_797, %parallel_loop3A_798] {strides = array<i32>} : memref<32x768xf32, #tpu.memory_space<vmem>>, vector<1x16xf32>,
        %parallel_loop3A_800 = vector.shape_cast %parallel_loop3A_799 : vector<1x16xf32> to vector<16xf32>
        %parallel_loop3A_801 = vector.shape_cast %parallel_loop3A_795 : vector<16xf32> to vector<1x16xf32>
        tpu.vector_store %arg12[%parallel_loop3A_797, %parallel_loop3A_798], %parallel_loop3A_801 {strides = array<i32>} : memref<32x768xf32, #tpu.memory_space<vmem>>, vector<1x16xf32>,
        %parallel_loop3A_802 = arith.constant 26 : i32
        %parallel_loop3A_803 = arith.index_cast %parallel_loop3A_802 : i32 to index
        %parallel_loop3A_804 = arith.index_cast %parallel_loop3A_621 : i32 to index
        %parallel_loop3A_805 = tpu.vector_load %arg10[%parallel_loop3A_803, %parallel_loop3A_804] {strides = array<i32>} : memref<32x768xf32, #tpu.memory_space<vmem>>, vector<1x16xf32>,
        %parallel_loop3A_806 = vector.shape_cast %parallel_loop3A_805 : vector<1x16xf32> to vector<16xf32>
        %parallel_loop3A_807 = arith.constant 27.7128124 : f32
        %parallel_loop3A_808 = vector.broadcast %parallel_loop3A_807 : f32 to vector<16xf32>
        %parallel_loop3A_809 = arith.mulf %parallel_loop3A_806, %parallel_loop3A_808 : vector<16xf32>
        %parallel_loop3A_810 = arith.addf %parallel_loop3A_809, %parallel_loop3A_756 : vector<16xf32>
        %parallel_loop3A_811 = arith.constant 26 : i32
        %parallel_loop3A_812 = arith.index_cast %parallel_loop3A_811 : i32 to index
        %parallel_loop3A_813 = arith.index_cast %parallel_loop3A_621 : i32 to index
        %parallel_loop3A_814 = tpu.vector_load %arg12[%parallel_loop3A_812, %parallel_loop3A_813] {strides = array<i32>} : memref<32x768xf32, #tpu.memory_space<vmem>>, vector<1x16xf32>,
        %parallel_loop3A_815 = vector.shape_cast %parallel_loop3A_814 : vector<1x16xf32> to vector<16xf32>
        %parallel_loop3A_816 = vector.shape_cast %parallel_loop3A_810 : vector<16xf32> to vector<1x16xf32>
        tpu.vector_store %arg12[%parallel_loop3A_812, %parallel_loop3A_813], %parallel_loop3A_816 {strides = array<i32>} : memref<32x768xf32, #tpu.memory_space<vmem>>, vector<1x16xf32>,
        %parallel_loop3A_817 = arith.constant 3 : i32
        %parallel_loop3A_818 = arith.index_cast %parallel_loop3A_817 : i32 to index
        %parallel_loop3A_819 = arith.index_cast %parallel_loop3A_621 : i32 to index
        %parallel_loop3A_820 = tpu.vector_load %arg14[%parallel_loop3A_818, %parallel_loop3A_819] {strides = array<i32>} : memref<8x768xf32, #tpu.memory_space<vmem>>, vector<1x16xf32>,
        %parallel_loop3A_821 = vector.shape_cast %parallel_loop3A_820 : vector<1x16xf32> to vector<16xf32>
        %parallel_loop3A_822 = arith.constant 3 : i32
        %parallel_loop3A_823 = arith.index_cast %parallel_loop3A_822 : i32 to index
        %parallel_loop3A_824 = arith.index_cast %parallel_loop3A_621 : i32 to index
        %parallel_loop3A_825 = tpu.vector_load %arg10[%parallel_loop3A_823, %parallel_loop3A_824] {strides = array<i32>} : memref<32x768xf32, #tpu.memory_space<vmem>>, vector<1x16xf32>,
        %parallel_loop3A_826 = vector.shape_cast %parallel_loop3A_825 : vector<1x16xf32> to vector<16xf32>
        %parallel_loop3A_827 = arith.constant 27.7128124 : f32
        %parallel_loop3A_828 = vector.broadcast %parallel_loop3A_827 : f32 to vector<16xf32>
        %parallel_loop3A_829 = arith.mulf %parallel_loop3A_826, %parallel_loop3A_828 : vector<16xf32>
        %parallel_loop3A_830 = arith.addf %parallel_loop3A_829, %parallel_loop3A_821 : vector<16xf32>
        %parallel_loop3A_831 = arith.constant 3 : i32
        %parallel_loop3A_832 = arith.index_cast %parallel_loop3A_831 : i32 to index
        %parallel_loop3A_833 = arith.index_cast %parallel_loop3A_621 : i32 to index
        %parallel_loop3A_834 = tpu.vector_load %arg12[%parallel_loop3A_832, %parallel_loop3A_833] {strides = array<i32>} : memref<32x768xf32, #tpu.memory_space<vmem>>, vector<1x16xf32>,
        %parallel_loop3A_835 = vector.shape_cast %parallel_loop3A_834 : vector<1x16xf32> to vector<16xf32>
        %parallel_loop3A_836 = vector.shape_cast %parallel_loop3A_830 : vector<16xf32> to vector<1x16xf32>
        tpu.vector_store %arg12[%parallel_loop3A_832, %parallel_loop3A_833], %parallel_loop3A_836 {strides = array<i32>} : memref<32x768xf32, #tpu.memory_space<vmem>>, vector<1x16xf32>,
        %parallel_loop3A_837 = arith.constant 11 : i32
        %parallel_loop3A_838 = arith.index_cast %parallel_loop3A_837 : i32 to index
        %parallel_loop3A_839 = arith.index_cast %parallel_loop3A_621 : i32 to index
        %parallel_loop3A_840 = tpu.vector_load %arg10[%parallel_loop3A_838, %parallel_loop3A_839] {strides = array<i32>} : memref<32x768xf32, #tpu.memory_space<vmem>>, vector<1x16xf32>,
        %parallel_loop3A_841 = vector.shape_cast %parallel_loop3A_840 : vector<1x16xf32> to vector<16xf32>
        %parallel_loop3A_842 = arith.constant 27.7128124 : f32
        %parallel_loop3A_843 = vector.broadcast %parallel_loop3A_842 : f32 to vector<16xf32>
        %parallel_loop3A_844 = arith.mulf %parallel_loop3A_841, %parallel_loop3A_843 : vector<16xf32>
        %parallel_loop3A_845 = arith.addf %parallel_loop3A_844, %parallel_loop3A_821 : vector<16xf32>
        %parallel_loop3A_846 = arith.constant 11 : i32
        %parallel_loop3A_847 = arith.index_cast %parallel_loop3A_846 : i32 to index
        %parallel_loop3A_848 = arith.index_cast %parallel_loop3A_621 : i32 to index
        %parallel_loop3A_849 = tpu.vector_load %arg12[%parallel_loop3A_847, %parallel_loop3A_848] {strides = array<i32>} : memref<32x768xf32, #tpu.memory_space<vmem>>, vector<1x16xf32>,
        %parallel_loop3A_850 = vector.shape_cast %parallel_loop3A_849 : vector<1x16xf32> to vector<16xf32>
        %parallel_loop3A_851 = vector.shape_cast %parallel_loop3A_845 : vector<16xf32> to vector<1x16xf32>
        tpu.vector_store %arg12[%parallel_loop3A_847, %parallel_loop3A_848], %parallel_loop3A_851 {strides = array<i32>} : memref<32x768xf32, #tpu.memory_space<vmem>>, vector<1x16xf32>,
        %parallel_loop3A_852 = arith.constant 19 : i32
        %parallel_loop3A_853 = arith.index_cast %parallel_loop3A_852 : i32 to index
        %parallel_loop3A_854 = arith.index_cast %parallel_loop3A_621 : i32 to index
        %parallel_loop3A_855 = tpu.vector_load %arg10[%parallel_loop3A_853, %parallel_loop3A_854] {strides = array<i32>} : memref<32x768xf32, #tpu.memory_space<vmem>>, vector<1x16xf32>,
        %parallel_loop3A_856 = vector.shape_cast %parallel_loop3A_855 : vector<1x16xf32> to vector<16xf32>
        %parallel_loop3A_857 = arith.constant 27.7128124 : f32
        %parallel_loop3A_858 = vector.broadcast %parallel_loop3A_857 : f32 to vector<16xf32>
        %parallel_loop3A_859 = arith.mulf %parallel_loop3A_856, %parallel_loop3A_858 : vector<16xf32>
        %parallel_loop3A_860 = arith.addf %parallel_loop3A_859, %parallel_loop3A_821 : vector<16xf32>
        %parallel_loop3A_861 = arith.constant 19 : i32
        %parallel_loop3A_862 = arith.index_cast %parallel_loop3A_861 : i32 to index
        %parallel_loop3A_863 = arith.index_cast %parallel_loop3A_621 : i32 to index
        %parallel_loop3A_864 = tpu.vector_load %arg12[%parallel_loop3A_862, %parallel_loop3A_863] {strides = array<i32>} : memref<32x768xf32, #tpu.memory_space<vmem>>, vector<1x16xf32>,
        %parallel_loop3A_865 = vector.shape_cast %parallel_loop3A_864 : vector<1x16xf32> to vector<16xf32>
        %parallel_loop3A_866 = vector.shape_cast %parallel_loop3A_860 : vector<16xf32> to vector<1x16xf32>
        tpu.vector_store %arg12[%parallel_loop3A_862, %parallel_loop3A_863], %parallel_loop3A_866 {strides = array<i32>} : memref<32x768xf32, #tpu.memory_space<vmem>>, vector<1x16xf32>,
        %parallel_loop3A_867 = arith.constant 27 : i32
        %parallel_loop3A_868 = arith.index_cast %parallel_loop3A_867 : i32 to index
        %parallel_loop3A_869 = arith.index_cast %parallel_loop3A_621 : i32 to index
        %parallel_loop3A_870 = tpu.vector_load %arg10[%parallel_loop3A_868, %parallel_loop3A_869] {strides = array<i32>} : memref<32x768xf32, #tpu.memory_space<vmem>>, vector<1x16xf32>,
        %parallel_loop3A_871 = vector.shape_cast %parallel_loop3A_870 : vector<1x16xf32> to vector<16xf32>
        %parallel_loop3A_872 = arith.constant 27.7128124 : f32
        %parallel_loop3A_873 = vector.broadcast %parallel_loop3A_872 : f32 to vector<16xf32>
        %parallel_loop3A_874 = arith.mulf %parallel_loop3A_871, %parallel_loop3A_873 : vector<16xf32>
        %parallel_loop3A_875 = arith.addf %parallel_loop3A_874, %parallel_loop3A_821 : vector<16xf32>
        %parallel_loop3A_876 = arith.constant 27 : i32
        %parallel_loop3A_877 = arith.index_cast %parallel_loop3A_876 : i32 to index
        %parallel_loop3A_878 = arith.index_cast %parallel_loop3A_621 : i32 to index
        %parallel_loop3A_879 = tpu.vector_load %arg12[%parallel_loop3A_877, %parallel_loop3A_878] {strides = array<i32>} : memref<32x768xf32, #tpu.memory_space<vmem>>, vector<1x16xf32>,
        %parallel_loop3A_880 = vector.shape_cast %parallel_loop3A_879 : vector<1x16xf32> to vector<16xf32>
        %parallel_loop3A_881 = vector.shape_cast %parallel_loop3A_875 : vector<16xf32> to vector<1x16xf32>
        tpu.vector_store %arg12[%parallel_loop3A_877, %parallel_loop3A_878], %parallel_loop3A_881 {strides = array<i32>} : memref<32x768xf32, #tpu.memory_space<vmem>>, vector<1x16xf32>,
        %parallel_loop3A_882 = arith.constant 4 : i32
        %parallel_loop3A_883 = arith.index_cast %parallel_loop3A_882 : i32 to index
        %parallel_loop3A_884 = arith.index_cast %parallel_loop3A_621 : i32 to index
        %parallel_loop3A_885 = tpu.vector_load %arg14[%parallel_loop3A_883, %parallel_loop3A_884] {strides = array<i32>} : memref<8x768xf32, #tpu.memory_space<vmem>>, vector<1x16xf32>,
        %parallel_loop3A_886 = vector.shape_cast %parallel_loop3A_885 : vector<1x16xf32> to vector<16xf32>
        %parallel_loop3A_887 = arith.constant 4 : i32
        %parallel_loop3A_888 = arith.index_cast %parallel_loop3A_887 : i32 to index
        %parallel_loop3A_889 = arith.index_cast %parallel_loop3A_621 : i32 to index
        %parallel_loop3A_890 = tpu.vector_load %arg10[%parallel_loop3A_888, %parallel_loop3A_889] {strides = array<i32>} : memref<32x768xf32, #tpu.memory_space<vmem>>, vector<1x16xf32>,
        %parallel_loop3A_891 = vector.shape_cast %parallel_loop3A_890 : vector<1x16xf32> to vector<16xf32>
        %parallel_loop3A_892 = arith.constant 27.7128124 : f32
        %parallel_loop3A_893 = vector.broadcast %parallel_loop3A_892 : f32 to vector<16xf32>
        %parallel_loop3A_894 = arith.mulf %parallel_loop3A_891, %parallel_loop3A_893 : vector<16xf32>
        %parallel_loop3A_895 = arith.addf %parallel_loop3A_894, %parallel_loop3A_886 : vector<16xf32>
        %parallel_loop3A_896 = arith.constant 4 : i32
        %parallel_loop3A_897 = arith.index_cast %parallel_loop3A_896 : i32 to index
        %parallel_loop3A_898 = arith.index_cast %parallel_loop3A_621 : i32 to index
        %parallel_loop3A_899 = tpu.vector_load %arg12[%parallel_loop3A_897, %parallel_loop3A_898] {strides = array<i32>} : memref<32x768xf32, #tpu.memory_space<vmem>>, vector<1x16xf32>,
        %parallel_loop3A_900 = vector.shape_cast %parallel_loop3A_899 : vector<1x16xf32> to vector<16xf32>
        %parallel_loop3A_901 = vector.shape_cast %parallel_loop3A_895 : vector<16xf32> to vector<1x16xf32>
        tpu.vector_store %arg12[%parallel_loop3A_897, %parallel_loop3A_898], %parallel_loop3A_901 {strides = array<i32>} : memref<32x768xf32, #tpu.memory_space<vmem>>, vector<1x16xf32>,
        %parallel_loop3A_902 = arith.constant 12 : i32
        %parallel_loop3A_903 = arith.index_cast %parallel_loop3A_902 : i32 to index
        %parallel_loop3A_904 = arith.index_cast %parallel_loop3A_621 : i32 to index
        %parallel_loop3A_905 = tpu.vector_load %arg10[%parallel_loop3A_903, %parallel_loop3A_904] {strides = array<i32>} : memref<32x768xf32, #tpu.memory_space<vmem>>, vector<1x16xf32>,
        %parallel_loop3A_906 = vector.shape_cast %parallel_loop3A_905 : vector<1x16xf32> to vector<16xf32>
        %parallel_loop3A_907 = arith.constant 27.7128124 : f32
        %parallel_loop3A_908 = vector.broadcast %parallel_loop3A_907 : f32 to vector<16xf32>
        %parallel_loop3A_909 = arith.mulf %parallel_loop3A_906, %parallel_loop3A_908 : vector<16xf32>
        %parallel_loop3A_910 = arith.addf %parallel_loop3A_909, %parallel_loop3A_886 : vector<16xf32>
        %parallel_loop3A_911 = arith.constant 12 : i32
        %parallel_loop3A_912 = arith.index_cast %parallel_loop3A_911 : i32 to index
        %parallel_loop3A_913 = arith.index_cast %parallel_loop3A_621 : i32 to index
        %parallel_loop3A_914 = tpu.vector_load %arg12[%parallel_loop3A_912, %parallel_loop3A_913] {strides = array<i32>} : memref<32x768xf32, #tpu.memory_space<vmem>>, vector<1x16xf32>,
        %parallel_loop3A_915 = vector.shape_cast %parallel_loop3A_914 : vector<1x16xf32> to vector<16xf32>
        %parallel_loop3A_916 = vector.shape_cast %parallel_loop3A_910 : vector<16xf32> to vector<1x16xf32>
        tpu.vector_store %arg12[%parallel_loop3A_912, %parallel_loop3A_913], %parallel_loop3A_916 {strides = array<i32>} : memref<32x768xf32, #tpu.memory_space<vmem>>, vector<1x16xf32>,
        %parallel_loop3A_917 = arith.constant 20 : i32
        %parallel_loop3A_918 = arith.index_cast %parallel_loop3A_917 : i32 to index
        %parallel_loop3A_919 = arith.index_cast %parallel_loop3A_621 : i32 to index
        %parallel_loop3A_920 = tpu.vector_load %arg10[%parallel_loop3A_918, %parallel_loop3A_919] {strides = array<i32>} : memref<32x768xf32, #tpu.memory_space<vmem>>, vector<1x16xf32>,
        %parallel_loop3A_921 = vector.shape_cast %parallel_loop3A_920 : vector<1x16xf32> to vector<16xf32>
        %parallel_loop3A_922 = arith.constant 27.7128124 : f32
        %parallel_loop3A_923 = vector.broadcast %parallel_loop3A_922 : f32 to vector<16xf32>
        %parallel_loop3A_924 = arith.mulf %parallel_loop3A_921, %parallel_loop3A_923 : vector<16xf32>
        %parallel_loop3A_925 = arith.addf %parallel_loop3A_924, %parallel_loop3A_886 : vector<16xf32>
        %parallel_loop3A_926 = arith.constant 20 : i32
        %parallel_loop3A_927 = arith.index_cast %parallel_loop3A_926 : i32 to index
        %parallel_loop3A_928 = arith.index_cast %parallel_loop3A_621 : i32 to index
        %parallel_loop3A_929 = tpu.vector_load %arg12[%parallel_loop3A_927, %parallel_loop3A_928] {strides = array<i32>} : memref<32x768xf32, #tpu.memory_space<vmem>>, vector<1x16xf32>,
        %parallel_loop3A_930 = vector.shape_cast %parallel_loop3A_929 : vector<1x16xf32> to vector<16xf32>
        %parallel_loop3A_931 = vector.shape_cast %parallel_loop3A_925 : vector<16xf32> to vector<1x16xf32>
        tpu.vector_store %arg12[%parallel_loop3A_927, %parallel_loop3A_928], %parallel_loop3A_931 {strides = array<i32>} : memref<32x768xf32, #tpu.memory_space<vmem>>, vector<1x16xf32>,
        %parallel_loop3A_932 = arith.constant 28 : i32
        %parallel_loop3A_933 = arith.index_cast %parallel_loop3A_932 : i32 to index
        %parallel_loop3A_934 = arith.index_cast %parallel_loop3A_621 : i32 to index
        %parallel_loop3A_935 = tpu.vector_load %arg10[%parallel_loop3A_933, %parallel_loop3A_934] {strides = array<i32>} : memref<32x768xf32, #tpu.memory_space<vmem>>, vector<1x16xf32>,
        %parallel_loop3A_936 = vector.shape_cast %parallel_loop3A_935 : vector<1x16xf32> to vector<16xf32>
        %parallel_loop3A_937 = arith.constant 27.7128124 : f32
        %parallel_loop3A_938 = vector.broadcast %parallel_loop3A_937 : f32 to vector<16xf32>
        %parallel_loop3A_939 = arith.mulf %parallel_loop3A_936, %parallel_loop3A_938 : vector<16xf32>
        %parallel_loop3A_940 = arith.addf %parallel_loop3A_939, %parallel_loop3A_886 : vector<16xf32>
        %parallel_loop3A_941 = arith.constant 28 : i32
        %parallel_loop3A_942 = arith.index_cast %parallel_loop3A_941 : i32 to index
        %parallel_loop3A_943 = arith.index_cast %parallel_loop3A_621 : i32 to index
        %parallel_loop3A_944 = tpu.vector_load %arg12[%parallel_loop3A_942, %parallel_loop3A_943] {strides = array<i32>} : memref<32x768xf32, #tpu.memory_space<vmem>>, vector<1x16xf32>,
        %parallel_loop3A_945 = vector.shape_cast %parallel_loop3A_944 : vector<1x16xf32> to vector<16xf32>
        %parallel_loop3A_946 = vector.shape_cast %parallel_loop3A_940 : vector<16xf32> to vector<1x16xf32>
        tpu.vector_store %arg12[%parallel_loop3A_942, %parallel_loop3A_943], %parallel_loop3A_946 {strides = array<i32>} : memref<32x768xf32, #tpu.memory_space<vmem>>, vector<1x16xf32>,
        %parallel_loop3A_947 = arith.constant 5 : i32
        %parallel_loop3A_948 = arith.index_cast %parallel_loop3A_947 : i32 to index
        %parallel_loop3A_949 = arith.index_cast %parallel_loop3A_621 : i32 to index
        %parallel_loop3A_950 = tpu.vector_load %arg14[%parallel_loop3A_948, %parallel_loop3A_949] {strides = array<i32>} : memref<8x768xf32, #tpu.memory_space<vmem>>, vector<1x16xf32>,
        %parallel_loop3A_951 = vector.shape_cast %parallel_loop3A_950 : vector<1x16xf32> to vector<16xf32>
        %parallel_loop3A_952 = arith.constant 5 : i32
        %parallel_loop3A_953 = arith.index_cast %parallel_loop3A_952 : i32 to index
        %parallel_loop3A_954 = arith.index_cast %parallel_loop3A_621 : i32 to index
        %parallel_loop3A_955 = tpu.vector_load %arg10[%parallel_loop3A_953, %parallel_loop3A_954] {strides = array<i32>} : memref<32x768xf32, #tpu.memory_space<vmem>>, vector<1x16xf32>,
        %parallel_loop3A_956 = vector.shape_cast %parallel_loop3A_955 : vector<1x16xf32> to vector<16xf32>
        %parallel_loop3A_957 = arith.constant 27.7128124 : f32
        %parallel_loop3A_958 = vector.broadcast %parallel_loop3A_957 : f32 to vector<16xf32>
        %parallel_loop3A_959 = arith.mulf %parallel_loop3A_956, %parallel_loop3A_958 : vector<16xf32>
        %parallel_loop3A_960 = arith.addf %parallel_loop3A_959, %parallel_loop3A_951 : vector<16xf32>
        %parallel_loop3A_961 = arith.constant 5 : i32
        %parallel_loop3A_962 = arith.index_cast %parallel_loop3A_961 : i32 to index
        %parallel_loop3A_963 = arith.index_cast %parallel_loop3A_621 : i32 to index
        %parallel_loop3A_964 = tpu.vector_load %arg12[%parallel_loop3A_962, %parallel_loop3A_963] {strides = array<i32>} : memref<32x768xf32, #tpu.memory_space<vmem>>, vector<1x16xf32>,
        %parallel_loop3A_965 = vector.shape_cast %parallel_loop3A_964 : vector<1x16xf32> to vector<16xf32>
        %parallel_loop3A_966 = vector.shape_cast %parallel_loop3A_960 : vector<16xf32> to vector<1x16xf32>
        tpu.vector_store %arg12[%parallel_loop3A_962, %parallel_loop3A_963], %parallel_loop3A_966 {strides = array<i32>} : memref<32x768xf32, #tpu.memory_space<vmem>>, vector<1x16xf32>,
        %parallel_loop3A_967 = arith.constant 13 : i32
        %parallel_loop3A_968 = arith.index_cast %parallel_loop3A_967 : i32 to index
        %parallel_loop3A_969 = arith.index_cast %parallel_loop3A_621 : i32 to index
        %parallel_loop3A_970 = tpu.vector_load %arg10[%parallel_loop3A_968, %parallel_loop3A_969] {strides = array<i32>} : memref<32x768xf32, #tpu.memory_space<vmem>>, vector<1x16xf32>,
        %parallel_loop3A_971 = vector.shape_cast %parallel_loop3A_970 : vector<1x16xf32> to vector<16xf32>
        %parallel_loop3A_972 = arith.constant 27.7128124 : f32
        %parallel_loop3A_973 = vector.broadcast %parallel_loop3A_972 : f32 to vector<16xf32>
        %parallel_loop3A_974 = arith.mulf %parallel_loop3A_971, %parallel_loop3A_973 : vector<16xf32>
        %parallel_loop3A_975 = arith.addf %parallel_loop3A_974, %parallel_loop3A_951 : vector<16xf32>
        %parallel_loop3A_976 = arith.constant 13 : i32
        %parallel_loop3A_977 = arith.index_cast %parallel_loop3A_976 : i32 to index
        %parallel_loop3A_978 = arith.index_cast %parallel_loop3A_621 : i32 to index
        %parallel_loop3A_979 = tpu.vector_load %arg12[%parallel_loop3A_977, %parallel_loop3A_978] {strides = array<i32>} : memref<32x768xf32, #tpu.memory_space<vmem>>, vector<1x16xf32>,
        %parallel_loop3A_980 = vector.shape_cast %parallel_loop3A_979 : vector<1x16xf32> to vector<16xf32>
        %parallel_loop3A_981 = vector.shape_cast %parallel_loop3A_975 : vector<16xf32> to vector<1x16xf32>
        tpu.vector_store %arg12[%parallel_loop3A_977, %parallel_loop3A_978], %parallel_loop3A_981 {strides = array<i32>} : memref<32x768xf32, #tpu.memory_space<vmem>>, vector<1x16xf32>,
        %parallel_loop3A_982 = arith.constant 21 : i32
        %parallel_loop3A_983 = arith.index_cast %parallel_loop3A_982 : i32 to index
        %parallel_loop3A_984 = arith.index_cast %parallel_loop3A_621 : i32 to index
        %parallel_loop3A_985 = tpu.vector_load %arg10[%parallel_loop3A_983, %parallel_loop3A_984] {strides = array<i32>} : memref<32x768xf32, #tpu.memory_space<vmem>>, vector<1x16xf32>,
        %parallel_loop3A_986 = vector.shape_cast %parallel_loop3A_985 : vector<1x16xf32> to vector<16xf32>
        %parallel_loop3A_987 = arith.constant 27.7128124 : f32
        %parallel_loop3A_988 = vector.broadcast %parallel_loop3A_987 : f32 to vector<16xf32>
        %parallel_loop3A_989 = arith.mulf %parallel_loop3A_986, %parallel_loop3A_988 : vector<16xf32>
        %parallel_loop3A_990 = arith.addf %parallel_loop3A_989, %parallel_loop3A_951 : vector<16xf32>
        %parallel_loop3A_991 = arith.constant 21 : i32
        %parallel_loop3A_992 = arith.index_cast %parallel_loop3A_991 : i32 to index
        %parallel_loop3A_993 = arith.index_cast %parallel_loop3A_621 : i32 to index
        %parallel_loop3A_994 = tpu.vector_load %arg12[%parallel_loop3A_992, %parallel_loop3A_993] {strides = array<i32>} : memref<32x768xf32, #tpu.memory_space<vmem>>, vector<1x16xf32>,
        %parallel_loop3A_995 = vector.shape_cast %parallel_loop3A_994 : vector<1x16xf32> to vector<16xf32>
        %parallel_loop3A_996 = vector.shape_cast %parallel_loop3A_990 : vector<16xf32> to vector<1x16xf32>
        tpu.vector_store %arg12[%parallel_loop3A_992, %parallel_loop3A_993], %parallel_loop3A_996 {strides = array<i32>} : memref<32x768xf32, #tpu.memory_space<vmem>>, vector<1x16xf32>,
        %parallel_loop3A_997 = arith.constant 29 : i32
        %parallel_loop3A_998 = arith.index_cast %parallel_loop3A_997 : i32 to index
        %parallel_loop3A_999 = arith.index_cast %parallel_loop3A_621 : i32 to index
        %parallel_loop3A_1000 = tpu.vector_load %arg10[%parallel_loop3A_998, %parallel_loop3A_999] {strides = array<i32>} : memref<32x768xf32, #tpu.memory_space<vmem>>, vector<1x16xf32>,
        %parallel_loop3A_1001 = vector.shape_cast %parallel_loop3A_1000 : vector<1x16xf32> to vector<16xf32>
        %parallel_loop3A_1002 = arith.constant 27.7128124 : f32
        %parallel_loop3A_1003 = vector.broadcast %parallel_loop3A_1002 : f32 to vector<16xf32>
        %parallel_loop3A_1004 = arith.mulf %parallel_loop3A_1001, %parallel_loop3A_1003 : vector<16xf32>
        %parallel_loop3A_1005 = arith.addf %parallel_loop3A_1004, %parallel_loop3A_951 : vector<16xf32>
        %parallel_loop3A_1006 = arith.constant 29 : i32
        %parallel_loop3A_1007 = arith.index_cast %parallel_loop3A_1006 : i32 to index
        %parallel_loop3A_1008 = arith.index_cast %parallel_loop3A_621 : i32 to index
        %parallel_loop3A_1009 = tpu.vector_load %arg12[%parallel_loop3A_1007, %parallel_loop3A_1008] {strides = array<i32>} : memref<32x768xf32, #tpu.memory_space<vmem>>, vector<1x16xf32>,
        %parallel_loop3A_1010 = vector.shape_cast %parallel_loop3A_1009 : vector<1x16xf32> to vector<16xf32>
        %parallel_loop3A_1011 = vector.shape_cast %parallel_loop3A_1005 : vector<16xf32> to vector<1x16xf32>
        tpu.vector_store %arg12[%parallel_loop3A_1007, %parallel_loop3A_1008], %parallel_loop3A_1011 {strides = array<i32>} : memref<32x768xf32, #tpu.memory_space<vmem>>, vector<1x16xf32>,
        %parallel_loop3A_1012 = arith.constant 6 : i32
        %parallel_loop3A_1013 = arith.index_cast %parallel_loop3A_1012 : i32 to index
        %parallel_loop3A_1014 = arith.index_cast %parallel_loop3A_621 : i32 to index
        %parallel_loop3A_1015 = tpu.vector_load %arg14[%parallel_loop3A_1013, %parallel_loop3A_1014] {strides = array<i32>} : memref<8x768xf32, #tpu.memory_space<vmem>>, vector<1x16xf32>,
        %parallel_loop3A_1016 = vector.shape_cast %parallel_loop3A_1015 : vector<1x16xf32> to vector<16xf32>
        %parallel_loop3A_1017 = arith.constant 6 : i32
        %parallel_loop3A_1018 = arith.index_cast %parallel_loop3A_1017 : i32 to index
        %parallel_loop3A_1019 = arith.index_cast %parallel_loop3A_621 : i32 to index
        %parallel_loop3A_1020 = tpu.vector_load %arg10[%parallel_loop3A_1018, %parallel_loop3A_1019] {strides = array<i32>} : memref<32x768xf32, #tpu.memory_space<vmem>>, vector<1x16xf32>,
        %parallel_loop3A_1021 = vector.shape_cast %parallel_loop3A_1020 : vector<1x16xf32> to vector<16xf32>
        %parallel_loop3A_1022 = arith.constant 27.7128124 : f32
        %parallel_loop3A_1023 = vector.broadcast %parallel_loop3A_1022 : f32 to vector<16xf32>
        %parallel_loop3A_1024 = arith.mulf %parallel_loop3A_1021, %parallel_loop3A_1023 : vector<16xf32>
        %parallel_loop3A_1025 = arith.addf %parallel_loop3A_1024, %parallel_loop3A_1016 : vector<16xf32>
        %parallel_loop3A_1026 = arith.constant 6 : i32
        %parallel_loop3A_1027 = arith.index_cast %parallel_loop3A_1026 : i32 to index
        %parallel_loop3A_1028 = arith.index_cast %parallel_loop3A_621 : i32 to index
        %parallel_loop3A_1029 = tpu.vector_load %arg12[%parallel_loop3A_1027, %parallel_loop3A_1028] {strides = array<i32>} : memref<32x768xf32, #tpu.memory_space<vmem>>, vector<1x16xf32>,
        %parallel_loop3A_1030 = vector.shape_cast %parallel_loop3A_1029 : vector<1x16xf32> to vector<16xf32>
        %parallel_loop3A_1031 = vector.shape_cast %parallel_loop3A_1025 : vector<16xf32> to vector<1x16xf32>
        tpu.vector_store %arg12[%parallel_loop3A_1027, %parallel_loop3A_1028], %parallel_loop3A_1031 {strides = array<i32>} : memref<32x768xf32, #tpu.memory_space<vmem>>, vector<1x16xf32>,
        %parallel_loop3A_1032 = arith.constant 14 : i32
        %parallel_loop3A_1033 = arith.index_cast %parallel_loop3A_1032 : i32 to index
        %parallel_loop3A_1034 = arith.index_cast %parallel_loop3A_621 : i32 to index
        %parallel_loop3A_1035 = tpu.vector_load %arg10[%parallel_loop3A_1033, %parallel_loop3A_1034] {strides = array<i32>} : memref<32x768xf32, #tpu.memory_space<vmem>>, vector<1x16xf32>,
        %parallel_loop3A_1036 = vector.shape_cast %parallel_loop3A_1035 : vector<1x16xf32> to vector<16xf32>
        %parallel_loop3A_1037 = arith.constant 27.7128124 : f32
        %parallel_loop3A_1038 = vector.broadcast %parallel_loop3A_1037 : f32 to vector<16xf32>
        %parallel_loop3A_1039 = arith.mulf %parallel_loop3A_1036, %parallel_loop3A_1038 : vector<16xf32>
        %parallel_loop3A_1040 = arith.addf %parallel_loop3A_1039, %parallel_loop3A_1016 : vector<16xf32>
        %parallel_loop3A_1041 = arith.constant 14 : i32
        %parallel_loop3A_1042 = arith.index_cast %parallel_loop3A_1041 : i32 to index
        %parallel_loop3A_1043 = arith.index_cast %parallel_loop3A_621 : i32 to index
        %parallel_loop3A_1044 = tpu.vector_load %arg12[%parallel_loop3A_1042, %parallel_loop3A_1043] {strides = array<i32>} : memref<32x768xf32, #tpu.memory_space<vmem>>, vector<1x16xf32>,
        %parallel_loop3A_1045 = vector.shape_cast %parallel_loop3A_1044 : vector<1x16xf32> to vector<16xf32>
        %parallel_loop3A_1046 = vector.shape_cast %parallel_loop3A_1040 : vector<16xf32> to vector<1x16xf32>
        tpu.vector_store %arg12[%parallel_loop3A_1042, %parallel_loop3A_1043], %parallel_loop3A_1046 {strides = array<i32>} : memref<32x768xf32, #tpu.memory_space<vmem>>, vector<1x16xf32>,
        %parallel_loop3A_1047 = arith.constant 22 : i32
        %parallel_loop3A_1048 = arith.index_cast %parallel_loop3A_1047 : i32 to index
        %parallel_loop3A_1049 = arith.index_cast %parallel_loop3A_621 : i32 to index
        %parallel_loop3A_1050 = tpu.vector_load %arg10[%parallel_loop3A_1048, %parallel_loop3A_1049] {strides = array<i32>} : memref<32x768xf32, #tpu.memory_space<vmem>>, vector<1x16xf32>,
        %parallel_loop3A_1051 = vector.shape_cast %parallel_loop3A_1050 : vector<1x16xf32> to vector<16xf32>
        %parallel_loop3A_1052 = arith.constant 27.7128124 : f32
        %parallel_loop3A_1053 = vector.broadcast %parallel_loop3A_1052 : f32 to vector<16xf32>
        %parallel_loop3A_1054 = arith.mulf %parallel_loop3A_1051, %parallel_loop3A_1053 : vector<16xf32>
        %parallel_loop3A_1055 = arith.addf %parallel_loop3A_1054, %parallel_loop3A_1016 : vector<16xf32>
        %parallel_loop3A_1056 = arith.constant 22 : i32
        %parallel_loop3A_1057 = arith.index_cast %parallel_loop3A_1056 : i32 to index
        %parallel_loop3A_1058 = arith.index_cast %parallel_loop3A_621 : i32 to index
        %parallel_loop3A_1059 = tpu.vector_load %arg12[%parallel_loop3A_1057, %parallel_loop3A_1058] {strides = array<i32>} : memref<32x768xf32, #tpu.memory_space<vmem>>, vector<1x16xf32>,
        %parallel_loop3A_1060 = vector.shape_cast %parallel_loop3A_1059 : vector<1x16xf32> to vector<16xf32>
        %parallel_loop3A_1061 = vector.shape_cast %parallel_loop3A_1055 : vector<16xf32> to vector<1x16xf32>
        tpu.vector_store %arg12[%parallel_loop3A_1057, %parallel_loop3A_1058], %parallel_loop3A_1061 {strides = array<i32>} : memref<32x768xf32, #tpu.memory_space<vmem>>, vector<1x16xf32>,
        %parallel_loop3A_1062 = arith.constant 30 : i32
        %parallel_loop3A_1063 = arith.index_cast %parallel_loop3A_1062 : i32 to index
        %parallel_loop3A_1064 = arith.index_cast %parallel_loop3A_621 : i32 to index
        %parallel_loop3A_1065 = tpu.vector_load %arg10[%parallel_loop3A_1063, %parallel_loop3A_1064] {strides = array<i32>} : memref<32x768xf32, #tpu.memory_space<vmem>>, vector<1x16xf32>,
        %parallel_loop3A_1066 = vector.shape_cast %parallel_loop3A_1065 : vector<1x16xf32> to vector<16xf32>
        %parallel_loop3A_1067 = arith.constant 27.7128124 : f32
        %parallel_loop3A_1068 = vector.broadcast %parallel_loop3A_1067 : f32 to vector<16xf32>
        %parallel_loop3A_1069 = arith.mulf %parallel_loop3A_1066, %parallel_loop3A_1068 : vector<16xf32>
        %parallel_loop3A_1070 = arith.addf %parallel_loop3A_1069, %parallel_loop3A_1016 : vector<16xf32>
        %parallel_loop3A_1071 = arith.constant 30 : i32
        %parallel_loop3A_1072 = arith.index_cast %parallel_loop3A_1071 : i32 to index
        %parallel_loop3A_1073 = arith.index_cast %parallel_loop3A_621 : i32 to index
        %parallel_loop3A_1074 = tpu.vector_load %arg12[%parallel_loop3A_1072, %parallel_loop3A_1073] {strides = array<i32>} : memref<32x768xf32, #tpu.memory_space<vmem>>, vector<1x16xf32>,
        %parallel_loop3A_1075 = vector.shape_cast %parallel_loop3A_1074 : vector<1x16xf32> to vector<16xf32>
        %parallel_loop3A_1076 = vector.shape_cast %parallel_loop3A_1070 : vector<16xf32> to vector<1x16xf32>
        tpu.vector_store %arg12[%parallel_loop3A_1072, %parallel_loop3A_1073], %parallel_loop3A_1076 {strides = array<i32>} : memref<32x768xf32, #tpu.memory_space<vmem>>, vector<1x16xf32>,
        %parallel_loop3A_1077 = arith.constant 7 : i32
        %parallel_loop3A_1078 = arith.index_cast %parallel_loop3A_1077 : i32 to index
        %parallel_loop3A_1079 = arith.index_cast %parallel_loop3A_621 : i32 to index
        %parallel_loop3A_1080 = tpu.vector_load %arg14[%parallel_loop3A_1078, %parallel_loop3A_1079] {strides = array<i32>} : memref<8x768xf32, #tpu.memory_space<vmem>>, vector<1x16xf32>,
        %parallel_loop3A_1081 = vector.shape_cast %parallel_loop3A_1080 : vector<1x16xf32> to vector<16xf32>
        %parallel_loop3A_1082 = arith.constant 7 : i32
        %parallel_loop3A_1083 = arith.index_cast %parallel_loop3A_1082 : i32 to index
        %parallel_loop3A_1084 = arith.index_cast %parallel_loop3A_621 : i32 to index
        %parallel_loop3A_1085 = tpu.vector_load %arg10[%parallel_loop3A_1083, %parallel_loop3A_1084] {strides = array<i32>} : memref<32x768xf32, #tpu.memory_space<vmem>>, vector<1x16xf32>,
        %parallel_loop3A_1086 = vector.shape_cast %parallel_loop3A_1085 : vector<1x16xf32> to vector<16xf32>
        %parallel_loop3A_1087 = arith.constant 27.7128124 : f32
        %parallel_loop3A_1088 = vector.broadcast %parallel_loop3A_1087 : f32 to vector<16xf32>
        %parallel_loop3A_1089 = arith.mulf %parallel_loop3A_1086, %parallel_loop3A_1088 : vector<16xf32>
        %parallel_loop3A_1090 = arith.addf %parallel_loop3A_1089, %parallel_loop3A_1081 : vector<16xf32>
        %parallel_loop3A_1091 = arith.constant 7 : i32
        %parallel_loop3A_1092 = arith.index_cast %parallel_loop3A_1091 : i32 to index
        %parallel_loop3A_1093 = arith.index_cast %parallel_loop3A_621 : i32 to index
        %parallel_loop3A_1094 = tpu.vector_load %arg12[%parallel_loop3A_1092, %parallel_loop3A_1093] {strides = array<i32>} : memref<32x768xf32, #tpu.memory_space<vmem>>, vector<1x16xf32>,
        %parallel_loop3A_1095 = vector.shape_cast %parallel_loop3A_1094 : vector<1x16xf32> to vector<16xf32>
        %parallel_loop3A_1096 = vector.shape_cast %parallel_loop3A_1090 : vector<16xf32> to vector<1x16xf32>
        tpu.vector_store %arg12[%parallel_loop3A_1092, %parallel_loop3A_1093], %parallel_loop3A_1096 {strides = array<i32>} : memref<32x768xf32, #tpu.memory_space<vmem>>, vector<1x16xf32>,
        %parallel_loop3A_1097 = arith.constant 15 : i32
        %parallel_loop3A_1098 = arith.index_cast %parallel_loop3A_1097 : i32 to index
        %parallel_loop3A_1099 = arith.index_cast %parallel_loop3A_621 : i32 to index
        %parallel_loop3A_1100 = tpu.vector_load %arg10[%parallel_loop3A_1098, %parallel_loop3A_1099] {strides = array<i32>} : memref<32x768xf32, #tpu.memory_space<vmem>>, vector<1x16xf32>,
        %parallel_loop3A_1101 = vector.shape_cast %parallel_loop3A_1100 : vector<1x16xf32> to vector<16xf32>
        %parallel_loop3A_1102 = arith.constant 27.7128124 : f32
        %parallel_loop3A_1103 = vector.broadcast %parallel_loop3A_1102 : f32 to vector<16xf32>
        %parallel_loop3A_1104 = arith.mulf %parallel_loop3A_1101, %parallel_loop3A_1103 : vector<16xf32>
        %parallel_loop3A_1105 = arith.addf %parallel_loop3A_1104, %parallel_loop3A_1081 : vector<16xf32>
        %parallel_loop3A_1106 = arith.constant 15 : i32
        %parallel_loop3A_1107 = arith.index_cast %parallel_loop3A_1106 : i32 to index
        %parallel_loop3A_1108 = arith.index_cast %parallel_loop3A_621 : i32 to index
        %parallel_loop3A_1109 = tpu.vector_load %arg12[%parallel_loop3A_1107, %parallel_loop3A_1108] {strides = array<i32>} : memref<32x768xf32, #tpu.memory_space<vmem>>, vector<1x16xf32>,
        %parallel_loop3A_1110 = vector.shape_cast %parallel_loop3A_1109 : vector<1x16xf32> to vector<16xf32>
        %parallel_loop3A_1111 = vector.shape_cast %parallel_loop3A_1105 : vector<16xf32> to vector<1x16xf32>
        tpu.vector_store %arg12[%parallel_loop3A_1107, %parallel_loop3A_1108], %parallel_loop3A_1111 {strides = array<i32>} : memref<32x768xf32, #tpu.memory_space<vmem>>, vector<1x16xf32>,
        %parallel_loop3A_1112 = arith.constant 23 : i32
        %parallel_loop3A_1113 = arith.index_cast %parallel_loop3A_1112 : i32 to index
        %parallel_loop3A_1114 = arith.index_cast %parallel_loop3A_621 : i32 to index
        %parallel_loop3A_1115 = tpu.vector_load %arg10[%parallel_loop3A_1113, %parallel_loop3A_1114] {strides = array<i32>} : memref<32x768xf32, #tpu.memory_space<vmem>>, vector<1x16xf32>,
        %parallel_loop3A_1116 = vector.shape_cast %parallel_loop3A_1115 : vector<1x16xf32> to vector<16xf32>
        %parallel_loop3A_1117 = arith.constant 27.7128124 : f32
        %parallel_loop3A_1118 = vector.broadcast %parallel_loop3A_1117 : f32 to vector<16xf32>
        %parallel_loop3A_1119 = arith.mulf %parallel_loop3A_1116, %parallel_loop3A_1118 : vector<16xf32>
        %parallel_loop3A_1120 = arith.addf %parallel_loop3A_1119, %parallel_loop3A_1081 : vector<16xf32>
        %parallel_loop3A_1121 = arith.constant 23 : i32
        %parallel_loop3A_1122 = arith.index_cast %parallel_loop3A_1121 : i32 to index
        %parallel_loop3A_1123 = arith.index_cast %parallel_loop3A_621 : i32 to index
        %parallel_loop3A_1124 = tpu.vector_load %arg12[%parallel_loop3A_1122, %parallel_loop3A_1123] {strides = array<i32>} : memref<32x768xf32, #tpu.memory_space<vmem>>, vector<1x16xf32>,
        %parallel_loop3A_1125 = vector.shape_cast %parallel_loop3A_1124 : vector<1x16xf32> to vector<16xf32>
        %parallel_loop3A_1126 = vector.shape_cast %parallel_loop3A_1120 : vector<16xf32> to vector<1x16xf32>
        tpu.vector_store %arg12[%parallel_loop3A_1122, %parallel_loop3A_1123], %parallel_loop3A_1126 {strides = array<i32>} : memref<32x768xf32, #tpu.memory_space<vmem>>, vector<1x16xf32>,
        %parallel_loop3A_1127 = arith.constant 31 : i32
        %parallel_loop3A_1128 = arith.index_cast %parallel_loop3A_1127 : i32 to index
        %parallel_loop3A_1129 = arith.index_cast %parallel_loop3A_621 : i32 to index
        %parallel_loop3A_1130 = tpu.vector_load %arg10[%parallel_loop3A_1128, %parallel_loop3A_1129] {strides = array<i32>} : memref<32x768xf32, #tpu.memory_space<vmem>>, vector<1x16xf32>,
        %parallel_loop3A_1131 = vector.shape_cast %parallel_loop3A_1130 : vector<1x16xf32> to vector<16xf32>
        %parallel_loop3A_1132 = arith.constant 27.7128124 : f32
        %parallel_loop3A_1133 = vector.broadcast %parallel_loop3A_1132 : f32 to vector<16xf32>
        %parallel_loop3A_1134 = arith.mulf %parallel_loop3A_1131, %parallel_loop3A_1133 : vector<16xf32>
        %parallel_loop3A_1135 = arith.addf %parallel_loop3A_1134, %parallel_loop3A_1081 : vector<16xf32>
        %parallel_loop3A_1136 = arith.constant 31 : i32
        %parallel_loop3A_1137 = arith.index_cast %parallel_loop3A_1136 : i32 to index
        %parallel_loop3A_1138 = arith.index_cast %parallel_loop3A_621 : i32 to index
        %parallel_loop3A_1139 = tpu.vector_load %arg12[%parallel_loop3A_1137, %parallel_loop3A_1138] {strides = array<i32>} : memref<32x768xf32, #tpu.memory_space<vmem>>, vector<1x16xf32>,
        %parallel_loop3A_1140 = vector.shape_cast %parallel_loop3A_1139 : vector<1x16xf32> to vector<16xf32>
        %parallel_loop3A_1141 = vector.shape_cast %parallel_loop3A_1135 : vector<16xf32> to vector<1x16xf32>
        tpu.vector_store %arg12[%parallel_loop3A_1137, %parallel_loop3A_1138], %parallel_loop3A_1141 {strides = array<i32>} : memref<32x768xf32, #tpu.memory_space<vmem>>, vector<1x16xf32>,
      } {sc.loop_unroll_factor = 1 : i64, sc.parallel_access}
      %lt3A_554 = arith.constant 3 : i32
      %lt3A_555 = arith.cmpi slt, %scan3A_443, %lt3A_554 : i32
      %convert_element_type3A_556 = arith.extui %lt3A_555 : i1 to i32
      %cond3A_557 = arith.constant 0 : i32
      %cond3A_558 = arith.cmpi ne, %convert_element_type3A_556, %cond3A_557 : i32
      scf.if %cond3A_558 {
        %add3A_619 = arith.constant 2 : i32
        %add3A_620 = arith.addi %add3A_532, %add3A_619 : i32
        %mul3A_621 = arith.constant 8 : i32
        %mul3A_622 = arith.muli %add3A_620, %mul3A_621 : i32
        %add3A_623 = arith.addi %mul3A_2, %mul3A_622 : i32
        %dma_start3A_624 = arith.constant 0 : i32
        %dma_start3A_625 = tpu.memref_slice %arg7[%add3A_620, %dma_start3A_624] : memref<8x32xi32, #tpu.memory_space<vmem>> -> memref<1x32xi32, #tpu.memory_space<vmem>>
        %dma_start3A_626 = tpu.memref_squeeze %dma_start3A_625 : memref<1x32xi32, #tpu.memory_space<vmem>> -> memref<32xi32, #tpu.memory_space<vmem>>
        %dma_start3A_627 = arith.constant 0 : i32
        %dma_start3A_628 = arith.constant 0 : i32
        %dma_start3A_629 = tpu.memref_slice %arg3[%dma_start3A_627, %dma_start3A_628] : memref<100000x768xf32, #tpu.memory_space<hbm>> -> memref<100000x768xf32, #tpu.memory_space<hbm>>
        tpu.enqueue_indirect_dma source(%dma_start3A_629 : memref<100000x768xf32, #tpu.memory_space<hbm>>) target(%arg10 : memref<32x768xf32, #tpu.memory_space<vmem>>) offsets(%dma_start3A_626 : memref<32xi32, #tpu.memory_space<vmem>>) semaphore(%arg16 : memref<!tpu.dma_semaphore, #tpu.memory_space<semaphore_mem>>)
        %dma_start3A_630 = arith.constant 0 : i32
        %dma_start3A_631 = tpu.memref_slice %arg4[%add3A_623, %dma_start3A_630] : memref<2048x768xf32, #tpu.memory_space<hbm>> -> memref<8x768xf32, #tpu.memory_space<hbm>>
        %dma_start3A_632 = arith.constant 0 : i32
        %dma_start3A_633 = tpu.memref_slice %arg4[%add3A_623, %dma_start3A_632] : memref<2048x768xf32, #tpu.memory_space<hbm>> -> memref<8x768xf32, #tpu.memory_space<hbm>>
        tpu.enqueue_dma source(%dma_start3A_633 : memref<8x768xf32, #tpu.memory_space<hbm>>) target(%arg14 : memref<8x768xf32, #tpu.memory_space<vmem>>) target_semaphore(%arg18 : memref<!tpu.dma_semaphore, #tpu.memory_space<semaphore_mem>>)
      } else {
      }
      %add3A_559 = arith.constant 0 : i32
      %add3A_560 = arith.addi %add3A_559, %mul3A_2 : i32
      %mul3A_561 = arith.constant 8 : i32
      %mul3A_562 = arith.muli %add3A_532, %mul3A_561 : i32
      %add3A_563 = arith.addi %add3A_560, %mul3A_562 : i32
      %add3A_564 = arith.constant 2048 : i32
      %add3A_565 = arith.addi %add3A_564, %mul3A_2 : i32
      %mul3A_566 = arith.constant 8 : i32
      %mul3A_567 = arith.muli %add3A_532, %mul3A_566 : i32
      %add3A_568 = arith.addi %add3A_565, %mul3A_567 : i32
      %add3A_569 = arith.constant 4096 : i32
      %add3A_570 = arith.addi %add3A_569, %mul3A_2 : i32
      %mul3A_571 = arith.constant 8 : i32
      %mul3A_572 = arith.muli %add3A_532, %mul3A_571 : i32
      %add3A_573 = arith.addi %add3A_570, %mul3A_572 : i32
      %add3A_574 = arith.constant 6144 : i32
      %add3A_575 = arith.addi %add3A_574, %mul3A_2 : i32
      %mul3A_576 = arith.constant 8 : i32
      %mul3A_577 = arith.muli %add3A_532, %mul3A_576 : i32
      %add3A_578 = arith.addi %add3A_575, %mul3A_577 : i32
      %dma_start3A_579 = arith.constant 0 : i32
      %dma_start3A_580 = arith.constant 0 : i32
      %dma_start3A_581 = tpu.memref_slice %arg12[%dma_start3A_579, %dma_start3A_580] : memref<32x768xf32, #tpu.memory_space<vmem>> -> memref<8x768xf32, #tpu.memory_space<vmem>>
      %dma_start3A_582 = arith.constant 0 : i32
      %dma_start3A_583 = tpu.memref_slice %arg5[%add3A_563, %dma_start3A_582] : memref<8192x768xf32, #tpu.memory_space<hbm>> -> memref<8x768xf32, #tpu.memory_space<hbm>>
      %dma_start3A_584 = arith.constant 0 : i32
      %dma_start3A_585 = tpu.memref_slice %arg5[%add3A_563, %dma_start3A_584] : memref<8192x768xf32, #tpu.memory_space<hbm>> -> memref<8x768xf32, #tpu.memory_space<hbm>>
      %dma_start3A_586 = arith.constant 0 : i32
      %dma_start3A_587 = arith.constant 0 : i32
      %dma_start3A_588 = tpu.memref_slice %arg12[%dma_start3A_586, %dma_start3A_587] : memref<32x768xf32, #tpu.memory_space<vmem>> -> memref<8x768xf32, #tpu.memory_space<vmem>>
      tpu.enqueue_dma source(%dma_start3A_588 : memref<8x768xf32, #tpu.memory_space<vmem>>) target(%dma_start3A_585 : memref<8x768xf32, #tpu.memory_space<hbm>>) target_semaphore(%arg20 : memref<!tpu.dma_semaphore, #tpu.memory_space<semaphore_mem>>)
      %dma_start3A_589 = arith.constant 8 : i32
      %dma_start3A_590 = arith.constant 0 : i32
      %dma_start3A_591 = tpu.memref_slice %arg12[%dma_start3A_589, %dma_start3A_590] : memref<32x768xf32, #tpu.memory_space<vmem>> -> memref<8x768xf32, #tpu.memory_space<vmem>>
      %dma_start3A_592 = arith.constant 0 : i32
      %dma_start3A_593 = tpu.memref_slice %arg5[%add3A_568, %dma_start3A_592] : memref<8192x768xf32, #tpu.memory_space<hbm>> -> memref<8x768xf32, #tpu.memory_space<hbm>>
      %dma_start3A_594 = arith.constant 0 : i32
      %dma_start3A_595 = tpu.memref_slice %arg5[%add3A_568, %dma_start3A_594] : memref<8192x768xf32, #tpu.memory_space<hbm>> -> memref<8x768xf32, #tpu.memory_space<hbm>>
      %dma_start3A_596 = arith.constant 8 : i32
      %dma_start3A_597 = arith.constant 0 : i32
      %dma_start3A_598 = tpu.memref_slice %arg12[%dma_start3A_596, %dma_start3A_597] : memref<32x768xf32, #tpu.memory_space<vmem>> -> memref<8x768xf32, #tpu.memory_space<vmem>>
      tpu.enqueue_dma source(%dma_start3A_598 : memref<8x768xf32, #tpu.memory_space<vmem>>) target(%dma_start3A_595 : memref<8x768xf32, #tpu.memory_space<hbm>>) target_semaphore(%arg20 : memref<!tpu.dma_semaphore, #tpu.memory_space<semaphore_mem>>)
      %dma_start3A_599 = arith.constant 16 : i32
      %dma_start3A_600 = arith.constant 0 : i32
      %dma_start3A_601 = tpu.memref_slice %arg12[%dma_start3A_599, %dma_start3A_600] : memref<32x768xf32, #tpu.memory_space<vmem>> -> memref<8x768xf32, #tpu.memory_space<vmem>>
      %dma_start3A_602 = arith.constant 0 : i32
      %dma_start3A_603 = tpu.memref_slice %arg5[%add3A_573, %dma_start3A_602] : memref<8192x768xf32, #tpu.memory_space<hbm>> -> memref<8x768xf32, #tpu.memory_space<hbm>>
      %dma_start3A_604 = arith.constant 0 : i32
      %dma_start3A_605 = tpu.memref_slice %arg5[%add3A_573, %dma_start3A_604] : memref<8192x768xf32, #tpu.memory_space<hbm>> -> memref<8x768xf32, #tpu.memory_space<hbm>>
      %dma_start3A_606 = arith.constant 16 : i32
      %dma_start3A_607 = arith.constant 0 : i32
      %dma_start3A_608 = tpu.memref_slice %arg12[%dma_start3A_606, %dma_start3A_607] : memref<32x768xf32, #tpu.memory_space<vmem>> -> memref<8x768xf32, #tpu.memory_space<vmem>>
      tpu.enqueue_dma source(%dma_start3A_608 : memref<8x768xf32, #tpu.memory_space<vmem>>) target(%dma_start3A_605 : memref<8x768xf32, #tpu.memory_space<hbm>>) target_semaphore(%arg20 : memref<!tpu.dma_semaphore, #tpu.memory_space<semaphore_mem>>)
      %dma_start3A_609 = arith.constant 24 : i32
      %dma_start3A_610 = arith.constant 0 : i32
      %dma_start3A_611 = tpu.memref_slice %arg12[%dma_start3A_609, %dma_start3A_610] : memref<32x768xf32, #tpu.memory_space<vmem>> -> memref<8x768xf32, #tpu.memory_space<vmem>>
      %dma_start3A_612 = arith.constant 0 : i32
      %dma_start3A_613 = tpu.memref_slice %arg5[%add3A_578, %dma_start3A_612] : memref<8192x768xf32, #tpu.memory_space<hbm>> -> memref<8x768xf32, #tpu.memory_space<hbm>>
      %dma_start3A_614 = arith.constant 0 : i32
      %dma_start3A_615 = tpu.memref_slice %arg5[%add3A_578, %dma_start3A_614] : memref<8192x768xf32, #tpu.memory_space<hbm>> -> memref<8x768xf32, #tpu.memory_space<hbm>>
      %dma_start3A_616 = arith.constant 24 : i32
      %dma_start3A_617 = arith.constant 0 : i32
      %dma_start3A_618 = tpu.memref_slice %arg12[%dma_start3A_616, %dma_start3A_617] : memref<32x768xf32, #tpu.memory_space<vmem>> -> memref<8x768xf32, #tpu.memory_space<vmem>>
      tpu.enqueue_dma source(%dma_start3A_618 : memref<8x768xf32, #tpu.memory_space<vmem>>) target(%dma_start3A_615 : memref<8x768xf32, #tpu.memory_space<hbm>>) target_semaphore(%arg20 : memref<!tpu.dma_semaphore, #tpu.memory_space<semaphore_mem>>)
    }
    %scan3A_331 = arith.constant 4 : i32
    %add3A_332 = arith.constant 0 : i32
    %add3A_333 = arith.addi %add3A_332, %mul3A_2 : i32
    %add3A_334 = arith.constant 48 : i32
    %add3A_335 = arith.addi %add3A_333, %add3A_334 : i32
    %add3A_336 = arith.constant 2048 : i32
    %add3A_337 = arith.addi %add3A_336, %mul3A_2 : i32
    %add3A_338 = arith.constant 48 : i32
    %add3A_339 = arith.addi %add3A_337, %add3A_338 : i32
    %add3A_340 = arith.constant 4096 : i32
    %add3A_341 = arith.addi %add3A_340, %mul3A_2 : i32
    %add3A_342 = arith.constant 48 : i32
    %add3A_343 = arith.addi %add3A_341, %add3A_342 : i32
    %add3A_344 = arith.constant 6144 : i32
    %add3A_345 = arith.addi %add3A_344, %mul3A_2 : i32
    %add3A_346 = arith.constant 48 : i32
    %add3A_347 = arith.addi %add3A_345, %add3A_346 : i32
    %dma_wait3A = arith.constant 0 : i32
    %dma_wait3A_348 = arith.constant 0 : i32
    %dma_wait3A_349 = tpu.memref_slice %arg11[%dma_wait3A, %dma_wait3A_348] : memref<32x768xf32, #tpu.memory_space<vmem>> -> memref<8x768xf32, #tpu.memory_space<vmem>>
    %dma_wait3A_350 = arith.constant 0 : i32
    %dma_wait3A_351 = tpu.memref_slice %arg5[%add3A_335, %dma_wait3A_350] : memref<8192x768xf32, #tpu.memory_space<hbm>> -> memref<8x768xf32, #tpu.memory_space<hbm>>
    %dma_wait3A_352 = arith.constant 0 : i32
    %dma_wait3A_353 = tpu.memref_slice %arg5[%add3A_335, %dma_wait3A_352] : memref<8192x768xf32, #tpu.memory_space<hbm>> -> memref<8x768xf32, #tpu.memory_space<hbm>>
    %dma_wait3A_354 = arith.constant 0 : i32
    %dma_wait3A_355 = arith.constant 0 : i32
    %dma_wait3A_356 = tpu.memref_slice %arg11[%dma_wait3A_354, %dma_wait3A_355] : memref<32x768xf32, #tpu.memory_space<vmem>> -> memref<8x768xf32, #tpu.memory_space<vmem>>
    tpu.wait_dma2 semaphore(%arg19 : memref<!tpu.dma_semaphore, #tpu.memory_space<semaphore_mem>>) src(%dma_wait3A_356 : memref<8x768xf32, #tpu.memory_space<vmem>>) dst(%dma_wait3A_353 : memref<8x768xf32, #tpu.memory_space<hbm>>)
    %dma_wait3A_357 = arith.constant 8 : i32
    %dma_wait3A_358 = arith.constant 0 : i32
    %dma_wait3A_359 = tpu.memref_slice %arg11[%dma_wait3A_357, %dma_wait3A_358] : memref<32x768xf32, #tpu.memory_space<vmem>> -> memref<8x768xf32, #tpu.memory_space<vmem>>
    %dma_wait3A_360 = arith.constant 0 : i32
    %dma_wait3A_361 = tpu.memref_slice %arg5[%add3A_339, %dma_wait3A_360] : memref<8192x768xf32, #tpu.memory_space<hbm>> -> memref<8x768xf32, #tpu.memory_space<hbm>>
    %dma_wait3A_362 = arith.constant 0 : i32
    %dma_wait3A_363 = tpu.memref_slice %arg5[%add3A_339, %dma_wait3A_362] : memref<8192x768xf32, #tpu.memory_space<hbm>> -> memref<8x768xf32, #tpu.memory_space<hbm>>
    %dma_wait3A_364 = arith.constant 8 : i32
    %dma_wait3A_365 = arith.constant 0 : i32
    %dma_wait3A_366 = tpu.memref_slice %arg11[%dma_wait3A_364, %dma_wait3A_365] : memref<32x768xf32, #tpu.memory_space<vmem>> -> memref<8x768xf32, #tpu.memory_space<vmem>>
    tpu.wait_dma2 semaphore(%arg19 : memref<!tpu.dma_semaphore, #tpu.memory_space<semaphore_mem>>) src(%dma_wait3A_366 : memref<8x768xf32, #tpu.memory_space<vmem>>) dst(%dma_wait3A_363 : memref<8x768xf32, #tpu.memory_space<hbm>>)
    %dma_wait3A_367 = arith.constant 16 : i32
    %dma_wait3A_368 = arith.constant 0 : i32
    %dma_wait3A_369 = tpu.memref_slice %arg11[%dma_wait3A_367, %dma_wait3A_368] : memref<32x768xf32, #tpu.memory_space<vmem>> -> memref<8x768xf32, #tpu.memory_space<vmem>>
    %dma_wait3A_370 = arith.constant 0 : i32
    %dma_wait3A_371 = tpu.memref_slice %arg5[%add3A_343, %dma_wait3A_370] : memref<8192x768xf32, #tpu.memory_space<hbm>> -> memref<8x768xf32, #tpu.memory_space<hbm>>
    %dma_wait3A_372 = arith.constant 0 : i32
    %dma_wait3A_373 = tpu.memref_slice %arg5[%add3A_343, %dma_wait3A_372] : memref<8192x768xf32, #tpu.memory_space<hbm>> -> memref<8x768xf32, #tpu.memory_space<hbm>>
    %dma_wait3A_374 = arith.constant 16 : i32
    %dma_wait3A_375 = arith.constant 0 : i32
    %dma_wait3A_376 = tpu.memref_slice %arg11[%dma_wait3A_374, %dma_wait3A_375] : memref<32x768xf32, #tpu.memory_space<vmem>> -> memref<8x768xf32, #tpu.memory_space<vmem>>
    tpu.wait_dma2 semaphore(%arg19 : memref<!tpu.dma_semaphore, #tpu.memory_space<semaphore_mem>>) src(%dma_wait3A_376 : memref<8x768xf32, #tpu.memory_space<vmem>>) dst(%dma_wait3A_373 : memref<8x768xf32, #tpu.memory_space<hbm>>)
    %dma_wait3A_377 = arith.constant 24 : i32
    %dma_wait3A_378 = arith.constant 0 : i32
    %dma_wait3A_379 = tpu.memref_slice %arg11[%dma_wait3A_377, %dma_wait3A_378] : memref<32x768xf32, #tpu.memory_space<vmem>> -> memref<8x768xf32, #tpu.memory_space<vmem>>
    %dma_wait3A_380 = arith.constant 0 : i32
    %dma_wait3A_381 = tpu.memref_slice %arg5[%add3A_347, %dma_wait3A_380] : memref<8192x768xf32, #tpu.memory_space<hbm>> -> memref<8x768xf32, #tpu.memory_space<hbm>>
    %dma_wait3A_382 = arith.constant 0 : i32
    %dma_wait3A_383 = tpu.memref_slice %arg5[%add3A_347, %dma_wait3A_382] : memref<8192x768xf32, #tpu.memory_space<hbm>> -> memref<8x768xf32, #tpu.memory_space<hbm>>
    %dma_wait3A_384 = arith.constant 24 : i32
    %dma_wait3A_385 = arith.constant 0 : i32
    %dma_wait3A_386 = tpu.memref_slice %arg11[%dma_wait3A_384, %dma_wait3A_385] : memref<32x768xf32, #tpu.memory_space<vmem>> -> memref<8x768xf32, #tpu.memory_space<vmem>>
    tpu.wait_dma2 semaphore(%arg19 : memref<!tpu.dma_semaphore, #tpu.memory_space<semaphore_mem>>) src(%dma_wait3A_386 : memref<8x768xf32, #tpu.memory_space<vmem>>) dst(%dma_wait3A_383 : memref<8x768xf32, #tpu.memory_space<hbm>>)
    %add3A_387 = arith.constant 0 : i32
    %add3A_388 = arith.addi %add3A_387, %mul3A_2 : i32
    %add3A_389 = arith.constant 56 : i32
    %add3A_390 = arith.addi %add3A_388, %add3A_389 : i32
    %add3A_391 = arith.constant 2048 : i32
    %add3A_392 = arith.addi %add3A_391, %mul3A_2 : i32
    %add3A_393 = arith.constant 56 : i32
    %add3A_394 = arith.addi %add3A_392, %add3A_393 : i32
    %add3A_395 = arith.constant 4096 : i32
    %add3A_396 = arith.addi %add3A_395, %mul3A_2 : i32
    %add3A_397 = arith.constant 56 : i32
    %add3A_398 = arith.addi %add3A_396, %add3A_397 : i32
    %add3A_399 = arith.constant 6144 : i32
    %add3A_400 = arith.addi %add3A_399, %mul3A_2 : i32
    %add3A_401 = arith.constant 56 : i32
    %add3A_402 = arith.addi %add3A_400, %add3A_401 : i32
    %dma_wait3A_403 = arith.constant 0 : i32
    %dma_wait3A_404 = arith.constant 0 : i32
    %dma_wait3A_405 = tpu.memref_slice %arg12[%dma_wait3A_403, %dma_wait3A_404] : memref<32x768xf32, #tpu.memory_space<vmem>> -> memref<8x768xf32, #tpu.memory_space<vmem>>
    %dma_wait3A_406 = arith.constant 0 : i32
    %dma_wait3A_407 = tpu.memref_slice %arg5[%add3A_390, %dma_wait3A_406] : memref<8192x768xf32, #tpu.memory_space<hbm>> -> memref<8x768xf32, #tpu.memory_space<hbm>>
    %dma_wait3A_408 = arith.constant 0 : i32
    %dma_wait3A_409 = tpu.memref_slice %arg5[%add3A_390, %dma_wait3A_408] : memref<8192x768xf32, #tpu.memory_space<hbm>> -> memref<8x768xf32, #tpu.memory_space<hbm>>
    %dma_wait3A_410 = arith.constant 0 : i32
    %dma_wait3A_411 = arith.constant 0 : i32
    %dma_wait3A_412 = tpu.memref_slice %arg12[%dma_wait3A_410, %dma_wait3A_411] : memref<32x768xf32, #tpu.memory_space<vmem>> -> memref<8x768xf32, #tpu.memory_space<vmem>>
    tpu.wait_dma2 semaphore(%arg20 : memref<!tpu.dma_semaphore, #tpu.memory_space<semaphore_mem>>) src(%dma_wait3A_412 : memref<8x768xf32, #tpu.memory_space<vmem>>) dst(%dma_wait3A_409 : memref<8x768xf32, #tpu.memory_space<hbm>>)
    %dma_wait3A_413 = arith.constant 8 : i32
    %dma_wait3A_414 = arith.constant 0 : i32
    %dma_wait3A_415 = tpu.memref_slice %arg12[%dma_wait3A_413, %dma_wait3A_414] : memref<32x768xf32, #tpu.memory_space<vmem>> -> memref<8x768xf32, #tpu.memory_space<vmem>>
    %dma_wait3A_416 = arith.constant 0 : i32
    %dma_wait3A_417 = tpu.memref_slice %arg5[%add3A_394, %dma_wait3A_416] : memref<8192x768xf32, #tpu.memory_space<hbm>> -> memref<8x768xf32, #tpu.memory_space<hbm>>
    %dma_wait3A_418 = arith.constant 0 : i32
    %dma_wait3A_419 = tpu.memref_slice %arg5[%add3A_394, %dma_wait3A_418] : memref<8192x768xf32, #tpu.memory_space<hbm>> -> memref<8x768xf32, #tpu.memory_space<hbm>>
    %dma_wait3A_420 = arith.constant 8 : i32
    %dma_wait3A_421 = arith.constant 0 : i32
    %dma_wait3A_422 = tpu.memref_slice %arg12[%dma_wait3A_420, %dma_wait3A_421] : memref<32x768xf32, #tpu.memory_space<vmem>> -> memref<8x768xf32, #tpu.memory_space<vmem>>
    tpu.wait_dma2 semaphore(%arg20 : memref<!tpu.dma_semaphore, #tpu.memory_space<semaphore_mem>>) src(%dma_wait3A_422 : memref<8x768xf32, #tpu.memory_space<vmem>>) dst(%dma_wait3A_419 : memref<8x768xf32, #tpu.memory_space<hbm>>)
    %dma_wait3A_423 = arith.constant 16 : i32
    %dma_wait3A_424 = arith.constant 0 : i32
    %dma_wait3A_425 = tpu.memref_slice %arg12[%dma_wait3A_423, %dma_wait3A_424] : memref<32x768xf32, #tpu.memory_space<vmem>> -> memref<8x768xf32, #tpu.memory_space<vmem>>
    %dma_wait3A_426 = arith.constant 0 : i32
    %dma_wait3A_427 = tpu.memref_slice %arg5[%add3A_398, %dma_wait3A_426] : memref<8192x768xf32, #tpu.memory_space<hbm>> -> memref<8x768xf32, #tpu.memory_space<hbm>>
    %dma_wait3A_428 = arith.constant 0 : i32
    %dma_wait3A_429 = tpu.memref_slice %arg5[%add3A_398, %dma_wait3A_428] : memref<8192x768xf32, #tpu.memory_space<hbm>> -> memref<8x768xf32, #tpu.memory_space<hbm>>
    %dma_wait3A_430 = arith.constant 16 : i32
    %dma_wait3A_431 = arith.constant 0 : i32
    %dma_wait3A_432 = tpu.memref_slice %arg12[%dma_wait3A_430, %dma_wait3A_431] : memref<32x768xf32, #tpu.memory_space<vmem>> -> memref<8x768xf32, #tpu.memory_space<vmem>>
    tpu.wait_dma2 semaphore(%arg20 : memref<!tpu.dma_semaphore, #tpu.memory_space<semaphore_mem>>) src(%dma_wait3A_432 : memref<8x768xf32, #tpu.memory_space<vmem>>) dst(%dma_wait3A_429 : memref<8x768xf32, #tpu.memory_space<hbm>>)
    %dma_wait3A_433 = arith.constant 24 : i32
    %dma_wait3A_434 = arith.constant 0 : i32
    %dma_wait3A_435 = tpu.memref_slice %arg12[%dma_wait3A_433, %dma_wait3A_434] : memref<32x768xf32, #tpu.memory_space<vmem>> -> memref<8x768xf32, #tpu.memory_space<vmem>>
    %dma_wait3A_436 = arith.constant 0 : i32
    %dma_wait3A_437 = tpu.memref_slice %arg5[%add3A_402, %dma_wait3A_436] : memref<8192x768xf32, #tpu.memory_space<hbm>> -> memref<8x768xf32, #tpu.memory_space<hbm>>
    %dma_wait3A_438 = arith.constant 0 : i32
    %dma_wait3A_439 = tpu.memref_slice %arg5[%add3A_402, %dma_wait3A_438] : memref<8192x768xf32, #tpu.memory_space<hbm>> -> memref<8x768xf32, #tpu.memory_space<hbm>>
    %dma_wait3A_440 = arith.constant 24 : i32
    %dma_wait3A_441 = arith.constant 0 : i32
    %dma_wait3A_442 = tpu.memref_slice %arg12[%dma_wait3A_440, %dma_wait3A_441] : memref<32x768xf32, #tpu.memory_space<vmem>> -> memref<8x768xf32, #tpu.memory_space<vmem>>
    tpu.wait_dma2 semaphore(%arg20 : memref<!tpu.dma_semaphore, #tpu.memory_space<semaphore_mem>>) src(%dma_wait3A_442 : memref<8x768xf32, #tpu.memory_space<vmem>>) dst(%dma_wait3A_439 : memref<8x768xf32, #tpu.memory_space<hbm>>)
    return
  }
}

</mosaic_0001>

<sc_bundles>
// kernel: kernel.3.cloned.1.call-start
scs
__scs_entry_jumppad:
0x0: {  	(pc) =	sbr.rel $0x88, $3  }
0x1: {  	(tag) =	ssettag $0x0;
	lr =	simm.s32 $0x1  }
0x2: {  	[smem:$0x3F9E] =	sst lr;
	_ =	strace $0xD0000000  }
0x3: {  	_ = 	snop  }
0x4: {  	_ = 	snop  }
0x5: {  	_ = 	snop  }
0x6: {  	_ = 	snop  }
0x7: {  	_ = 	snop  }
__scs_overlays_trampoline_lowered:
0x8: {  	[smem:$0x3FAD] =	sst s0  }
0x9: {  	[smem:$0x3FAE] =	sst s1  }
0xa: {  	[smem:$0x3FAF] =	sst s2  }
0xb: {  	[smem:$0x3FB0] =	sst s3  }
0xc: {  	[smem:$0x3FB1] =	sst s4  }
0xd: {  	[smem:$0x3FB2] =	sst s5  }
0xe: {  	[smem:$0x3FB3] =	sst s6  }
0xf: {  	[smem:$0x3FB4] =	sst s7  }
0x10: {  	[smem:$0x3FB5] =	sst s8  }
0x11: {  	[smem:$0x3FB6] =	sst s9;
	s0 =	simm.s32 @!p0 $0x0  }
0x12: {  	s1 =	sld [smem:$0x3F9C];
	s0 =	simm.s32 @p0 $0x1  }
0x13: {  	[smem:$0x3FB7] =	sst s0;
	s0 =	simm.s32 @!p1 $0x0  }
0x14: {  	s2 =	sld [smem:$0x3F9B];
	s0 =	simm.s32 @p1 $0x1  }
0x15: {  	[smem:$0x3FB8] =	sst s0;
	s0 =	simm.s32 @!p2 $0x0  }
0x16: {  	s3 =	sld [smem:$0x3FDB];
	s0 =	simm.s32 @p2 $0x1  }
0x17: {  	s4 =	simm.s32 $0x1BF5;
	[smem:$0x3FBA] =	sst s0  }
0x18: {  	s0 =	sld [smem:$0x3F9D];
	_ =	swait.ge [sflag:s4], $0x0  }
0x19: {  	s7 =	sld [smem:$0x3F9E]  }
0x1a: {  	s8 =	sadd.s32 $0xFFFFE003, lr  }
0x1b: {  	s9 =	sadd.s32 $0xFFFFFEF7, lr;
	s5 =	simm.s32 $0xFFFFFFFF;
	p2 =	slt.u32 s8, $0xFFFFF086  }
0x1c: {  	p1 =	slt.u32 s9, $0xF7A;
	s5 =	simm.s32 @!p2 $0x0  }
0x1d: {  	s5 =	simm.s32 @p1 $0x1;
	p0 =	seq.s32 s7, s2  }
0x1e: {  	s7 =	smul.u32 @!p0 $0xF7A, s2;
	p2 =	seq.s32 @!p0 s5, $0x0  }
0x1f: {  	s9 =	smul.u32 $0xF7A, s1;
	s8 =	simm.s32 @!p0 $0x1BF5;
	p2 =	por !p2, p0  }
0x20: {  	[sflag:s8] =	ssyncset.s32 @!p0 $0xFFFFF086;
	s6 =	sadd.s32 @!p0 s3, s7;
	s7 =	simm.s32 @!p0 $0x108  }
0x21: {  	s3 =	sadd.s32 s3, s9;
	s6 =	sadd.s32 @!p0 $0x88, s6;
	s7 =	simm.s32 @p2 $0x1082  }
0x22: {  	[simem:s7], [sflag:s8] =	dma.local @!p0 [hbm:s6], $0xF7A  }
0x23: {  	s9 =	sor.u32 $0xD0000000, s2;
	s6 =	simm.s32 $0x108;
	_ =	swait.ge @!p0 [sflag:s8], $0x0  }
0x24: {  	s3 =	sadd.s32 $0x88, s3;
	s6 =	simm.s32 @!p1 $0x1082;
	[sflag:s4] =	ssyncset.s32 $0xFFFFF086  }
0x25: {  	[simem:s6], [sflag:s4] =	dma.local [hbm:s3], $0xF7A  }
0x26: {  	[smem:$0x3F9E] =	sst s1;
	(tag) =	ssettag s2;
	_ =	strace s9  }
0x27: {  	s1 =	sld [smem:$0x3FAE]  }
0x28: {  	s2 =	sld [smem:$0x3FAF]  }
0x29: {  	s4 =	sld [smem:$0x3FB1]  }
0x2a: {  	p0 =	seq.s32 s5, $0x0;
	s5 =	sld [smem:$0x3FB2]  }
0x2b: {  	s6 =	sld [smem:$0x3FB3]  }
0x2c: {  	s7 =	sld [smem:$0x3FB4]  }
0x2d: {  	s3 =	simm.s32 $0x108;
	s8 =	sld [smem:$0x3FB5]  }
0x2e: {  	s3 =	simm.s32 @!p0 $0x1082;
	s9 =	sld [smem:$0x3FB6]  }
0x2f: {  	lr =	sadd.s32 s0, s3;
	s0 =	sld [smem:$0x3FAD]  }
0x30: {  	s3 =	sld [smem:$0x3FB0]  }
0x31: {  	[smem:$0x3FB9] =	sst s10  }
0x32: {  	s10 =	sld [smem:$0x3FB7];
	_ =	sdelay $0x3  }
0x33: {  	p0 =	seq.s32 s10, $0x1;
	s10 =	sld [smem:$0x3FB9];
	_ =	sdelay $0x3  }
0x34: {  	[smem:$0x3FB9] =	sst s10  }
0x35: {  	s10 =	sld [smem:$0x3FB8];
	_ =	sdelay $0x3  }
0x36: {  	p1 =	seq.s32 s10, $0x1;
	s10 =	sld [smem:$0x3FB9];
	_ =	sdelay $0x3  }
0x37: {  	[smem:$0x3FB9] =	sst s10  }
0x38: {  	s10 =	sld [smem:$0x3FBA]  }
0x39: {  	_ = 	snop;
	(pc) =	sbr.ind lr, $3  }
0x3a: {  	_ = 	snop  }
0x3b: {  	_ = 	snop  }
0x3c: {  	p2 =	seq.s32 s10, $0x1;
	s10 =	sld [smem:$0x3FB9]  }
0x3d: {  	_ =	shalt  }
0x3e: {  	_ =	shalt  }
0x3f: {  	_ =	shalt  }
0x40: {  	_ =	shalt  }
0x41: {  	_ =	shalt  }
0x42: {  	_ =	shalt  }
0x43: {  	_ =	shalt  }
0x44: {  	_ =	shalt  }
0x45: {  	_ =	shalt  }
0x46: {  	_ =	shalt  }
0x47: {  	_ =	shalt  }
0x48: {  	_ =	shalt  }
0x49: {  	_ =	shalt  }
0x4a: {  	_ =	shalt  }
0x4b: {  	_ =	shalt  }
0x4c: {  	_ =	shalt  }
0x4d: {  	_ =	shalt  }
0x4e: {  	_ =	shalt  }
0x4f: {  	_ =	shalt  }
0x50: {  	_ =	shalt  }
0x51: {  	_ =	shalt  }
0x52: {  	_ =	shalt  }
0x53: {  	_ =	shalt  }
0x54: {  	_ =	shalt  }
0x55: {  	_ =	shalt  }
0x56: {  	_ =	shalt  }
0x57: {  	_ =	shalt  }
0x58: {  	_ =	shalt  }
0x59: {  	_ =	shalt  }
0x5a: {  	_ =	shalt  }
0x5b: {  	_ =	shalt  }
0x5c: {  	_ =	shalt  }
0x5d: {  	_ =	shalt  }
0x5e: {  	_ =	shalt  }
0x5f: {  	_ =	shalt  }
0x60: {  	_ =	shalt  }
0x61: {  	_ =	shalt  }
0x62: {  	_ =	shalt  }
0x63: {  	_ =	shalt  }
0x64: {  	_ =	shalt  }
0x65: {  	_ =	shalt  }
0x66: {  	_ =	shalt  }
0x67: {  	_ =	shalt  }
0x68: {  	_ =	shalt  }
0x69: {  	_ =	shalt  }
0x6a: {  	_ =	shalt  }
0x6b: {  	_ =	shalt  }
0x6c: {  	_ =	shalt  }
0x6d: {  	_ =	shalt  }
0x6e: {  	_ =	shalt  }
0x6f: {  	_ =	shalt  }
0x70: {  	_ =	shalt  }
0x71: {  	_ =	shalt  }
0x72: {  	_ =	shalt  }
0x73: {  	_ =	shalt  }
0x74: {  	_ =	shalt  }
0x75: {  	_ =	shalt  }
0x76: {  	_ =	shalt  }
0x77: {  	_ =	shalt  }
0x78: {  	_ =	shalt  }
0x79: {  	_ =	shalt  }
0x7a: {  	_ =	shalt  }
0x7b: {  	_ =	shalt  }
0x7c: {  	_ =	shalt  }
0x7d: {  	_ =	shalt  }
0x7e: {  	_ =	shalt  }
0x7f: {  	_ =	shalt  }
0x80: {  	_ =	shalt  }
0x81: {  	_ =	shalt  }
0x82: {  	_ =	shalt  }
0x83: {  	_ =	shalt  }
0x84: {  	_ =	shalt  }
0x85: {  	_ =	shalt  }
0x86: {  	_ =	shalt  }
0x87: {  	_ =	shalt  }
.Lfunc_end0:
.L_simem_size_0:
called_computation_lowered:
.L_overlay_start_0:
0x88: {  	s2 =	sld [smem:$0x3FD9]  }
0x89: {  	s3 =	sld [smem:$0x3FFE];
	_ =	sdelay $0x1  }
0x8a: {  	s1 =	srdreg.scid  }
0x8b: {  	s0 =	sand.u32 $0x1, s1  }
0x8c: {  	s14 =	sshll.u32 s0, $0xA;
	s2 =	sadd.s32 s3, s2  }
0x8d: {  	s2 =	sadd.s32 s2, s14  }
0x8e: {  	[smem:$0x3FC5] =	sst s2  }
0x8f: {  	_ = 	snop  }
0x90: {  	s2 =	sld [smem:$0x3FD0];
	_ =	sdelay $0x1  }
0x91: {  	s15 =	sld [smem:$0x3FC8]  }
0x92: {  	s5 =	simm.s32 $0xA;
	s6 =	simm.s32 $0x10;
	s4 =	sld [smem:$0x3FC7]  }
0x93: {  	[smem:s6], [sflag:s5] =	dma.local [hbm:s2], $0x1  }
0x94: {  	_ =	swait.eq [sflag:s5], $0x1  }
0x95: {  	[sflag:s5] =	ssyncset.done $0x0  }
0x96: {  	[sflag:s5] =	ssyncadd.s32 $0xFFFFFFFF  }
0x97: {  	s16 =	sld [smem:$0x10];
	(tm) =	ssettm $0x1  }
0x98: {  	s17 =	sld [smem:$0x3FFB];
	_ =	sdelay $0x3  }
0x99: {  	_ =	strace s17  }
0x9a: {  	s5 =	sld [smem:$0x3FFC];
	_ =	sdelay $0x3  }
0x9b: {  	_ =	strace s5  }
0x9c: {  	s5 =	sld [smem:$0x3FFD];
	_ =	sdelay $0x3  }
0x9d: {  	_ =	strace s5  }
0x9e: {  	_ =	strace $0x8FFFFFFF  }
0x9f: {  	s18 =	sld [smem:$0x3FDB];
	_ =	sdelay $0x1  }
0xa0: {  	s19 =	simm.s32 $_scs_section_size  }
0xa1: {  	s7 =	simm.s32 $_size__tile_overlayer_lowered;
	s8 =	simm.s32 $_tile_overlayer_lowered  }
0xa2: {  	s22 =	simm.s32 $0x1BFF;
	s21 =	sshll.u32 s8, $0x1;
	s5 =	sadd.s32 s19, s18  }
0xa3: {  	s9 =	simm.s32 $0x0;
	s20 =	sshll.u32 s7, $0x1;
	s7 =	sadd.s32 s21, s5  }
0xa4: {  	[timem:s9], [sflag:s22] =	dma.local [hbm:s7], s20  }
0xa5: {  	_ =	swait.ge [sflag:s22], s20  }
0xa6: {  	s6 =	ssub.s32 $0x0, s20;
	[sflag:s22] =	ssyncset.done $0x0  }
0xa7: {  	[sflag:s22] =	ssyncadd.s32 s6;
	_ =	sdelay $0x1  }
0xa8: {  	s23 =	simm.s32 $0x1B8B  }
0xa9: {  	_ =	swait.ge [sflag:s23], $0x1  }
0xaa: {  	[sflag:s23] =	ssyncset.done $0x0  }
0xab: {  	s25 =	simm.s32 $0x1B8E;
	s24 =	sld [smem:$0x3FFE];
	[sflag:s23] =	ssyncadd.s32 $0xFFFFFFFF  }
0xac: {  	s26 =	simm.s32 $execute0_lowered;
	[smem:$0x3FD2] =	sst s25  }
0xad: {  	s7 =	sshll.u32 s26, $0x1;
	_ =	strace $0x80000046;
	[dreg:$0x1] =	wrdreg $0xFFFFFFFF  }
0xae: {  	s28 =	simm.s32 $_size_execute0_lowered;
	s5 =	sadd.s32 s5, s7;
	[dreg:$0x0] =	wrdreg $0x0  }
0xaf: {  	s7 =	sshll.u32 s28, $0x1;
	[dreg:$0x2] =	wrdreg s5  }
0xb0: {  	[dreg:$0x3] =	wrdreg s7  }
0xb1: {  	[dreg:$0x4] =	wrdreg $0xC0  }
0xb2: {  	_ =	task [dreg:s9], $0x5FFFF  }
0xb3: {  	[dreg:$0x1] =	wrdreg $0xFFFFFFFF  }
0xb4: {  	[dreg:$0x0] =	wrdreg $0x60  }
0xb5: {  	[dreg:$0x2] =	wrdreg s24  }
0xb6: {  	[dreg:$0x3] =	wrdreg s15  }
0xb7: {  	[dreg:$0x4] =	wrdreg s4  }
0xb8: {  	[dreg:$0x5] =	wrdreg s16  }
0xb9: {  	[dreg:$0x6] =	wrdreg $0x9  }
0xba: {  	_ =	task.clear_ibuf [dreg:s9], $0x7FFFF;
	_ =	strace $0x90000046  }
0xbb: {  	s29 =	simm.s32 $0x9;
	_ =	strace $0x80000048  }
0xbc: {  	_ =	swait.ge [sflag:s29], $0x1  }
0xbd: {  	[sflag:s29] =	ssyncadd.s32 $0xFFFFFFFF  }
0xbe: {  	_ =	strace $0x90000048  }
0xbf: {  	_ =	sfence  }
0xc0: {  	s30 =	sld [smem:$0x0];
	_ =	sdelay $0x2  }
0xc1: {  	s31 =	sshll.u32 s1, $0xD;
	s1 =	sshrl.u32 s1, $0x2  }
0xc2: {  	s3 =	sand.u32 $0x4000, s31;
	s1 =	sadd.s32 s1, s30  }
0xc3: {  	s0 =	sor.u32 s3, s0;
	s1 =	sshll.u32 s1, $0x11  }
0xc4: {  	s0 =	sor.u32 s1, s0  }
0xc5: {  	s0 =	sadd.s32 $0x8F2B, s0  }
0xc6: {  	[sflag:s0] =	ssyncadd.remote.s32 $0x1  }
0xc7: {  	_ =	sfence.sel $0xFFFF  }
0xc8: {  	[dreg:$0x0] =	wrdreg $0xFFFFFFFF;
	(pc) =	sbr.abs _section_cstart, $3  }
0xc9: {  	[dreg:$0x1] =	wrdreg $0xFFFFFFFF  }
0xca: {  	_ =	task.clear_ibuf [dreg:s9], $0x2FFFF;
	_ =	strace $0x9FFFFFFF  }
0xcb: {  	(tm) =	ssettm $0x7FFFFFFF  }
tec
execute0_lowered:
.L_overlay_start_1:
0x0: {  	(tag) =	ssettag $0x1  }
0x1: {  	s0 =	rddreg [dreg:$0x0]  }
0x2: {  	s1 =	rddreg [dreg:$0x1]  }
0x3: {  	s2 =	rddreg [dreg:$0x2]  }
0x4: {  	s4 =	rddreg [dreg:$0x3];
	s5 =	simm.s32 $0x0  }
0x5: {  	s3 =	srdreg.scid;
	s6 =	stileid.u32;
	s19 =	simm.s32 $0x3  }
0x6: {  	s24 =	simm.s32 $0x2;
	s25 =	simm.s32 $0x4;
	s28 =	simm.s32 $0x14000  }
0x7: {  	s29 =	simm.s32 $0x15800;
	s30 =	simm.s32 $0x17000;
	[smem:$0x7FF] =	sst s5  }
0x8: {  	s3 =	sand.u32 $0x1, s3;
	s6 =	sshll.u32 s6, $0x1;
	s10 =	sadd.s32 $0x200, s1  }
0x9: {  	_ =	strace $0x80000047;
	s7 =	sor.u32 s3, s6;
	s3 =	ssub.s32 $0x2, s3  }
0xa: {  	s6 =	sshll.u32 s7, $0x7;
	s8 =	sshrl.u32 s3, $0x1;
	s9 =	smul.u32 $0x1800, s7  }
0xb: {  	s13 =	sshll.u32 s7, $0x3;
	s0 =	sadd.s32 s6, s0;
	s3 =	ssub.s32 s3, s8  }
0xc: {  	s6 =	sshll.u32 s7, $0x6;
	s8 =	sadd.s32 $0x100, s1;
	s26 =	sadd.s32 $0x800, s0  }
0xd: {  	s9 =	sadd.s32 s2, s9;
	s0 =	sadd.s32 $0x1800, s0;
	[dreg:$0x5] =	wrdreg s26  }
0xe: {  	s14 =	sor.u32 $0x800, s6;
	s15 =	sor.u32 $0x1000, s6;
	[dreg:$0x6] =	wrdreg s9  }
0xf: {  	v2 =	vlaneseq.u32;
	s16 =	sor.u32 $0x1800, s6;
	s31 =	smax.u32 s3, $0x1;
	[dreg:$0x8] =	wrdreg s0  }
0x10: {  	vm0 =	vmmov $0xffff;
	v3 =	vimm.s32 $0x0;
	v1 =	vshrl.u32 v2, $0x3;
	s3 =	simm.s32 $0x1;
	s9 =	sadd.s32 $0x300, s9;
	[dreg:$0x9] =	wrdreg s31  }
0x11: {  	v0 =	vand.u32 $0x7, v2;
	v2 =	vor.u32 $0x8, v2;
	v1 =	vmul.u32 $0x8, v1;
	s26 =	simm.s32 $0x12800;
	[dreg:$0x7] =	wrdreg s9;
	s9 =	simm.s32 $0x0  }
.LBB2_1:
0x12: {  	[dreg:$0xa] =	wrdreg s9  }
0x13: {  	s0 =	rddreg [dreg:$0x5];
	s7 =	simm.s32 $0x7  }
0x14: {  	[tilespmem:s5], [sflag:$0x7] =	stream.linear.gather [hbm4b:s0+s5], $0x400, $0x38;
	[tilespmem:$0x1B800] =	vst v63  }
0x15: {  	_ =	swait.ge [sflag:s7], $0x400  }
0x16: {  	[sflag:s7] =	ssyncset.done $0x0  }
0x17: {  	[sflag:s7] =	ssyncadd.s32 $0xFFFFFC00  }
0x18: {  	v4 =	vld [tilespmem:$0x0];
	_ =	sdelay $0x4  }
0x19: {  	v5 =	vshrl.u32 v4, $0x3  }
0x1a: {  	v5 =	vmul.u32 $0x30, v5  }
0x1b: {  	v4 =	vand.u32 $0x7, v4  }
0x1c: {  	v4 =	vor.u32 v4, v5  }
0x1d: {  	v5 =	vperm.xlane v4, v0;
	_ =	sdelay $0x1  }
0x1e: {  	v5 =	vadd.s32 v1, v5;
	_ =	sdelay $0x3  }
0x1f: {  	s9 =	simm.s32 $0x800;
	v4 =	vperm.xlane v4, v2  }
0x20: {  	[tilespmem:s9], [sflag:$0x1] =	stream.indirect_vreg.gather [hbm4b:s1+s5], $0x80, v5, vm0, $0xb8;
	[tilespmem:$0x1B800] =	vst v63  }
0x21: {  	s11 =	simm.s32 $0x1000;
	v4 =	vadd.s32 v1, v4  }
0x22: {  	[tilespmem:s11], [sflag:$0x1] =	stream.indirect_vreg.gather [hbm4b:s8+s5], $0x80, v5, vm0, $0xb8;
	[tilespmem:$0x1B800] =	vst v63  }
0x23: {  	s12 =	simm.s32 $0x1800  }
0x24: {  	[tilespmem:s12], [sflag:$0x1] =	stream.indirect_vreg.gather [hbm4b:s10+s5], $0x80, v5, vm0, $0xb8;
	[tilespmem:$0x1B800] =	vst v63  }
0x25: {  	s17 =	simm.s32 $0x2000  }
0x26: {  	[tilespmem:s17], [sflag:$0x1] =	stream.indirect_vreg.gather [hbm4b:s1+s5], $0x80, v4, vm0, $0xb8;
	[tilespmem:$0x1B800] =	vst v63  }
0x27: {  	s18 =	simm.s32 $0x2800  }
0x28: {  	[tilespmem:s18], [sflag:$0x1] =	stream.indirect_vreg.gather [hbm4b:s8+s5], $0x80, v4, vm0, $0xb8;
	[tilespmem:$0x1B800] =	vst v63  }
0x29: {  	s20 =	simm.s32 $0x3000  }
0x2a: {  	[tilespmem:s20], [sflag:$0x1] =	stream.indirect_vreg.gather [hbm4b:s10+s5], $0x80, v4, vm0, $0xb8;
	[tilespmem:$0x1B800] =	vst v63  }
0x2b: {  	v4 =	vld [tilespmem:$0x10];
	_ =	sdelay $0x4  }
0x2c: {  	v5 =	vshrl.u32 v4, $0x3  }
0x2d: {  	v5 =	vmul.u32 $0x30, v5  }
0x2e: {  	v4 =	vand.u32 $0x7, v4  }
0x2f: {  	v4 =	vor.u32 v4, v5  }
0x30: {  	v5 =	vperm.xlane v4, v0;
	_ =	sdelay $0x1  }
0x31: {  	v5 =	vadd.s32 v1, v5;
	_ =	sdelay $0x3  }
0x32: {  	s21 =	simm.s32 $0x3800;
	v4 =	vperm.xlane v4, v2  }
0x33: {  	[tilespmem:s21], [sflag:$0x1] =	stream.indirect_vreg.gather [hbm4b:s1+s5], $0x80, v5, vm0, $0xb8;
	[tilespmem:$0x1B800] =	vst v63  }
0x34: {  	s22 =	simm.s32 $0x4000;
	v4 =	vadd.s32 v1, v4  }
0x35: {  	[tilespmem:s22], [sflag:$0x1] =	stream.indirect_vreg.gather [hbm4b:s8+s5], $0x80, v5, vm0, $0xb8;
	[tilespmem:$0x1B800] =	vst v63  }
0x36: {  	s23 =	simm.s32 $0x4800  }
0x37: {  	[tilespmem:s23], [sflag:$0x1] =	stream.indirect_vreg.gather [hbm4b:s10+s5], $0x80, v5, vm0, $0xb8;
	[tilespmem:$0x1B800] =	vst v63  }
0x38: {  	s31 =	simm.s32 $0x5000  }
0x39: {  	[tilespmem:s31], [sflag:$0x1] =	stream.indirect_vreg.gather [hbm4b:s1+s5], $0x80, v4, vm0, $0xb8;
	[tilespmem:$0x1B800] =	vst v63  }
0x3a: {  	s9 =	simm.s32 $0x5800  }
0x3b: {  	[tilespmem:s9], [sflag:$0x1] =	stream.indirect_vreg.gather [hbm4b:s8+s5], $0x80, v4, vm0, $0xb8;
	[tilespmem:$0x1B800] =	vst v63  }
0x3c: {  	s11 =	simm.s32 $0x6000  }
0x3d: {  	[tilespmem:s11], [sflag:$0x1] =	stream.indirect_vreg.gather [hbm4b:s10+s5], $0x80, v4, vm0, $0xb8;
	[tilespmem:$0x1B800] =	vst v63  }
0x3e: {  	s12 =	rddreg [dreg:$0x6];
	s17 =	simm.s32 $0x18800  }
0x3f: {  	[tilespmem:s17], [sflag:$0x3] =	stream.linear.gather [hbm4b:s12+s5], $0x1800, $0x38;
	[tilespmem:$0x1B800] =	vst v63  }
0x40: {  	v4 =	vld [tilespmem:$0x80];
	_ =	sdelay $0x4  }
0x41: {  	v5 =	vshrl.u32 v4, $0x3  }
0x42: {  	v5 =	vmul.u32 $0x30, v5  }
0x43: {  	v4 =	vand.u32 $0x7, v4  }
0x44: {  	v4 =	vor.u32 v4, v5  }
0x45: {  	v5 =	vperm.xlane v4, v0;
	_ =	sdelay $0x1  }
0x46: {  	v5 =	vadd.s32 v1, v5;
	_ =	sdelay $0x3  }
0x47: {  	s18 =	simm.s32 $0x6800;
	v4 =	vperm.xlane v4, v2  }
0x48: {  	[tilespmem:s18], [sflag:$0x2] =	stream.indirect_vreg.gather [hbm4b:s1+s5], $0x80, v5, vm0, $0xb8;
	[tilespmem:$0x1B800] =	vst v63  }
0x49: {  	s20 =	simm.s32 $0x7000;
	v4 =	vadd.s32 v1, v4  }
0x4a: {  	[tilespmem:s20], [sflag:$0x2] =	stream.indirect_vreg.gather [hbm4b:s8+s5], $0x80, v5, vm0, $0xb8;
	[tilespmem:$0x1B800] =	vst v63  }
0x4b: {  	s21 =	simm.s32 $0x7800  }
0x4c: {  	[tilespmem:s21], [sflag:$0x2] =	stream.indirect_vreg.gather [hbm4b:s10+s5], $0x80, v5, vm0, $0xb8;
	[tilespmem:$0x1B800] =	vst v63  }
0x4d: {  	s22 =	simm.s32 $0x8000  }
0x4e: {  	[tilespmem:s22], [sflag:$0x2] =	stream.indirect_vreg.gather [hbm4b:s1+s5], $0x80, v4, vm0, $0xb8;
	[tilespmem:$0x1B800] =	vst v63  }
0x4f: {  	s23 =	simm.s32 $0x8800  }
0x50: {  	[tilespmem:s23], [sflag:$0x2] =	stream.indirect_vreg.gather [hbm4b:s8+s5], $0x80, v4, vm0, $0xb8;
	[tilespmem:$0x1B800] =	vst v63  }
0x51: {  	s31 =	simm.s32 $0x9000  }
0x52: {  	[tilespmem:s31], [sflag:$0x2] =	stream.indirect_vreg.gather [hbm4b:s10+s5], $0x80, v4, vm0, $0xb8;
	[tilespmem:$0x1B800] =	vst v63  }
0x53: {  	v4 =	vld [tilespmem:$0x90];
	_ =	sdelay $0x4  }
0x54: {  	v5 =	vshrl.u32 v4, $0x3  }
0x55: {  	v5 =	vmul.u32 $0x30, v5  }
0x56: {  	v4 =	vand.u32 $0x7, v4  }
0x57: {  	v4 =	vor.u32 v4, v5  }
0x58: {  	v5 =	vperm.xlane v4, v0;
	_ =	sdelay $0x1  }
0x59: {  	v5 =	vadd.s32 v1, v5;
	_ =	sdelay $0x3  }
0x5a: {  	s9 =	simm.s32 $0x9800;
	v4 =	vperm.xlane v4, v2  }
0x5b: {  	[tilespmem:s9], [sflag:$0x2] =	stream.indirect_vreg.gather [hbm4b:s1+s5], $0x80, v5, vm0, $0xb8;
	[tilespmem:$0x1B800] =	vst v63  }
0x5c: {  	s11 =	simm.s32 $0xA000;
	v4 =	vadd.s32 v1, v4  }
0x5d: {  	[tilespmem:s11], [sflag:$0x2] =	stream.indirect_vreg.gather [hbm4b:s8+s5], $0x80, v5, vm0, $0xb8;
	[tilespmem:$0x1B800] =	vst v63  }
0x5e: {  	s12 =	simm.s32 $0xA800  }
0x5f: {  	[tilespmem:s12], [sflag:$0x2] =	stream.indirect_vreg.gather [hbm4b:s10+s5], $0x80, v5, vm0, $0xb8;
	[tilespmem:$0x1B800] =	vst v63  }
0x60: {  	s17 =	simm.s32 $0xB000  }
0x61: {  	[tilespmem:s17], [sflag:$0x2] =	stream.indirect_vreg.gather [hbm4b:s1+s5], $0x80, v4, vm0, $0xb8;
	[tilespmem:$0x1B800] =	vst v63  }
0x62: {  	s18 =	simm.s32 $0xB800  }
0x63: {  	[tilespmem:s18], [sflag:$0x2] =	stream.indirect_vreg.gather [hbm4b:s8+s5], $0x80, v4, vm0, $0xb8;
	[tilespmem:$0x1B800] =	vst v63  }
0x64: {  	s20 =	simm.s32 $0xC000  }
0x65: {  	[tilespmem:s20], [sflag:$0x2] =	stream.indirect_vreg.gather [hbm4b:s10+s5], $0x80, v4, vm0, $0xb8;
	[tilespmem:$0x1B800] =	vst v63  }
0x66: {  	s21 =	rddreg [dreg:$0x7];
	s22 =	simm.s32 $0x1A000  }
0x67: {  	[tilespmem:s22], [sflag:$0x4] =	stream.linear.gather [hbm4b:s21+s5], $0x1800, $0x38;
	[tilespmem:$0x1B800] =	vst v63  }
0x68: {  	v4 =	vld [tilespmem:$0x0]  }
0x69: {  	v5 =	vld [tilespmem:$0x10]  }
0x6a: {  	v6 =	vld [tilespmem:$0x80]  }
0x6b: {  	v7 =	vld [tilespmem:$0x90]  }
0x6c: {  	v8 =	vld [tilespmem:$0x100]  }
0x6d: {  	vm1 =	veq.s32 v4, $0x0;
	v4 =	vld [tilespmem:$0x110]  }
0x6e: {  	v9 =	vsel vm1, $0x1, v3;
	vm1 =	veq.s32 v5, $0x0;
	v5 =	vld [tilespmem:$0x180]  }
0x6f: {  	v49 =	vld [tilespmem:$0x190];
	[tilespmem:$0x400] =	vst v9;
	v48 =	vsel vm1, $0x1, v3;
	vm1 =	veq.s32 v6, $0x0  }
0x70: {  	v51 =	vld [tilespmem:$0x200];
	[tilespmem:$0x410] =	vst v48;
	v50 =	vsel vm1, $0x1, v3;
	vm1 =	veq.s32 v7, $0x0  }
0x71: {  	v53 =	vld [tilespmem:$0x210];
	[tilespmem:$0x480] =	vst v50;
	v52 =	vsel vm1, $0x1, v3;
	vm1 =	veq.s32 v8, $0x0  }
0x72: {  	[tilespmem:$0x490] =	vst v52;
	v54 =	vsel vm1, $0x1, v3;
	vm1 =	veq.s32 v4, $0x0;
	v4 =	vld [tilespmem:$0x280]  }
0x73: {  	[tilespmem:$0x500] =	vst v54;
	v55 =	vsel vm1, $0x1, v3;
	vm1 =	veq.s32 v5, $0x0;
	v5 =	vld [tilespmem:$0x290]  }
0x74: {  	v57 =	vld [tilespmem:$0x300];
	[tilespmem:$0x510] =	vst v55;
	v56 =	vsel vm1, $0x1, v3;
	vm1 =	veq.s32 v49, $0x0  }
0x75: {  	v59 =	vld [tilespmem:$0x310];
	[tilespmem:$0x580] =	vst v56;
	v58 =	vsel vm1, $0x1, v3;
	vm1 =	veq.s32 v51, $0x0  }
0x76: {  	v61 =	vld [tilespmem:$0x380];
	[tilespmem:$0x590] =	vst v58;
	v60 =	vsel vm1, $0x1, v3;
	vm1 =	veq.s32 v53, $0x0  }
0x77: {  	[tilespmem:$0x600] =	vst v60;
	v62 =	vsel vm1, $0x1, v3;
	vm1 =	veq.s32 v4, $0x0;
	v4 =	vld [tilespmem:$0x390]  }
0x78: {  	[tilespmem:$0x610] =	vst v62;
	v63 =	vsel vm1, $0x1, v3;
	vm1 =	veq.s32 v5, $0x0  }
0x79: {  	[tilespmem:$0x680] =	vst v63;
	v5 =	vsel vm1, $0x1, v3;
	vm1 =	veq.s32 v57, $0x0  }
0x7a: {  	[tilespmem:$0x690] =	vst v5;
	v5 =	vsel vm1, $0x1, v3;
	vm1 =	veq.s32 v59, $0x0  }
0x7b: {  	[tilespmem:$0x700] =	vst v5;
	v5 =	vsel vm1, $0x1, v3;
	vm1 =	veq.s32 v61, $0x0  }
0x7c: {  	[tilespmem:$0x710] =	vst v5;
	v5 =	vsel vm1, $0x1, v3;
	vm1 =	veq.s32 v4, $0x0  }
0x7d: {  	[tilespmem:$0x780] =	vst v5;
	v4 =	vsel vm1, $0x1, v3  }
0x7e: {  	s23 =	rddreg [dreg:$0x8];
	s31 =	simm.s32 $0x400;
	[tilespmem:$0x790] =	vst v4  }
0x7f: {  	[hbm4b:s23+s5] =	stream.linear.scatter [tilespmem:s31], [sflag:$0x7], $0x400, $0x38;
	[tilespmem:$0x1B800] =	vst v63  }
0x80: {  	_ =	swait.ge [sflag:s7], $0x400  }
0x81: {  	[sflag:s7] =	ssyncset.done $0x0  }
0x82: {  	s11 =	simm.s32 $0x0;
	[sflag:s7] =	ssyncadd.s32 $0xFFFFFC00  }
.LBB2_2:
0x83: {  	_ =	swait.ge [sflag:s3], $0x6000  }
0x84: {  	[sflag:s3] =	ssyncset.done $0x0  }
0x85: {  	[sflag:s3] =	ssyncadd.s32 $0xFFFFA000  }
0x86: {  	_ =	swait.ge [sflag:s19], $0x1800  }
0x87: {  	p1 =	seq.s32 s11, $0x0;
	[sflag:s19] =	ssyncset.done $0x0  }
0x88: {  	s0 =	simm.s32 @!p1 $0x5;
	[sflag:s19] =	ssyncadd.s32 $0xFFFFE800  }
0x89: {  	_ =	swait.ge @!p1 [sflag:s0], $0x1800  }
0x8a: {  	[sflag:s0] =	ssyncset.done @!p1 $0x0  }
0x8b: {  	[sflag:s0] =	ssyncadd.s32 @!p1 $0xFFFFE800  }
0x8c: {  	_ =	swait.ge @!p1 [sflag:s0], $0x1800  }
0x8d: {  	[sflag:s0] =	ssyncset.done @!p1 $0x0  }
0x8e: {  	[sflag:s0] =	ssyncadd.s32 @!p1 $0xFFFFE800  }
0x8f: {  	_ =	swait.ge @!p1 [sflag:s0], $0x1800  }
0x90: {  	[sflag:s0] =	ssyncset.done @!p1 $0x0  }
0x91: {  	[sflag:s0] =	ssyncadd.s32 @!p1 $0xFFFFE800  }
0x92: {  	s7 =	simm.s32 $0x0;
	_ =	swait.ge @!p1 [sflag:s0], $0x1800  }
0x93: {  	s9 =	sand.u32 $0x70, s7;
	s12 =	sand.u32 $0x1C00, s7;
	[sflag:s0] =	ssyncset.done @!p1 $0x0  }
0x94: {  	s9 =	sor.u32 s9, s12;
	[sflag:s0] =	ssyncadd.s32 @!p1 $0xFFFFE800  }
0x95: {  	v4 =	vld [tilespmem:s9+$0x18800]  }
0x96: {  	v5 =	vld [tilespmem:s9+$0x18880]  }
0x97: {  	v7 =	vld [tilespmem:s9+$0x18900]  }
0x98: {  	v9 =	vld [tilespmem:s9+$0x18980]  }
0x99: {  	v10 =	vld [tilespmem:s9+$0x18A00]  }
0x9a: {  	v8 =	vld [tilespmem:s9+$0x18A80]  }
0x9b: {  	v11 =	vld [tilespmem:s9+$0x800]  }
0x9c: {  	v6 =	vld [tilespmem:s9+$0x18B00]  }
0x9d: {  	v12 =	vld [tilespmem:s9+$0x2000]  }
0x9e: {  	v13 =	vld [tilespmem:s9+$0x3800]  }
0x9f: {  	v14 =	vld [tilespmem:s9+$0x5000]  }
0xa0: {  	v15 =	vld [tilespmem:s9+$0x880]  }
0xa1: {  	s31 =	simm.s32 $0x10;
	s0 =	simm.s32 $0x80;
	v16 =	vld [tilespmem:s9+$0x2080]  }
0xa2: {  	s23 =	sand.u32 $0x70, s31;
	v17 =	vld [tilespmem:s9+$0x3880];
	s17 =	sand.u32 $0x1C00, s0  }
0xa3: {  	v18 =	vld [tilespmem:s9+$0x5080];
	s18 =	sor.u32 s23, s17  }
0xa4: {  	v19 =	vld [tilespmem:s18+$0x18800];
	v11 =	vmul.f32 $2.771281240e+01, v11  }
0xa5: {  	v20 =	vld [tilespmem:s18+$0x18880];
	v12 =	vmul.f32 $2.771281240e+01, v12  }
0xa6: {  	v21 =	vld [tilespmem:s18+$0x18900];
	v13 =	vmul.f32 $2.771281240e+01, v13;
	v11 =	vadd.f32 v11, v4  }
0xa7: {  	v22 =	vld [tilespmem:s18+$0x18980];
	v14 =	vmul.f32 $2.771281240e+01, v14;
	v12 =	vadd.f32 v12, v4  }
0xa8: {  	v15 =	vmul.f32 $2.771281240e+01, v15;
	v13 =	vadd.f32 v13, v4;
	[tilespmem:s9+$0xC800] =	vst v11;
	v11 =	vld [tilespmem:s9+$0x900]  }
0xa9: {  	v4 =	vadd.f32 v14, v4;
	[tilespmem:s9+$0xE000] =	vst v12;
	v12 =	vld [tilespmem:s9+$0x2100]  }
0xaa: {  	v14 =	vmul.f32 $2.771281240e+01, v16;
	v15 =	vadd.f32 v15, v5;
	[tilespmem:s9+$0xF800] =	vst v13;
	v13 =	vld [tilespmem:s9+$0x3900]  }
0xab: {  	v16 =	vmul.f32 $2.771281240e+01, v17;
	[tilespmem:s9+$0x11000] =	vst v4;
	v4 =	vld [tilespmem:s9+$0x5100]  }
0xac: {  	v17 =	vmul.f32 $2.771281240e+01, v18;
	v14 =	vadd.f32 v14, v5;
	[tilespmem:s9+$0xC880] =	vst v15;
	v15 =	vld [tilespmem:s9+$0x980]  }
0xad: {  	v23 =	vld [tilespmem:s18+$0x800];
	v16 =	vadd.f32 v16, v5  }
0xae: {  	v5 =	vadd.f32 v17, v5;
	[tilespmem:s9+$0xE080] =	vst v14;
	v14 =	vld [tilespmem:s9+$0x2180]  }
0xaf: {  	v24 =	vld [tilespmem:s18+$0x2000];
	[tilespmem:s9+$0xF880] =	vst v16;
	v11 =	vmul.f32 $2.771281240e+01, v11  }
0xb0: {  	v16 =	vld [tilespmem:s9+$0x3980];
	[tilespmem:s9+$0x11080] =	vst v5;
	v5 =	vmul.f32 $2.771281240e+01, v12;
	v13 =	vmul.f32 $2.771281240e+01, v13  }
0xb1: {  	v12 =	vld [tilespmem:s9+$0x5180];
	v4 =	vmul.f32 $2.771281240e+01, v4;
	v15 =	vmul.f32 $2.771281240e+01, v15;
	v11 =	vadd.f32 v11, v7  }
0xb2: {  	v17 =	vld [tilespmem:s9+$0xA00];
	v5 =	vadd.f32 v5, v7;
	v13 =	vadd.f32 v13, v7  }
0xb3: {  	v4 =	vadd.f32 v4, v7;
	v7 =	vmul.f32 $2.771281240e+01, v14;
	v14 =	vadd.f32 v15, v9;
	v15 =	vld [tilespmem:s9+$0xA80];
	[tilespmem:s9+$0xC900] =	vst v11  }
0xb4: {  	v11 =	vld [tilespmem:s9+$0x2200];
	[tilespmem:s9+$0xE100] =	vst v5  }
0xb5: {  	v5 =	vld [tilespmem:s9+$0x3A00];
	[tilespmem:s9+$0x11100] =	vst v4;
	v4 =	vmul.f32 $2.771281240e+01, v16;
	v7 =	vadd.f32 v7, v9  }
0xb6: {  	[tilespmem:s9+$0xF900] =	vst v13;
	v13 =	vld [tilespmem:s9+$0x5200];
	v12 =	vmul.f32 $2.771281240e+01, v12  }
0xb7: {  	v16 =	vld [tilespmem:s9+$0x3A80];
	v4 =	vadd.f32 v4, v9;
	[tilespmem:s9+$0xE180] =	vst v7;
	v7 =	vmul.f32 $2.771281240e+01, v17  }
0xb8: {  	[tilespmem:s9+$0xC980] =	vst v14;
	v14 =	vld [tilespmem:s9+$0x2280];
	v9 =	vadd.f32 v12, v9;
	v15 =	vmul.f32 $2.771281240e+01, v15  }
0xb9: {  	v12 =	vld [tilespmem:s9+$0x5280];
	[tilespmem:s9+$0xF980] =	vst v4;
	v7 =	vadd.f32 v7, v10;
	v4 =	vmul.f32 $2.771281240e+01, v11  }
0xba: {  	v25 =	vld [tilespmem:s18+$0x3800];
	[tilespmem:s9+$0x11180] =	vst v9;
	v5 =	vmul.f32 $2.771281240e+01, v5;
	v15 =	vadd.f32 v15, v8  }
0xbb: {  	v17 =	vld [tilespmem:s9+$0x3B00];
	v13 =	vmul.f32 $2.771281240e+01, v13;
	[tilespmem:s9+$0xCA00] =	vst v7;
	v4 =	vadd.f32 v4, v10  }
0xbc: {  	v9 =	vld [tilespmem:s9+$0xB00];
	v16 =	vmul.f32 $2.771281240e+01, v16;
	v5 =	vadd.f32 v5, v10;
	[tilespmem:s9+$0xCA80] =	vst v15  }
0xbd: {  	v11 =	vld [tilespmem:s9+$0x2300];
	v14 =	vmul.f32 $2.771281240e+01, v14;
	v10 =	vadd.f32 v13, v10;
	[tilespmem:s9+$0xE200] =	vst v4  }
0xbe: {  	v18 =	vld [tilespmem:s9+$0x5300];
	v16 =	vadd.f32 v16, v8;
	v12 =	vmul.f32 $2.771281240e+01, v12;
	[tilespmem:s9+$0xFA00] =	vst v5  }
0xbf: {  	v13 =	vld [tilespmem:s18+$0x880];
	v14 =	vadd.f32 v14, v8;
	[tilespmem:s9+$0x11200] =	vst v10;
	v10 =	vmul.f32 $2.771281240e+01, v24  }
0xc0: {  	v15 =	vld [tilespmem:s18+$0x5080];
	[tilespmem:s9+$0xFA80] =	vst v16;
	v16 =	vmul.f32 $2.771281240e+01, v17;
	v8 =	vadd.f32 v12, v8  }
0xc1: {  	v26 =	vld [tilespmem:s18+$0x5000];
	[tilespmem:s9+$0xE280] =	vst v14;
	v9 =	vmul.f32 $2.771281240e+01, v9;
	v10 =	vadd.f32 v10, v19  }
0xc2: {  	v14 =	vld [tilespmem:s18+$0x900];
	v11 =	vmul.f32 $2.771281240e+01, v11;
	v16 =	vadd.f32 v16, v6;
	[tilespmem:s9+$0x11280] =	vst v8  }
0xc3: {  	v17 =	vmul.f32 $2.771281240e+01, v18;
	v12 =	vld [tilespmem:s18+$0x2100];
	v9 =	vadd.f32 v9, v6;
	[tilespmem:s18+$0xE000] =	vst v10  }
0xc4: {  	v62 =	vld [tilespmem:s18+$0x3880];
	v13 =	vmul.f32 $2.771281240e+01, v13;
	v11 =	vadd.f32 v11, v6;
	[tilespmem:s9+$0xFB00] =	vst v16  }
0xc5: {  	v27 =	vld [tilespmem:s18+$0x2080];
	v15 =	vmul.f32 $2.771281240e+01, v15;
	v6 =	vadd.f32 v17, v6;
	[tilespmem:s9+$0xCB00] =	vst v9  }
0xc6: {  	s7 =	sor.u32 s7, s7;
	v8 =	vld [tilespmem:s18+$0x3900];
	v10 =	vmul.f32 $2.771281240e+01, v26;
	v13 =	vadd.f32 v13, v20;
	[tilespmem:s9+$0xE300] =	vst v11  }
0xc7: {  	s7 =	sor.u32 $0x380, s7;
	v7 =	vld [tilespmem:s18+$0x18A00];
	v15 =	vadd.f32 v15, v20;
	[tilespmem:s9+$0x11300] =	vst v6  }
0xc8: {  	v6 =	vmul.f32 $2.771281240e+01, v14;
	v10 =	vadd.f32 v10, v19;
	v14 =	vld [tilespmem:s7+$0x800];
	v12 =	vmul.f32 $2.771281240e+01, v12;
	[tilespmem:s18+$0xC880] =	vst v13  }
0xc9: {  	v5 =	vld [tilespmem:s18+$0x18A80];
	v13 =	vmul.f32 $2.771281240e+01, v62;
	[tilespmem:s18+$0x11080] =	vst v15  }
0xca: {  	v15 =	vadd.f32 v6, v21;
	v6 =	vld [tilespmem:s7+$0x18800];
	[tilespmem:s18+$0x11000] =	vst v10;
	v10 =	vmul.f32 $2.771281240e+01, v27;
	v12 =	vadd.f32 v12, v21  }
0xcb: {  	v4 =	vld [tilespmem:s18+$0x18B00];
	v8 =	vmul.f32 $2.771281240e+01, v8;
	v13 =	vadd.f32 v13, v20  }
0xcc: {  	v11 =	vld [tilespmem:s18+$0x980];
	v10 =	vadd.f32 v10, v20;
	[tilespmem:s18+$0xE100] =	vst v12  }
0xcd: {  	v9 =	vld [tilespmem:s18+$0x5100];
	v8 =	vadd.f32 v8, v21;
	[tilespmem:s18+$0xF880] =	vst v13;
	v12 =	vmul.f32 $2.771281240e+01, v14  }
0xce: {  	v23 =	vmul.f32 $2.771281240e+01, v23;
	v13 =	vld [tilespmem:s18+$0x3980];
	[tilespmem:s18+$0xE080] =	vst v10  }
0xcf: {  	v10 =	vld [tilespmem:s18+$0x2180];
	[tilespmem:s18+$0xF900] =	vst v8;
	v8 =	vadd.f32 v12, v6  }
0xd0: {  	v63 =	vmul.f32 $2.771281240e+01, v25;
	v23 =	vadd.f32 v23, v19;
	v16 =	vld [tilespmem:s18+$0x5180]  }
0xd1: {  	v17 =	vld [tilespmem:s18+$0xA00];
	v11 =	vmul.f32 $2.771281240e+01, v11;
	[tilespmem:s7+$0xC800] =	vst v8  }
0xd2: {  	[tilespmem:s18+$0xC800] =	vst v23;
	v23 =	vadd.f32 v63, v19;
	v9 =	vmul.f32 $2.771281240e+01, v9;
	v8 =	vld [tilespmem:s9+$0x5380]  }
0xd3: {  	[tilespmem:s18+$0xC900] =	vst v15;
	v15 =	vld [tilespmem:s18+$0x2200];
	v11 =	vadd.f32 v11, v22;
	v13 =	vmul.f32 $2.771281240e+01, v13  }
0xd4: {  	[tilespmem:s18+$0xF800] =	vst v23;
	v14 =	vld [tilespmem:s18+$0x3A00];
	v9 =	vadd.f32 v9, v21;
	v10 =	vmul.f32 $2.771281240e+01, v10  }
0xd5: {  	v12 =	vld [tilespmem:s18+$0x5200];
	[tilespmem:s18+$0xC980] =	vst v11;
	v11 =	vmul.f32 $2.771281240e+01, v16;
	v13 =	vadd.f32 v13, v22  }
0xd6: {  	v18 =	vld [tilespmem:s18+$0xA80];
	[tilespmem:s18+$0x11100] =	vst v9;
	v16 =	vmul.f32 $2.771281240e+01, v17;
	v10 =	vadd.f32 v10, v22  }
0xd7: {  	v9 =	vld [tilespmem:s18+$0x2280];
	v11 =	vadd.f32 v11, v22;
	[tilespmem:s18+$0xF980] =	vst v13;
	v13 =	vmul.f32 $2.771281240e+01, v8  }
0xd8: {  	v15 =	vmul.f32 $2.771281240e+01, v15;
	v16 =	vadd.f32 v16, v7;
	[tilespmem:s18+$0xE180] =	vst v10;
	v10 =	vld [tilespmem:s18+$0x3A80]  }
0xd9: {  	v14 =	vmul.f32 $2.771281240e+01, v14;
	[tilespmem:s18+$0x11180] =	vst v11;
	v8 =	vld [tilespmem:s18+$0x5280];
	v17 =	vadd.f32 v13, v6  }
0xda: {  	s21 =	simm.s32 $0x20;
	s17 =	sshll.u32 s11, $0x4;
	v11 =	vld [tilespmem:s18+$0xB00];
	[tilespmem:s18+$0xCA00] =	vst v16;
	v16 =	vmul.f32 $2.771281240e+01, v12;
	v13 =	vadd.f32 v15, v7  }
0xdb: {  	s20 =	simm.s32 $0x80;
	s12 =	sshll.u32 s11, $0x1;
	s7 =	sor.u32 s6, s17;
	v14 =	vadd.f32 v14, v7;
	v12 =	vld [tilespmem:s18+$0x2300];
	v15 =	vmul.f32 $2.771281240e+01, v18;
	[tilespmem:s9+$0x11380] =	vst v17  }
.LBB2_3:
0xdc: {  	p0 =	sne.s32 s21, $0x2F0;
	[tilespmem:s18+$0xE200] =	vst v13;
	v7 =	vadd.f32 v16, v7;
	v9 =	vmul.f32 $2.771281240e+01, v9;
	v13 =	vld [tilespmem:s18+$0x3B00]  }
0xdd: {  	s0 =	sadd.s32 $0x80, s0;
	[tilespmem:s18+$0xFA00] =	vst v14;
	v14 =	vadd.f32 v15, v5;
	v10 =	vmul.f32 $2.771281240e+01, v10;
	v15 =	vld [tilespmem:s18+$0x5300]  }
0xde: {  	s22 =	sand.u32 $0x70, s21;
	s23 =	sand.u32 $0x1C00, s0;
	[tilespmem:s18+$0x11200] =	vst v7;
	v7 =	vadd.f32 v9, v5;
	v8 =	vmul.f32 $2.771281240e+01, v8;
	v9 =	vld [tilespmem:s9+$0x2380]  }
0xdf: {  	s22 =	sor.u32 s22, s23;
	[tilespmem:s18+$0xCA80] =	vst v14;
	v10 =	vadd.f32 v10, v5;
	v11 =	vmul.f32 $2.771281240e+01, v11;
	v14 =	vld [tilespmem:s9+$0x3B80]  }
0xe0: {  	v16 =	vld [tilespmem:s22+$0x18800];
	[tilespmem:s18+$0xE280] =	vst v7;
	v5 =	vadd.f32 v8, v5;
	v7 =	vmul.f32 $2.771281240e+01, v12  }
0xe1: {  	v8 =	vld [tilespmem:s22+$0x18880];
	[tilespmem:s18+$0xFA80] =	vst v10;
	v10 =	vadd.f32 v11, v4;
	v11 =	vmul.f32 $2.771281240e+01, v13  }
0xe2: {  	v12 =	vld [tilespmem:s22+$0x18900];
	[tilespmem:s18+$0x11280] =	vst v5;
	v5 =	vadd.f32 v7, v4;
	v13 =	vmul.f32 $2.771281240e+01, v15  }
0xe3: {  	v15 =	vld [tilespmem:s22+$0x18980];
	[tilespmem:s18+$0xCB00] =	vst v10;
	v10 =	vadd.f32 v11, v4;
	v9 =	vmul.f32 $2.771281240e+01, v9  }
0xe4: {  	v7 =	vld [tilespmem:s22+$0x18A00];
	[tilespmem:s18+$0xE300] =	vst v5;
	v11 =	vadd.f32 v13, v4;
	v13 =	vmul.f32 $2.771281240e+01, v14  }
0xe5: {  	s23 =	sor.u32 s20, s31;
	s20 =	smov.u32 s0;
	s31 =	smov.u32 s21;
	v5 =	vld [tilespmem:s22+$0x18A80];
	[tilespmem:s18+$0xFB00] =	vst v10;
	v9 =	vadd.f32 v9, v6  }
0xe6: {  	s23 =	sor.u32 $0x380, s23;
	v4 =	vld [tilespmem:s22+$0x18B00];
	[tilespmem:s18+$0x11300] =	vst v11;
	v6 =	vadd.f32 v13, v6  }
0xe7: {  	v10 =	vld [tilespmem:s23+$0x800];
	[tilespmem:s9+$0xE380] =	vst v9  }
0xe8: {  	v9 =	vld [tilespmem:s22+$0x800];
	[tilespmem:s9+$0xFB80] =	vst v6;
	s9 =	smov.u32 s18;
	s18 =	smov.u32 s22  }
0xe9: {  	v6 =	vld [tilespmem:s23+$0x18800]  }
0xea: {  	v11 =	vld [tilespmem:s18+$0x2000]  }
0xeb: {  	v13 =	vld [tilespmem:s18+$0x3800]  }
0xec: {  	v14 =	vld [tilespmem:s18+$0x5000];
	v10 =	vmul.f32 $2.771281240e+01, v10  }
0xed: {  	v17 =	vld [tilespmem:s18+$0x880]  }
0xee: {  	v9 =	vmul.f32 $2.771281240e+01, v9;
	v18 =	vld [tilespmem:s18+$0x2080];
	v10 =	vadd.f32 v10, v6  }
0xef: {  	v11 =	vmul.f32 $2.771281240e+01, v11;
	v19 =	vld [tilespmem:s18+$0x3880]  }
0xf0: {  	v9 =	vadd.f32 v9, v16;
	v13 =	vmul.f32 $2.771281240e+01, v13;
	v20 =	vld [tilespmem:s18+$0x5080];
	[tilespmem:s23+$0xC800] =	vst v10  }
0xf1: {  	v10 =	vadd.f32 v11, v16;
	v11 =	vmul.f32 $2.771281240e+01, v14;
	v14 =	vld [tilespmem:s9+$0x5380]  }
0xf2: {  	[tilespmem:s18+$0xC800] =	vst v9;
	v9 =	vadd.f32 v13, v16;
	v13 =	vmul.f32 $2.771281240e+01, v17;
	v17 =	vld [tilespmem:s18+$0x900]  }
0xf3: {  	[tilespmem:s18+$0xE000] =	vst v10;
	v10 =	vadd.f32 v11, v16;
	v11 =	vmul.f32 $2.771281240e+01, v18;
	v16 =	vld [tilespmem:s18+$0x2100]  }
0xf4: {  	[tilespmem:s18+$0xF800] =	vst v9;
	v9 =	vadd.f32 v13, v8;
	v13 =	vmul.f32 $2.771281240e+01, v19;
	v18 =	vld [tilespmem:s18+$0x3900]  }
0xf5: {  	[tilespmem:s18+$0x11000] =	vst v10;
	v10 =	vadd.f32 v11, v8;
	v11 =	vmul.f32 $2.771281240e+01, v20;
	v19 =	vld [tilespmem:s18+$0x5100]  }
0xf6: {  	[tilespmem:s18+$0xC880] =	vst v9;
	v9 =	vadd.f32 v13, v8;
	v13 =	vld [tilespmem:s18+$0x980];
	v14 =	vmul.f32 $2.771281240e+01, v14  }
0xf7: {  	[tilespmem:s18+$0xE080] =	vst v10;
	v8 =	vadd.f32 v11, v8;
	v10 =	vmul.f32 $2.771281240e+01, v17;
	v11 =	vld [tilespmem:s18+$0x2180]  }
0xf8: {  	[tilespmem:s18+$0xF880] =	vst v9;
	v9 =	vmul.f32 $2.771281240e+01, v16;
	v16 =	vld [tilespmem:s18+$0x3980];
	v14 =	vadd.f32 v14, v6  }
0xf9: {  	[tilespmem:s18+$0x11080] =	vst v8;
	v8 =	vadd.f32 v10, v12;
	v10 =	vmul.f32 $2.771281240e+01, v18;
	v17 =	vld [tilespmem:s18+$0x5180]  }
0xfa: {  	v9 =	vadd.f32 v9, v12;
	v18 =	vmul.f32 $2.771281240e+01, v19;
	v19 =	vld [tilespmem:s18+$0xA00];
	[tilespmem:s9+$0x11380] =	vst v14  }
0xfb: {  	[tilespmem:s18+$0xC900] =	vst v8;
	v8 =	vadd.f32 v10, v12;
	v10 =	vmul.f32 $2.771281240e+01, v13;
	v13 =	vld [tilespmem:s18+$0x2200]  }
0xfc: {  	[tilespmem:s18+$0xE100] =	vst v9;
	v9 =	vadd.f32 v18, v12;
	v11 =	vmul.f32 $2.771281240e+01, v11;
	v12 =	vld [tilespmem:s18+$0x3A00]  }
0xfd: {  	[tilespmem:s18+$0xF900] =	vst v8;
	v8 =	vadd.f32 v10, v15;
	v10 =	vmul.f32 $2.771281240e+01, v16;
	v14 =	vld [tilespmem:s18+$0x5200]  }
0xfe: {  	[tilespmem:s18+$0x11100] =	vst v9;
	v11 =	vadd.f32 v11, v15;
	v16 =	vmul.f32 $2.771281240e+01, v17;
	v17 =	vld [tilespmem:s18+$0xA80]  }
.Ltmp0:
0xff: {  	[tilespmem:s18+$0xC980] =	vst v8;
	v8 =	vadd.f32 v10, v15;
	v18 =	vmul.f32 $2.771281240e+01, v19;
	v9 =	vld [tilespmem:s18+$0x2280];
	(pc) =	sbr.rel @p0 .LBB2_3-.Ltmp0, $4  }
0x100: {  	[tilespmem:s18+$0xE180] =	vst v11;
	v11 =	vadd.f32 v16, v15;
	v13 =	vmul.f32 $2.771281240e+01, v13;
	v10 =	vld [tilespmem:s18+$0x3A80]  }
0x101: {  	[tilespmem:s18+$0xF980] =	vst v8;
	v15 =	vadd.f32 v18, v7;
	v12 =	vmul.f32 $2.771281240e+01, v12;
	v8 =	vld [tilespmem:s18+$0x5280]  }
0x102: {  	[tilespmem:s18+$0x11180] =	vst v11;
	v13 =	vadd.f32 v13, v7;
	v16 =	vmul.f32 $2.771281240e+01, v14;
	v11 =	vld [tilespmem:s18+$0xB00]  }
0x103: {  	s21 =	sadd.s32 $0x10, s21;
	[tilespmem:s18+$0xCA00] =	vst v15;
	v14 =	vadd.f32 v12, v7;
	v15 =	vmul.f32 $2.771281240e+01, v17;
	v12 =	vld [tilespmem:s18+$0x2300]  }
0x104: {  	[tilespmem:s18+$0xE200] =	vst v13;
	v13 =	vld [tilespmem:s18+$0x3B00];
	v7 =	vadd.f32 v16, v7;
	v9 =	vmul.f32 $2.771281240e+01, v9  }
0x105: {  	[tilespmem:s18+$0xFA00] =	vst v14;
	v14 =	vadd.f32 v15, v5;
	v10 =	vmul.f32 $2.771281240e+01, v10;
	v15 =	vld [tilespmem:s18+$0x5300]  }
0x106: {  	[tilespmem:s18+$0x11200] =	vst v7;
	v7 =	vadd.f32 v9, v5;
	v8 =	vmul.f32 $2.771281240e+01, v8  }
0x107: {  	[tilespmem:s18+$0xCA80] =	vst v14;
	v9 =	vadd.f32 v10, v5;
	v10 =	vmul.f32 $2.771281240e+01, v11  }
0x108: {  	[tilespmem:s18+$0xE280] =	vst v7;
	v5 =	vadd.f32 v8, v5;
	v7 =	vmul.f32 $2.771281240e+01, v12  }
0x109: {  	[tilespmem:s18+$0xFA80] =	vst v9;
	v8 =	vadd.f32 v10, v4;
	v9 =	vmul.f32 $2.771281240e+01, v13  }
0x10a: {  	[tilespmem:s18+$0x11280] =	vst v5;
	v5 =	vadd.f32 v7, v4;
	v7 =	vmul.f32 $2.771281240e+01, v15  }
0x10b: {  	[tilespmem:s18+$0xCB00] =	vst v8;
	v8 =	vadd.f32 v9, v4  }
0x10c: {  	[tilespmem:s18+$0xE300] =	vst v5;
	v4 =	vadd.f32 v7, v4  }
0x10d: {  	s0 =	sor.u32 s20, s31;
	[tilespmem:s18+$0xFB00] =	vst v8  }
0x10e: {  	s0 =	sor.u32 $0x380, s0;
	[tilespmem:s18+$0x11300] =	vst v4  }
0x10f: {  	v4 =	vld [tilespmem:s0+$0x800];
	_ =	sdelay $0x1  }
0x110: {  	v5 =	vld [tilespmem:s0+$0x18800];
	_ =	sdelay $0x2  }
0x111: {  	v4 =	vmul.f32 $2.771281240e+01, v4;
	_ =	sdelay $0x1  }
0x112: {  	v4 =	vadd.f32 v4, v5;
	_ =	sdelay $0x1  }
0x113: {  	[tilespmem:s0+$0xC800] =	vst v4  }
0x114: {  	v4 =	vld [tilespmem:s18+$0x5380];
	_ =	sdelay $0x4  }
0x115: {  	v4 =	vmul.f32 $2.771281240e+01, v4;
	_ =	sdelay $0x1  }
0x116: {  	v7 =	vld [tilespmem:s9+$0x2380];
	v4 =	vadd.f32 v4, v5  }
0x117: {  	v8 =	vld [tilespmem:s9+$0x3B80]  }
0x118: {  	[tilespmem:s18+$0x11380] =	vst v4;
	v4 =	vld [tilespmem:s18+$0x2380]  }
0x119: {  	v9 =	vld [tilespmem:s18+$0x3B80];
	_ =	sdelay $0x1  }
0x11a: {  	v7 =	vmul.f32 $2.771281240e+01, v7  }
0x11b: {  	v8 =	vmul.f32 $2.771281240e+01, v8  }
0x11c: {  	v7 =	vadd.f32 v7, v6;
	v4 =	vmul.f32 $2.771281240e+01, v4  }
0x11d: {  	v6 =	vadd.f32 v8, v6;
	v8 =	vmul.f32 $2.771281240e+01, v9  }
0x11e: {  	p0 =	seq.s32 s11, $0x3;
	[tilespmem:s9+$0xE380] =	vst v7;
	v4 =	vadd.f32 v4, v5  }
0x11f: {  	[tilespmem:s9+$0xFB80] =	vst v6;
	s0 =	sadd.s32 @!p0 $0x2, s12;
	v5 =	vadd.f32 v8, v5  }
0x120: {  	s9 =	sshll.u32 @!p0 s0, $0x7;
	[tilespmem:s18+$0xE380] =	vst v4  }
0x121: {  	s9 =	sand.u32 @!p0 $0x3FFFFF80, s9;
	[tilespmem:s18+$0xFB80] =	vst v5  }
0x122: {  	v4 =	vld @!p0 [tilespmem:s9+$0x0];
	_ =	sdelay $0x4  }
0x123: {  	v5 =	vshrl.u32 @!p0 v4, $0x3  }
0x124: {  	v5 =	vmul.u32 @!p0 $0x30, v5  }
0x125: {  	v6 =	vlaneseq.u32 @!p0;
	v4 =	vand.u32 @!p0 $0x7, v4  }
0x126: {  	v7 =	vshrl.u32 @!p0 v6, $0x3;
	v4 =	vor.u32 @!p0 v4, v5;
	v5 =	vand.u32 @!p0 $0x7, v6  }
0x127: {  	v7 =	vmul.u32 @!p0 $0x8, v7;
	v8 =	vperm.xlane @!p0 v4, v5;
	_ =	sdelay $0x1  }
0x128: {  	v8 =	vadd.s32 @!p0 v7, v8;
	_ =	sdelay $0x2  }
0x129: {  	v6 =	vor.u32 @!p0 $0x8, v6  }
0x12a: {  	vm1 =	vmmov @!p0 $0xffff;
	s20 =	simm.s32 @!p0 $0x800;
	s18 =	simm.s32 @!p0 $0x0;
	v4 =	vperm.xlane @!p0 v4, v6  }
0x12b: {  	[tilespmem:s20], [sflag:$0x1] =	stream.indirect_vreg.gather @!p0 [hbm4b:s1+s18], $0x80, v8, vm1, $0xb8;
	[tilespmem:$0x1B800] =	vst v63  }
0x12c: {  	v4 =	vadd.s32 @!p0 v7, v4;
	s20 =	simm.s32 @!p0 $0x1000  }
0x12d: {  	[tilespmem:s20], [sflag:$0x1] =	stream.indirect_vreg.gather @!p0 [hbm4b:s8+s18], $0x80, v8, vm1, $0xb8;
	[tilespmem:$0x1B800] =	vst v63  }
0x12e: {  	s20 =	simm.s32 @!p0 $0x1800  }
0x12f: {  	[tilespmem:s20], [sflag:$0x1] =	stream.indirect_vreg.gather @!p0 [hbm4b:s10+s18], $0x80, v8, vm1, $0xb8;
	[tilespmem:$0x1B800] =	vst v63  }
0x130: {  	s20 =	simm.s32 @!p0 $0x2000  }
0x131: {  	[tilespmem:s20], [sflag:$0x1] =	stream.indirect_vreg.gather @!p0 [hbm4b:s1+s18], $0x80, v4, vm1, $0xb8;
	[tilespmem:$0x1B800] =	vst v63  }
0x132: {  	s20 =	simm.s32 @!p0 $0x2800  }
0x133: {  	[tilespmem:s20], [sflag:$0x1] =	stream.indirect_vreg.gather @!p0 [hbm4b:s8+s18], $0x80, v4, vm1, $0xb8;
	[tilespmem:$0x1B800] =	vst v63  }
0x134: {  	s20 =	simm.s32 @!p0 $0x3000  }
0x135: {  	[tilespmem:s20], [sflag:$0x1] =	stream.indirect_vreg.gather @!p0 [hbm4b:s10+s18], $0x80, v4, vm1, $0xb8;
	[tilespmem:$0x1B800] =	vst v63  }
0x136: {  	v4 =	vld @!p0 [tilespmem:s9+$0x10];
	_ =	sdelay $0x4  }
0x137: {  	v8 =	vshrl.u32 @!p0 v4, $0x3  }
0x138: {  	v8 =	vmul.u32 @!p0 $0x30, v8  }
0x139: {  	v4 =	vand.u32 @!p0 $0x7, v4  }
0x13a: {  	v4 =	vor.u32 @!p0 v4, v8  }
0x13b: {  	v5 =	vperm.xlane @!p0 v4, v5;
	_ =	sdelay $0x1  }
0x13c: {  	v5 =	vadd.s32 @!p0 v7, v5;
	_ =	sdelay $0x3  }
0x13d: {  	s9 =	simm.s32 @!p0 $0x3800;
	v4 =	vperm.xlane @!p0 v4, v6  }
0x13e: {  	[tilespmem:s9], [sflag:$0x1] =	stream.indirect_vreg.gather @!p0 [hbm4b:s1+s18], $0x80, v5, vm1, $0xb8;
	[tilespmem:$0x1B800] =	vst v63  }
0x13f: {  	v4 =	vadd.s32 @!p0 v7, v4;
	s9 =	simm.s32 @!p0 $0x4000  }
0x140: {  	[tilespmem:s9], [sflag:$0x1] =	stream.indirect_vreg.gather @!p0 [hbm4b:s8+s18], $0x80, v5, vm1, $0xb8;
	[tilespmem:$0x1B800] =	vst v63  }
0x141: {  	s9 =	simm.s32 @!p0 $0x4800  }
0x142: {  	[tilespmem:s9], [sflag:$0x1] =	stream.indirect_vreg.gather @!p0 [hbm4b:s10+s18], $0x80, v5, vm1, $0xb8;
	[tilespmem:$0x1B800] =	vst v63  }
0x143: {  	s9 =	simm.s32 @!p0 $0x5000  }
0x144: {  	[tilespmem:s9], [sflag:$0x1] =	stream.indirect_vreg.gather @!p0 [hbm4b:s1+s18], $0x80, v4, vm1, $0xb8;
	[tilespmem:$0x1B800] =	vst v63  }
0x145: {  	s0 =	sadd.s32 @!p0 s13, s0;
	s9 =	simm.s32 @!p0 $0x5800  }
0x146: {  	[tilespmem:s9], [sflag:$0x1] =	stream.indirect_vreg.gather @!p0 [hbm4b:s8+s18], $0x80, v4, vm1, $0xb8;
	[tilespmem:$0x1B800] =	vst v63  }
0x147: {  	s0 =	smul.u32 @!p0 $0x300, s0;
	s9 =	simm.s32 @!p0 $0x6000  }
0x148: {  	[tilespmem:s9], [sflag:$0x1] =	stream.indirect_vreg.gather @!p0 [hbm4b:s10+s18], $0x80, v4, vm1, $0xb8;
	[tilespmem:$0x1B800] =	vst v63  }
0x149: {  	s7 =	sshrl.u32 s7, $0x3;
	s0 =	sadd.s32 @!p0 s2, s0;
	s9 =	simm.s32 @!p0 $0x18800  }
0x14a: {  	[tilespmem:s9], [sflag:$0x3] =	stream.linear.gather @!p0 [hbm4b:s0+s18], $0x1800, $0x38;
	[tilespmem:$0x1B800] =	vst v63  }
0x14b: {  	s0 =	smul.u32 $0x300, s7;
	s9 =	sor.u32 s14, s17  }
0x14c: {  	s20 =	sor.u32 s15, s17;
	s7 =	sshrl.u32 s9, $0x3  }
0x14d: {  	s18 =	simm.s32 $0xC800;
	s0 =	sadd.s32 s4, s0;
	s7 =	smul.u32 $0x300, s7  }
0x14e: {  	[hbm4b:s0+s5] =	stream.linear.scatter [tilespmem:s18], [sflag:$0x5], $0x1800, $0x38;
	[tilespmem:$0x1B800] =	vst v63  }
0x14f: {  	s21 =	simm.s32 $0xE000;
	s0 =	sshrl.u32 s20, $0x3  }
0x150: {  	s22 =	sor.u32 s16, s17;
	s7 =	sadd.s32 s4, s7;
	s0 =	smul.u32 $0x300, s0  }
0x151: {  	[hbm4b:s7+s5] =	stream.linear.scatter [tilespmem:s21], [sflag:$0x5], $0x1800, $0x38;
	[tilespmem:$0x1B800] =	vst v63  }
0x152: {  	s7 =	sshrl.u32 s22, $0x3  }
0x153: {  	s23 =	simm.s32 $0xF800;
	s0 =	sadd.s32 s4, s0;
	s7 =	smul.u32 $0x300, s7  }
0x154: {  	[hbm4b:s0+s5] =	stream.linear.scatter [tilespmem:s23], [sflag:$0x5], $0x1800, $0x38;
	[tilespmem:$0x1B800] =	vst v63  }
0x155: {  	s18 =	simm.s32 $0x11000;
	s9 =	sadd.s32 s4, s7  }
0x156: {  	[hbm4b:s9+s5] =	stream.linear.scatter [tilespmem:s18], [sflag:$0x5], $0x1800, $0x38;
	[tilespmem:$0x1B800] =	vst v63  }
0x157: {  	_ =	swait.ge [sflag:s24], $0x6000  }
0x158: {  	[sflag:s24] =	ssyncset.done $0x0  }
0x159: {  	[sflag:s24] =	ssyncadd.s32 $0xFFFFA000  }
0x15a: {  	_ =	swait.ge [sflag:s25], $0x1800  }
0x15b: {  	[sflag:s25] =	ssyncset.done $0x0  }
0x15c: {  	s0 =	simm.s32 @!p1 $0x6;
	[sflag:s25] =	ssyncadd.s32 $0xFFFFE800  }
0x15d: {  	_ =	swait.ge @!p1 [sflag:s0], $0x1800  }
0x15e: {  	[sflag:s0] =	ssyncset.done @!p1 $0x0  }
0x15f: {  	[sflag:s0] =	ssyncadd.s32 @!p1 $0xFFFFE800  }
0x160: {  	_ =	swait.ge @!p1 [sflag:s0], $0x1800  }
0x161: {  	[sflag:s0] =	ssyncset.done @!p1 $0x0  }
0x162: {  	[sflag:s0] =	ssyncadd.s32 @!p1 $0xFFFFE800  }
0x163: {  	_ =	swait.ge @!p1 [sflag:s0], $0x1800  }
0x164: {  	[sflag:s0] =	ssyncset.done @!p1 $0x0  }
0x165: {  	[sflag:s0] =	ssyncadd.s32 @!p1 $0xFFFFE800  }
0x166: {  	s7 =	simm.s32 $0x0;
	_ =	swait.ge @!p1 [sflag:s0], $0x1800  }
0x167: {  	s20 =	sand.u32 $0x70, s7;
	s21 =	sand.u32 $0x1C00, s7;
	[sflag:s0] =	ssyncset.done @!p1 $0x0  }
0x168: {  	s9 =	sor.u32 s20, s21;
	[sflag:s0] =	ssyncadd.s32 @!p1 $0xFFFFE800  }
0x169: {  	v4 =	vld [tilespmem:s9+$0x1A000]  }
0x16a: {  	v5 =	vld [tilespmem:s9+$0x1A080]  }
0x16b: {  	v7 =	vld [tilespmem:s9+$0x1A100]  }
0x16c: {  	v9 =	vld [tilespmem:s9+$0x1A180]  }
0x16d: {  	v10 =	vld [tilespmem:s9+$0x1A200]  }
0x16e: {  	v8 =	vld [tilespmem:s9+$0x1A280]  }
0x16f: {  	v11 =	vld [tilespmem:s9+$0x6800]  }
0x170: {  	v6 =	vld [tilespmem:s9+$0x1A300]  }
0x171: {  	v12 =	vld [tilespmem:s9+$0x8000]  }
0x172: {  	v13 =	vld [tilespmem:s9+$0x9800]  }
0x173: {  	v14 =	vld [tilespmem:s9+$0xB000]  }
0x174: {  	v15 =	vld [tilespmem:s9+$0x6880]  }
0x175: {  	s31 =	simm.s32 $0x10;
	s0 =	simm.s32 $0x80;
	v16 =	vld [tilespmem:s9+$0x8080]  }
0x176: {  	s22 =	sand.u32 $0x70, s31;
	v17 =	vld [tilespmem:s9+$0x9880];
	s23 =	sand.u32 $0x1C00, s0  }
0x177: {  	v18 =	vld [tilespmem:s9+$0xB080];
	s18 =	sor.u32 s22, s23  }
0x178: {  	v19 =	vld [tilespmem:s18+$0x1A000];
	v11 =	vmul.f32 $2.771281240e+01, v11  }
0x179: {  	v20 =	vld [tilespmem:s18+$0x1A080];
	v12 =	vmul.f32 $2.771281240e+01, v12  }
0x17a: {  	v21 =	vld [tilespmem:s18+$0x1A100];
	v13 =	vmul.f32 $2.771281240e+01, v13;
	v11 =	vadd.f32 v11, v4  }
0x17b: {  	v22 =	vld [tilespmem:s18+$0x1A180];
	v14 =	vmul.f32 $2.771281240e+01, v14;
	v12 =	vadd.f32 v12, v4  }
0x17c: {  	v15 =	vmul.f32 $2.771281240e+01, v15;
	v13 =	vadd.f32 v13, v4;
	[tilespmem:s9+$0x12800] =	vst v11;
	v11 =	vld [tilespmem:s9+$0x6900]  }
0x17d: {  	v4 =	vadd.f32 v14, v4;
	[tilespmem:s9+$0x14000] =	vst v12;
	v12 =	vld [tilespmem:s9+$0x8100]  }
0x17e: {  	v14 =	vmul.f32 $2.771281240e+01, v16;
	v15 =	vadd.f32 v15, v5;
	[tilespmem:s9+$0x15800] =	vst v13;
	v13 =	vld [tilespmem:s9+$0x9900]  }
0x17f: {  	v16 =	vmul.f32 $2.771281240e+01, v17;
	[tilespmem:s9+$0x17000] =	vst v4;
	v4 =	vld [tilespmem:s9+$0xB100]  }
0x180: {  	v17 =	vmul.f32 $2.771281240e+01, v18;
	v14 =	vadd.f32 v14, v5;
	[tilespmem:s9+$0x12880] =	vst v15;
	v15 =	vld [tilespmem:s9+$0x6980]  }
0x181: {  	v23 =	vld [tilespmem:s18+$0x6800];
	v16 =	vadd.f32 v16, v5  }
0x182: {  	v5 =	vadd.f32 v17, v5;
	[tilespmem:s9+$0x14080] =	vst v14;
	v14 =	vld [tilespmem:s9+$0x8180]  }
0x183: {  	v24 =	vld [tilespmem:s18+$0x8000];
	[tilespmem:s9+$0x15880] =	vst v16;
	v11 =	vmul.f32 $2.771281240e+01, v11  }
0x184: {  	v16 =	vld [tilespmem:s9+$0x9980];
	[tilespmem:s9+$0x17080] =	vst v5;
	v5 =	vmul.f32 $2.771281240e+01, v12;
	v13 =	vmul.f32 $2.771281240e+01, v13  }
0x185: {  	v12 =	vld [tilespmem:s9+$0xB180];
	v4 =	vmul.f32 $2.771281240e+01, v4;
	v15 =	vmul.f32 $2.771281240e+01, v15;
	v11 =	vadd.f32 v11, v7  }
0x186: {  	v17 =	vld [tilespmem:s9+$0x6A00];
	v5 =	vadd.f32 v5, v7;
	v13 =	vadd.f32 v13, v7  }
0x187: {  	v4 =	vadd.f32 v4, v7;
	v7 =	vmul.f32 $2.771281240e+01, v14;
	v14 =	vadd.f32 v15, v9;
	v15 =	vld [tilespmem:s9+$0x6A80];
	[tilespmem:s9+$0x12900] =	vst v11  }
0x188: {  	v11 =	vld [tilespmem:s9+$0x8200];
	[tilespmem:s9+$0x14100] =	vst v5  }
0x189: {  	v5 =	vld [tilespmem:s9+$0x9A00];
	[tilespmem:s9+$0x17100] =	vst v4;
	v4 =	vmul.f32 $2.771281240e+01, v16;
	v7 =	vadd.f32 v7, v9  }
0x18a: {  	[tilespmem:s9+$0x15900] =	vst v13;
	v13 =	vld [tilespmem:s9+$0xB200];
	v12 =	vmul.f32 $2.771281240e+01, v12  }
0x18b: {  	v16 =	vld [tilespmem:s9+$0x9A80];
	v4 =	vadd.f32 v4, v9;
	[tilespmem:s9+$0x14180] =	vst v7;
	v7 =	vmul.f32 $2.771281240e+01, v17  }
0x18c: {  	[tilespmem:s9+$0x12980] =	vst v14;
	v14 =	vld [tilespmem:s9+$0x8280];
	v9 =	vadd.f32 v12, v9;
	v15 =	vmul.f32 $2.771281240e+01, v15  }
0x18d: {  	v12 =	vld [tilespmem:s9+$0xB280];
	[tilespmem:s9+$0x15980] =	vst v4;
	v7 =	vadd.f32 v7, v10;
	v4 =	vmul.f32 $2.771281240e+01, v11  }
0x18e: {  	v25 =	vld [tilespmem:s18+$0x9800];
	[tilespmem:s9+$0x17180] =	vst v9;
	v5 =	vmul.f32 $2.771281240e+01, v5;
	v15 =	vadd.f32 v15, v8  }
0x18f: {  	v17 =	vld [tilespmem:s9+$0x9B00];
	v13 =	vmul.f32 $2.771281240e+01, v13;
	[tilespmem:s9+$0x12A00] =	vst v7;
	v4 =	vadd.f32 v4, v10  }
0x190: {  	v9 =	vld [tilespmem:s9+$0x6B00];
	v16 =	vmul.f32 $2.771281240e+01, v16;
	v5 =	vadd.f32 v5, v10;
	[tilespmem:s9+$0x12A80] =	vst v15  }
0x191: {  	v11 =	vld [tilespmem:s9+$0x8300];
	v14 =	vmul.f32 $2.771281240e+01, v14;
	v10 =	vadd.f32 v13, v10;
	[tilespmem:s9+$0x14200] =	vst v4  }
0x192: {  	v18 =	vld [tilespmem:s9+$0xB300];
	v16 =	vadd.f32 v16, v8;
	v12 =	vmul.f32 $2.771281240e+01, v12;
	[tilespmem:s9+$0x15A00] =	vst v5  }
0x193: {  	v13 =	vld [tilespmem:s18+$0x6880];
	v14 =	vadd.f32 v14, v8;
	[tilespmem:s9+$0x17200] =	vst v10;
	v10 =	vmul.f32 $2.771281240e+01, v24  }
0x194: {  	v15 =	vld [tilespmem:s18+$0xB080];
	[tilespmem:s9+$0x15A80] =	vst v16;
	v16 =	vmul.f32 $2.771281240e+01, v17;
	v8 =	vadd.f32 v12, v8  }
0x195: {  	v26 =	vld [tilespmem:s18+$0xB000];
	[tilespmem:s9+$0x14280] =	vst v14;
	v9 =	vmul.f32 $2.771281240e+01, v9;
	v10 =	vadd.f32 v10, v19  }
0x196: {  	v14 =	vld [tilespmem:s18+$0x6900];
	v11 =	vmul.f32 $2.771281240e+01, v11;
	v16 =	vadd.f32 v16, v6;
	[tilespmem:s9+$0x17280] =	vst v8  }
0x197: {  	v17 =	vmul.f32 $2.771281240e+01, v18;
	v12 =	vld [tilespmem:s18+$0x8100];
	v9 =	vadd.f32 v9, v6;
	[tilespmem:s18+$0x14000] =	vst v10  }
0x198: {  	v62 =	vld [tilespmem:s18+$0x9880];
	v13 =	vmul.f32 $2.771281240e+01, v13;
	v11 =	vadd.f32 v11, v6;
	[tilespmem:s9+$0x15B00] =	vst v16  }
0x199: {  	v27 =	vld [tilespmem:s18+$0x8080];
	v15 =	vmul.f32 $2.771281240e+01, v15;
	v6 =	vadd.f32 v17, v6;
	[tilespmem:s9+$0x12B00] =	vst v9  }
0x19a: {  	s7 =	sor.u32 s7, s7;
	v8 =	vld [tilespmem:s18+$0x9900];
	v10 =	vmul.f32 $2.771281240e+01, v26;
	v13 =	vadd.f32 v13, v20;
	[tilespmem:s9+$0x14300] =	vst v11  }
0x19b: {  	s7 =	sor.u32 $0x380, s7;
	v7 =	vld [tilespmem:s18+$0x1A200];
	v15 =	vadd.f32 v15, v20;
	[tilespmem:s9+$0x17300] =	vst v6  }
0x19c: {  	v6 =	vmul.f32 $2.771281240e+01, v14;
	v10 =	vadd.f32 v10, v19;
	v14 =	vld [tilespmem:s7+$0x6800];
	v12 =	vmul.f32 $2.771281240e+01, v12;
	[tilespmem:s18+$0x12880] =	vst v13  }
0x19d: {  	v5 =	vld [tilespmem:s18+$0x1A280];
	v13 =	vmul.f32 $2.771281240e+01, v62;
	[tilespmem:s18+$0x17080] =	vst v15  }
0x19e: {  	v15 =	vadd.f32 v6, v21;
	v6 =	vld [tilespmem:s7+$0x1A000];
	[tilespmem:s18+$0x17000] =	vst v10;
	v10 =	vmul.f32 $2.771281240e+01, v27;
	v12 =	vadd.f32 v12, v21  }
0x19f: {  	v4 =	vld [tilespmem:s18+$0x1A300];
	v8 =	vmul.f32 $2.771281240e+01, v8;
	v13 =	vadd.f32 v13, v20  }
0x1a0: {  	v11 =	vld [tilespmem:s18+$0x6980];
	v10 =	vadd.f32 v10, v20;
	[tilespmem:s18+$0x14100] =	vst v12  }
0x1a1: {  	v9 =	vld [tilespmem:s18+$0xB100];
	v8 =	vadd.f32 v8, v21;
	[tilespmem:s18+$0x15880] =	vst v13;
	v12 =	vmul.f32 $2.771281240e+01, v14  }
0x1a2: {  	v23 =	vmul.f32 $2.771281240e+01, v23;
	v13 =	vld [tilespmem:s18+$0x9980];
	[tilespmem:s18+$0x14080] =	vst v10  }
0x1a3: {  	v10 =	vld [tilespmem:s18+$0x8180];
	[tilespmem:s18+$0x15900] =	vst v8;
	v8 =	vadd.f32 v12, v6  }
0x1a4: {  	v63 =	vmul.f32 $2.771281240e+01, v25;
	v23 =	vadd.f32 v23, v19;
	v16 =	vld [tilespmem:s18+$0xB180]  }
0x1a5: {  	v17 =	vld [tilespmem:s18+$0x6A00];
	v11 =	vmul.f32 $2.771281240e+01, v11;
	[tilespmem:s7+$0x12800] =	vst v8  }
0x1a6: {  	[tilespmem:s18+$0x12800] =	vst v23;
	v23 =	vadd.f32 v63, v19;
	v9 =	vmul.f32 $2.771281240e+01, v9;
	v8 =	vld [tilespmem:s9+$0xB380]  }
0x1a7: {  	[tilespmem:s18+$0x12900] =	vst v15;
	v15 =	vld [tilespmem:s18+$0x8200];
	v11 =	vadd.f32 v11, v22;
	v13 =	vmul.f32 $2.771281240e+01, v13  }
0x1a8: {  	[tilespmem:s18+$0x15800] =	vst v23;
	v14 =	vld [tilespmem:s18+$0x9A00];
	v9 =	vadd.f32 v9, v21;
	v10 =	vmul.f32 $2.771281240e+01, v10  }
0x1a9: {  	v12 =	vld [tilespmem:s18+$0xB200];
	[tilespmem:s18+$0x12980] =	vst v11;
	v11 =	vmul.f32 $2.771281240e+01, v16;
	v13 =	vadd.f32 v13, v22  }
0x1aa: {  	v18 =	vld [tilespmem:s18+$0x6A80];
	[tilespmem:s18+$0x17100] =	vst v9;
	v16 =	vmul.f32 $2.771281240e+01, v17;
	v10 =	vadd.f32 v10, v22  }
0x1ab: {  	v9 =	vld [tilespmem:s18+$0x8280];
	v11 =	vadd.f32 v11, v22;
	[tilespmem:s18+$0x15980] =	vst v13;
	v13 =	vmul.f32 $2.771281240e+01, v8  }
0x1ac: {  	v15 =	vmul.f32 $2.771281240e+01, v15;
	v16 =	vadd.f32 v16, v7;
	[tilespmem:s18+$0x14180] =	vst v10;
	v10 =	vld [tilespmem:s18+$0x9A80]  }
0x1ad: {  	v14 =	vmul.f32 $2.771281240e+01, v14;
	[tilespmem:s18+$0x17180] =	vst v11;
	v8 =	vld [tilespmem:s18+$0xB280];
	v17 =	vadd.f32 v13, v6  }
0x1ae: {  	s17 =	sor.u32 $0x8, s17;
	v11 =	vld [tilespmem:s18+$0x6B00];
	[tilespmem:s18+$0x12A00] =	vst v16;
	v16 =	vmul.f32 $2.771281240e+01, v12;
	v13 =	vadd.f32 v15, v7  }
0x1af: {  	s21 =	simm.s32 $0x20;
	s20 =	simm.s32 $0x80;
	s7 =	sor.u32 s6, s17;
	v14 =	vadd.f32 v14, v7;
	v12 =	vld [tilespmem:s18+$0x8300];
	v15 =	vmul.f32 $2.771281240e+01, v18;
	[tilespmem:s9+$0x17380] =	vst v17  }
.LBB2_5:
0x1b0: {  	p1 =	sne.s32 s21, $0x2F0;
	[tilespmem:s18+$0x14200] =	vst v13;
	v7 =	vadd.f32 v16, v7;
	v9 =	vmul.f32 $2.771281240e+01, v9;
	v13 =	vld [tilespmem:s18+$0x9B00]  }
0x1b1: {  	s0 =	sadd.s32 $0x80, s0;
	[tilespmem:s18+$0x15A00] =	vst v14;
	v14 =	vadd.f32 v15, v5;
	v10 =	vmul.f32 $2.771281240e+01, v10;
	v15 =	vld [tilespmem:s18+$0xB300]  }
0x1b2: {  	s22 =	sand.u32 $0x70, s21;
	s23 =	sand.u32 $0x1C00, s0;
	[tilespmem:s18+$0x17200] =	vst v7;
	v7 =	vadd.f32 v9, v5;
	v8 =	vmul.f32 $2.771281240e+01, v8;
	v9 =	vld [tilespmem:s9+$0x8380]  }
0x1b3: {  	s22 =	sor.u32 s22, s23;
	[tilespmem:s18+$0x12A80] =	vst v14;
	v10 =	vadd.f32 v10, v5;
	v11 =	vmul.f32 $2.771281240e+01, v11;
	v14 =	vld [tilespmem:s9+$0x9B80]  }
0x1b4: {  	v16 =	vld [tilespmem:s22+$0x1A000];
	[tilespmem:s18+$0x14280] =	vst v7;
	v5 =	vadd.f32 v8, v5;
	v7 =	vmul.f32 $2.771281240e+01, v12  }
0x1b5: {  	v8 =	vld [tilespmem:s22+$0x1A080];
	[tilespmem:s18+$0x15A80] =	vst v10;
	v10 =	vadd.f32 v11, v4;
	v11 =	vmul.f32 $2.771281240e+01, v13  }
0x1b6: {  	v12 =	vld [tilespmem:s22+$0x1A100];
	[tilespmem:s18+$0x17280] =	vst v5;
	v5 =	vadd.f32 v7, v4;
	v13 =	vmul.f32 $2.771281240e+01, v15  }
0x1b7: {  	v15 =	vld [tilespmem:s22+$0x1A180];
	[tilespmem:s18+$0x12B00] =	vst v10;
	v10 =	vadd.f32 v11, v4;
	v9 =	vmul.f32 $2.771281240e+01, v9  }
0x1b8: {  	v7 =	vld [tilespmem:s22+$0x1A200];
	[tilespmem:s18+$0x14300] =	vst v5;
	v11 =	vadd.f32 v13, v4;
	v13 =	vmul.f32 $2.771281240e+01, v14  }
0x1b9: {  	s23 =	sor.u32 s20, s31;
	s20 =	smov.u32 s0;
	s31 =	smov.u32 s21;
	v5 =	vld [tilespmem:s22+$0x1A280];
	[tilespmem:s18+$0x15B00] =	vst v10;
	v9 =	vadd.f32 v9, v6  }
0x1ba: {  	s23 =	sor.u32 $0x380, s23;
	v4 =	vld [tilespmem:s22+$0x1A300];
	[tilespmem:s18+$0x17300] =	vst v11;
	v6 =	vadd.f32 v13, v6  }
0x1bb: {  	v10 =	vld [tilespmem:s23+$0x6800];
	[tilespmem:s9+$0x14380] =	vst v9  }
0x1bc: {  	v9 =	vld [tilespmem:s22+$0x6800];
	[tilespmem:s9+$0x15B80] =	vst v6;
	s9 =	smov.u32 s18;
	s18 =	smov.u32 s22  }
0x1bd: {  	v6 =	vld [tilespmem:s23+$0x1A000]  }
0x1be: {  	v11 =	vld [tilespmem:s18+$0x8000]  }
0x1bf: {  	v13 =	vld [tilespmem:s18+$0x9800]  }
0x1c0: {  	v14 =	vld [tilespmem:s18+$0xB000];
	v10 =	vmul.f32 $2.771281240e+01, v10  }
0x1c1: {  	v17 =	vld [tilespmem:s18+$0x6880]  }
0x1c2: {  	v9 =	vmul.f32 $2.771281240e+01, v9;
	v18 =	vld [tilespmem:s18+$0x8080];
	v10 =	vadd.f32 v10, v6  }
0x1c3: {  	v11 =	vmul.f32 $2.771281240e+01, v11;
	v19 =	vld [tilespmem:s18+$0x9880]  }
0x1c4: {  	v9 =	vadd.f32 v9, v16;
	v13 =	vmul.f32 $2.771281240e+01, v13;
	v20 =	vld [tilespmem:s18+$0xB080];
	[tilespmem:s23+$0x12800] =	vst v10  }
0x1c5: {  	v10 =	vadd.f32 v11, v16;
	v11 =	vmul.f32 $2.771281240e+01, v14;
	v14 =	vld [tilespmem:s9+$0xB380]  }
0x1c6: {  	[tilespmem:s18+$0x12800] =	vst v9;
	v9 =	vadd.f32 v13, v16;
	v13 =	vmul.f32 $2.771281240e+01, v17;
	v17 =	vld [tilespmem:s18+$0x6900]  }
0x1c7: {  	[tilespmem:s18+$0x14000] =	vst v10;
	v10 =	vadd.f32 v11, v16;
	v11 =	vmul.f32 $2.771281240e+01, v18;
	v16 =	vld [tilespmem:s18+$0x8100]  }
0x1c8: {  	[tilespmem:s18+$0x15800] =	vst v9;
	v9 =	vadd.f32 v13, v8;
	v13 =	vmul.f32 $2.771281240e+01, v19;
	v18 =	vld [tilespmem:s18+$0x9900]  }
0x1c9: {  	[tilespmem:s18+$0x17000] =	vst v10;
	v10 =	vadd.f32 v11, v8;
	v11 =	vmul.f32 $2.771281240e+01, v20;
	v19 =	vld [tilespmem:s18+$0xB100]  }
0x1ca: {  	[tilespmem:s18+$0x12880] =	vst v9;
	v9 =	vadd.f32 v13, v8;
	v13 =	vld [tilespmem:s18+$0x6980];
	v14 =	vmul.f32 $2.771281240e+01, v14  }
0x1cb: {  	[tilespmem:s18+$0x14080] =	vst v10;
	v8 =	vadd.f32 v11, v8;
	v10 =	vmul.f32 $2.771281240e+01, v17;
	v11 =	vld [tilespmem:s18+$0x8180]  }
0x1cc: {  	[tilespmem:s18+$0x15880] =	vst v9;
	v9 =	vmul.f32 $2.771281240e+01, v16;
	v16 =	vld [tilespmem:s18+$0x9980];
	v14 =	vadd.f32 v14, v6  }
0x1cd: {  	[tilespmem:s18+$0x17080] =	vst v8;
	v8 =	vadd.f32 v10, v12;
	v10 =	vmul.f32 $2.771281240e+01, v18;
	v17 =	vld [tilespmem:s18+$0xB180]  }
0x1ce: {  	v9 =	vadd.f32 v9, v12;
	v18 =	vmul.f32 $2.771281240e+01, v19;
	v19 =	vld [tilespmem:s18+$0x6A00];
	[tilespmem:s9+$0x17380] =	vst v14  }
0x1cf: {  	[tilespmem:s18+$0x12900] =	vst v8;
	v8 =	vadd.f32 v10, v12;
	v10 =	vmul.f32 $2.771281240e+01, v13;
	v13 =	vld [tilespmem:s18+$0x8200]  }
0x1d0: {  	[tilespmem:s18+$0x14100] =	vst v9;
	v9 =	vadd.f32 v18, v12;
	v11 =	vmul.f32 $2.771281240e+01, v11;
	v12 =	vld [tilespmem:s18+$0x9A00]  }
0x1d1: {  	[tilespmem:s18+$0x15900] =	vst v8;
	v8 =	vadd.f32 v10, v15;
	v10 =	vmul.f32 $2.771281240e+01, v16;
	v14 =	vld [tilespmem:s18+$0xB200]  }
0x1d2: {  	[tilespmem:s18+$0x17100] =	vst v9;
	v11 =	vadd.f32 v11, v15;
	v16 =	vmul.f32 $2.771281240e+01, v17;
	v17 =	vld [tilespmem:s18+$0x6A80]  }
.Ltmp1:
0x1d3: {  	[tilespmem:s18+$0x12980] =	vst v8;
	v8 =	vadd.f32 v10, v15;
	v18 =	vmul.f32 $2.771281240e+01, v19;
	v9 =	vld [tilespmem:s18+$0x8280];
	(pc) =	sbr.rel @p1 .LBB2_5-.Ltmp1, $4  }
0x1d4: {  	[tilespmem:s18+$0x14180] =	vst v11;
	v11 =	vadd.f32 v16, v15;
	v13 =	vmul.f32 $2.771281240e+01, v13;
	v10 =	vld [tilespmem:s18+$0x9A80]  }
0x1d5: {  	[tilespmem:s18+$0x15980] =	vst v8;
	v15 =	vadd.f32 v18, v7;
	v12 =	vmul.f32 $2.771281240e+01, v12;
	v8 =	vld [tilespmem:s18+$0xB280]  }
0x1d6: {  	[tilespmem:s18+$0x17180] =	vst v11;
	v13 =	vadd.f32 v13, v7;
	v16 =	vmul.f32 $2.771281240e+01, v14;
	v11 =	vld [tilespmem:s18+$0x6B00]  }
0x1d7: {  	s21 =	sadd.s32 $0x10, s21;
	[tilespmem:s18+$0x12A00] =	vst v15;
	v14 =	vadd.f32 v12, v7;
	v15 =	vmul.f32 $2.771281240e+01, v17;
	v12 =	vld [tilespmem:s18+$0x8300]  }
0x1d8: {  	[tilespmem:s18+$0x14200] =	vst v13;
	v48 =	vld [tilespmem:s18+$0x9B00];
	v7 =	vadd.f32 v16, v7;
	v9 =	vmul.f32 $2.771281240e+01, v9  }
0x1d9: {  	v50 =	vld [tilespmem:s18+$0xB300];
	[tilespmem:s18+$0x15A00] =	vst v14;
	v49 =	vadd.f32 v15, v5;
	v10 =	vmul.f32 $2.771281240e+01, v10  }
0x1da: {  	[tilespmem:s18+$0x17200] =	vst v7;
	v51 =	vadd.f32 v9, v5;
	v8 =	vmul.f32 $2.771281240e+01, v8  }
0x1db: {  	[tilespmem:s18+$0x12A80] =	vst v49;
	v52 =	vadd.f32 v10, v5;
	v53 =	vmul.f32 $2.771281240e+01, v11  }
0x1dc: {  	[tilespmem:s18+$0x14280] =	vst v51;
	v5 =	vadd.f32 v8, v5;
	v54 =	vmul.f32 $2.771281240e+01, v12  }
0x1dd: {  	[tilespmem:s18+$0x15A80] =	vst v52;
	v55 =	vadd.f32 v53, v4;
	v56 =	vmul.f32 $2.771281240e+01, v48  }
0x1de: {  	v57 =	vmul.f32 $2.771281240e+01, v50;
	[tilespmem:s18+$0x17280] =	vst v5;
	v5 =	vadd.f32 v54, v4  }
0x1df: {  	[tilespmem:s18+$0x12B00] =	vst v55;
	v58 =	vadd.f32 v56, v4  }
0x1e0: {  	v4 =	vadd.f32 v57, v4;
	[tilespmem:s18+$0x14300] =	vst v5  }
0x1e1: {  	s0 =	sor.u32 s20, s31;
	[tilespmem:s18+$0x15B00] =	vst v58  }
0x1e2: {  	s0 =	sor.u32 $0x380, s0;
	[tilespmem:s18+$0x17300] =	vst v4  }
0x1e3: {  	v4 =	vld [tilespmem:s0+$0x6800];
	_ =	sdelay $0x1  }
0x1e4: {  	v5 =	vld [tilespmem:s0+$0x1A000];
	_ =	sdelay $0x2  }
0x1e5: {  	v4 =	vmul.f32 $2.771281240e+01, v4;
	_ =	sdelay $0x1  }
0x1e6: {  	v4 =	vadd.f32 v4, v5;
	_ =	sdelay $0x1  }
0x1e7: {  	[tilespmem:s0+$0x12800] =	vst v4  }
0x1e8: {  	v4 =	vld [tilespmem:s18+$0xB380];
	_ =	sdelay $0x4  }
0x1e9: {  	v4 =	vmul.f32 $2.771281240e+01, v4;
	_ =	sdelay $0x1  }
0x1ea: {  	v59 =	vld [tilespmem:s9+$0x8380];
	v4 =	vadd.f32 v4, v5  }
0x1eb: {  	v60 =	vld [tilespmem:s9+$0x9B80]  }
0x1ec: {  	[tilespmem:s18+$0x17380] =	vst v4;
	v4 =	vld [tilespmem:s18+$0x8380]  }
0x1ed: {  	v61 =	vld [tilespmem:s18+$0x9B80];
	_ =	sdelay $0x1  }
0x1ee: {  	v7 =	vmul.f32 $2.771281240e+01, v59  }
0x1ef: {  	v8 =	vmul.f32 $2.771281240e+01, v60  }
0x1f0: {  	v7 =	vadd.f32 v7, v6;
	v4 =	vmul.f32 $2.771281240e+01, v4  }
0x1f1: {  	v62 =	vadd.f32 v8, v6;
	v63 =	vmul.f32 $2.771281240e+01, v61  }
0x1f2: {  	[tilespmem:s9+$0x14380] =	vst v7;
	v4 =	vadd.f32 v4, v5  }
0x1f3: {  	[tilespmem:s9+$0x15B80] =	vst v62;
	s0 =	sadd.s32 @!p0 $0x3, s12;
	v5 =	vadd.f32 v63, v5  }
0x1f4: {  	s9 =	sshll.u32 @!p0 s0, $0x7;
	[tilespmem:s18+$0x14380] =	vst v4  }
0x1f5: {  	s9 =	sand.u32 @!p0 $0x3FFFFF80, s9;
	[tilespmem:s18+$0x15B80] =	vst v5  }
0x1f6: {  	v4 =	vld @!p0 [tilespmem:s9+$0x0];
	_ =	sdelay $0x4  }
0x1f7: {  	v5 =	vshrl.u32 @!p0 v4, $0x3  }
0x1f8: {  	v5 =	vmul.u32 @!p0 $0x30, v5  }
0x1f9: {  	v6 =	vlaneseq.u32 @!p0;
	v4 =	vand.u32 @!p0 $0x7, v4  }
0x1fa: {  	v7 =	vshrl.u32 @!p0 v6, $0x3;
	v4 =	vor.u32 @!p0 v4, v5;
	v5 =	vand.u32 @!p0 $0x7, v6  }
0x1fb: {  	v7 =	vmul.u32 @!p0 $0x8, v7;
	v8 =	vperm.xlane @!p0 v4, v5;
	_ =	sdelay $0x1  }
0x1fc: {  	v8 =	vadd.s32 @!p0 v7, v8;
	_ =	sdelay $0x2  }
0x1fd: {  	v6 =	vor.u32 @!p0 $0x8, v6  }
0x1fe: {  	s12 =	simm.s32 @!p0 $0x0;
	s18 =	simm.s32 @!p0 $0x6800;
	v4 =	vperm.xlane @!p0 v4, v6  }
0x1ff: {  	[tilespmem:s18], [sflag:$0x2] =	stream.indirect_vreg.gather @!p0 [hbm4b:s1+s12], $0x80, v8, vm1, $0xb8;
	[tilespmem:$0x1B800] =	vst v63  }
0x200: {  	v4 =	vadd.s32 @!p0 v7, v4;
	s18 =	simm.s32 @!p0 $0x7000  }
0x201: {  	[tilespmem:s18], [sflag:$0x2] =	stream.indirect_vreg.gather @!p0 [hbm4b:s8+s12], $0x80, v8, vm1, $0xb8;
	[tilespmem:$0x1B800] =	vst v63  }
0x202: {  	s18 =	simm.s32 @!p0 $0x7800  }
0x203: {  	[tilespmem:s18], [sflag:$0x2] =	stream.indirect_vreg.gather @!p0 [hbm4b:s10+s12], $0x80, v8, vm1, $0xb8;
	[tilespmem:$0x1B800] =	vst v63  }
0x204: {  	s18 =	simm.s32 @!p0 $0x8000  }
0x205: {  	[tilespmem:s18], [sflag:$0x2] =	stream.indirect_vreg.gather @!p0 [hbm4b:s1+s12], $0x80, v4, vm1, $0xb8;
	[tilespmem:$0x1B800] =	vst v63  }
0x206: {  	s18 =	simm.s32 @!p0 $0x8800  }
0x207: {  	[tilespmem:s18], [sflag:$0x2] =	stream.indirect_vreg.gather @!p0 [hbm4b:s8+s12], $0x80, v4, vm1, $0xb8;
	[tilespmem:$0x1B800] =	vst v63  }
0x208: {  	s18 =	simm.s32 @!p0 $0x9000  }
0x209: {  	[tilespmem:s18], [sflag:$0x2] =	stream.indirect_vreg.gather @!p0 [hbm4b:s10+s12], $0x80, v4, vm1, $0xb8;
	[tilespmem:$0x1B800] =	vst v63  }
0x20a: {  	v4 =	vld @!p0 [tilespmem:s9+$0x10];
	_ =	sdelay $0x4  }
0x20b: {  	v8 =	vshrl.u32 @!p0 v4, $0x3  }
0x20c: {  	v8 =	vmul.u32 @!p0 $0x30, v8  }
0x20d: {  	v4 =	vand.u32 @!p0 $0x7, v4  }
0x20e: {  	v4 =	vor.u32 @!p0 v4, v8  }
0x20f: {  	v5 =	vperm.xlane @!p0 v4, v5;
	_ =	sdelay $0x1  }
0x210: {  	v5 =	vadd.s32 @!p0 v7, v5;
	_ =	sdelay $0x3  }
0x211: {  	s9 =	simm.s32 @!p0 $0x9800;
	v4 =	vperm.xlane @!p0 v4, v6  }
0x212: {  	[tilespmem:s9], [sflag:$0x2] =	stream.indirect_vreg.gather @!p0 [hbm4b:s1+s12], $0x80, v5, vm1, $0xb8;
	[tilespmem:$0x1B800] =	vst v63  }
0x213: {  	v4 =	vadd.s32 @!p0 v7, v4;
	s9 =	simm.s32 @!p0 $0xA000  }
0x214: {  	[tilespmem:s9], [sflag:$0x2] =	stream.indirect_vreg.gather @!p0 [hbm4b:s8+s12], $0x80, v5, vm1, $0xb8;
	[tilespmem:$0x1B800] =	vst v63  }
0x215: {  	s9 =	simm.s32 @!p0 $0xA800  }
0x216: {  	[tilespmem:s9], [sflag:$0x2] =	stream.indirect_vreg.gather @!p0 [hbm4b:s10+s12], $0x80, v5, vm1, $0xb8;
	[tilespmem:$0x1B800] =	vst v63  }
0x217: {  	s9 =	simm.s32 @!p0 $0xB000  }
0x218: {  	[tilespmem:s9], [sflag:$0x2] =	stream.indirect_vreg.gather @!p0 [hbm4b:s1+s12], $0x80, v4, vm1, $0xb8;
	[tilespmem:$0x1B800] =	vst v63  }
0x219: {  	s0 =	sadd.s32 @!p0 s13, s0;
	s9 =	simm.s32 @!p0 $0xB800  }
0x21a: {  	[tilespmem:s9], [sflag:$0x2] =	stream.indirect_vreg.gather @!p0 [hbm4b:s8+s12], $0x80, v4, vm1, $0xb8;
	[tilespmem:$0x1B800] =	vst v63  }
0x21b: {  	s0 =	smul.u32 @!p0 $0x300, s0;
	s9 =	simm.s32 @!p0 $0xC000  }
0x21c: {  	[tilespmem:s9], [sflag:$0x2] =	stream.indirect_vreg.gather @!p0 [hbm4b:s10+s12], $0x80, v4, vm1, $0xb8;
	[tilespmem:$0x1B800] =	vst v63  }
0x21d: {  	s20 =	sshrl.u32 s7, $0x3;
	s0 =	sadd.s32 @!p0 s2, s0;
	s9 =	simm.s32 @!p0 $0x1A000  }
0x21e: {  	[tilespmem:s9], [sflag:$0x4] =	stream.linear.gather @!p0 [hbm4b:s0+s12], $0x1800, $0x38;
	[tilespmem:$0x1B800] =	vst v63  }
0x21f: {  	s21 =	sor.u32 s14, s17;
	s0 =	smul.u32 $0x300, s20  }
0x220: {  	s7 =	sshrl.u32 s21, $0x3  }
0x221: {  	s22 =	sor.u32 s15, s17;
	s7 =	smul.u32 $0x300, s7;
	s0 =	sadd.s32 s4, s0  }
0x222: {  	[hbm4b:s0+s5] =	stream.linear.scatter [tilespmem:s26], [sflag:$0x6], $0x1800, $0x38;
	[tilespmem:$0x1B800] =	vst v63  }
0x223: {  	s23 =	sor.u32 s16, s17;
	s11 =	sadd.s32 $0x1, s11;
	s0 =	sshrl.u32 s22, $0x3  }
0x224: {  	s7 =	sadd.s32 s4, s7;
	p0 =	sne.s32 s11, $0x4;
	s0 =	smul.u32 $0x300, s0  }
0x225: {  	[hbm4b:s7+s5] =	stream.linear.scatter [tilespmem:s28], [sflag:$0x6], $0x1800, $0x38;
	[tilespmem:$0x1B800] =	vst v63  }
.Ltmp2:
0x226: {  	s7 =	sshrl.u32 s23, $0x3;
	(pc) =	sbr.rel @p0 .LBB2_2-.Ltmp2, $4  }
0x227: {  	s0 =	sadd.s32 s4, s0;
	s7 =	smul.u32 $0x300, s7  }
0x228: {  	[hbm4b:s0+s5] =	stream.linear.scatter [tilespmem:s29], [sflag:$0x6], $0x1800, $0x38;
	[tilespmem:$0x1B800] =	vst v63  }
0x229: {  	s31 =	sadd.s32 s4, s7  }
0x22a: {  	[hbm4b:s31+s5] =	stream.linear.scatter [tilespmem:s30], [sflag:$0x6], $0x1800, $0x38;
	[tilespmem:$0x1B800] =	vst v63  }
0x22b: {  	s0 =	simm.s32 $0x5  }
0x22c: {  	_ =	swait.ge [sflag:s0], $0x1800  }
0x22d: {  	[sflag:s0] =	ssyncset.done $0x0  }
0x22e: {  	[sflag:s0] =	ssyncadd.s32 $0xFFFFE800  }
0x22f: {  	_ =	swait.ge [sflag:s0], $0x1800  }
0x230: {  	[sflag:s0] =	ssyncset.done $0x0  }
0x231: {  	[sflag:s0] =	ssyncadd.s32 $0xFFFFE800  }
0x232: {  	_ =	swait.ge [sflag:s0], $0x1800  }
0x233: {  	[sflag:s0] =	ssyncset.done $0x0  }
0x234: {  	[sflag:s0] =	ssyncadd.s32 $0xFFFFE800  }
0x235: {  	_ =	swait.ge [sflag:s0], $0x1800  }
0x236: {  	[sflag:s0] =	ssyncset.done $0x0  }
0x237: {  	s7 =	simm.s32 $0x6;
	[sflag:s0] =	ssyncadd.s32 $0xFFFFE800  }
0x238: {  	_ =	swait.ge [sflag:s7], $0x1800  }
0x239: {  	[sflag:s7] =	ssyncset.done $0x0  }
0x23a: {  	[sflag:s7] =	ssyncadd.s32 $0xFFFFE800  }
0x23b: {  	_ =	swait.ge [sflag:s7], $0x1800  }
0x23c: {  	[sflag:s7] =	ssyncset.done $0x0  }
0x23d: {  	[sflag:s7] =	ssyncadd.s32 $0xFFFFE800  }
0x23e: {  	_ =	swait.ge [sflag:s7], $0x1800  }
0x23f: {  	[sflag:s7] =	ssyncset.done $0x0  }
0x240: {  	[sflag:s7] =	ssyncadd.s32 $0xFFFFE800  }
0x241: {  	_ =	swait.ge [sflag:s7], $0x1800  }
0x242: {  	s9 =	rddreg [dreg:$0xa]  }
0x243: {  	s31 =	rddreg [dreg:$0x9];
	s9 =	sadd.s32 $0x1, s9  }
0x244: {  	p0 =	sne.s32 s9, s31  }
.Ltmp3:
0x245: {  	_ = 	snop;
	(pc) =	sbr.rel @p0 .LBB2_1-.Ltmp3, $3  }
0x246: {  	_ =	sdelay $0x1  }
0x247: {  	[sflag:s7] =	ssyncset.done $0x0  }
0x248: {  	[sflag:s7] =	ssyncadd.s32 $0xFFFFE800  }
0x249: {  	_ =	sfence.sel $0x180000  }
0x24a: {  	[bflag:$0x0] =	sbarrier.arrive $0xFFFF  }
0x24b: {  	_ =	strace $0x90000047  }
0x24c: {  	s0 =	stileid.u32;
	[bflag:$0x2] =	sbarrier.arrive $0xFFFF  }
0x24d: {  	p0 =	sne.s32 s0, $0x0;
	s0 =	rddreg [dreg:$0x4]  }
0x24e: {  	s0 =	sadd.s32 @!p0 $0x100000, s0  }
0x24f: {  	[sflag:s0] =	ssyncadd.tile.s32 @!p0 $0x1;
	_ =	shalt  }
.Lfunc_end2:
_tile_overlayer_lowered:
.L_overlay_start_2:
0x250: {  	(tag) =	ssettag $0x2  }
0x251: {  	s0 =	rddreg [dreg:$0x0];
	s2 =	stileid.u32  }
0x252: {  	s1 =	rddreg [dreg:$0x1];
	p0 =	sne.s32 s2, $0x0  }
0x253: {  	s3 =	rddreg [dreg:$0x2];
	[bflag:$0x3] =	sbarrier.arrive $0xFFFF;
	s2 =	simm.s32 @!p0 $0x1C07  }
0x254: {  	[timem:s3], [sflag:s2] =	dma.local @!p0 [hbm:s0], s1  }
0x255: {  	s0 =	simm.s32 @!p0 $0x7  }
0x256: {  	_ =	swait.ge @!p0 [sflag:s0], s1  }
0x257: {  	s1 =	ssub.s32 @!p0 $0x0, s1;
	[sflag:s0] =	ssyncset.done @!p0 $0x0  }
0x258: {  	[sflag:s0] =	ssyncadd.s32 @!p0 s1  }
0x259: {  	[bflag:$0x3] =	sbarrier.arrive $0xFFFF  }
0x25a: {  	_ =	shalt  }

</sc_bundles>
